<compile_context>
chip_gen: v7x
topology: tpu7x:2x2x1
jax: 0.10.2.dev20260603
libtpu: 0.0.44.dev20260713+nightly
codegen_flags: <defaults>
</compile_context>

<pallas_src>
import functools

import jax
import jax.numpy as jnp
from jax import lax
from jax.experimental import pallas as pl
from jax.experimental.pallas import tpu as pltpu
from jax.experimental.pallas import tpu_sc as plsc

N = 100000
E = 1600000
D = 128
H = 16
C = 40

N2 = 100352
BLK = 2048
GRID = N2 // BLK

NCORES = 2
NSUB = 16
NW = NCORES * NSUB
CH = 8
RW = 392
E2 = NW * RW * 128
ROWS2 = E2 // 128

PTILE = N2 // NSUB

_mesh = plsc.VectorSubcoreMesh(core_axis_name="c", subcore_axis_name="s")


@functools.partial(
    pl.kernel,
    out_type=jax.ShapeDtypeStruct((NCORES, N2), jnp.float32),
    mesh=_mesh,
    scratch_types=[
        pltpu.VMEM((CH, 128), jnp.int32),
        pltpu.VMEM((CH, 128), jnp.float32),
        pltpu.VMEM_SHARED((N2,), jnp.float32),
        pltpu.SemaphoreType.DMA,
        pltpu.SemaphoreType.DMA,
        pltpu.SemaphoreType.DMA,
    ],
    compiler_params=pltpu.CompilerParams(needs_layout_passes=False, use_tc_tiling_on_sc=False),
)
def _deg_sc(dst2d, ew2d, zeros1, out, dbuf, wbuf, deg_sp, ls0, ls1, ssm):
    c = lax.axis_index("c")
    s = lax.axis_index("s")
    wid = c * NSUB + s
    z0 = s * PTILE
    pltpu.sync_copy(zeros1.at[pl.ds(z0, PTILE)], deg_sp.at[pl.ds(z0, PTILE)])
    plsc.subcore_barrier()

    row0 = wid * RW

    def chunk(i, carry):
        r = row0 + i * CH
        h0 = pltpu.async_copy(dst2d.at[pl.ds(r, CH)], dbuf, ls0)
        h1 = pltpu.async_copy(ew2d.at[pl.ds(r, CH)], wbuf, ls1)
        h0.wait()
        h1.wait()
        sh = [
            pltpu.async_copy(wbuf.at[j], deg_sp.at[dbuf.at[j]], ssm, add=True)
            for j in range(CH)
        ]
        for h in sh:
            h.wait()
        return carry

    lax.fori_loop(0, RW // CH, chunk, 0)
    plsc.subcore_barrier()
    pltpu.sync_copy(deg_sp.at[pl.ds(z0, PTILE)], out.at[c, pl.ds(z0, PTILE)])


@functools.partial(
    pl.kernel,
    out_type=jax.ShapeDtypeStruct((NCORES, N2, H), jnp.float32),
    mesh=_mesh,
    scratch_types=[
        pltpu.VMEM((CH, 128), jnp.int32),
        pltpu.VMEM((CH, 128), jnp.int32),
        pltpu.VMEM((CH * 128,), jnp.float32),
        pltpu.VMEM((128, H), jnp.float32),
        pltpu.VMEM((128, H), jnp.float32),
        pltpu.VMEM_SHARED((N2, H), jnp.float32),
        pltpu.SemaphoreType.DMA,
        pltpu.SemaphoreType.DMA,
        pltpu.SemaphoreType.DMA,
        pltpu.SemaphoreType.DMA,
    ],
    compiler_params=pltpu.CompilerParams(needs_layout_passes=False, use_tc_tiling_on_sc=False),
)
def _edge_sc(src2d, dst2d, ew1d, tbl, zeros2, out, sbuf, dbuf, wbuf,
             rows0, rows1, acc_sp, gs0, gs1, ss0, ss1):
    c = lax.axis_index("c")
    s = lax.axis_index("s")
    wid = c * NSUB + s
    z0 = s * PTILE
    pltpu.sync_copy(zeros2.at[pl.ds(z0, PTILE)], acc_sp.at[pl.ds(z0, PTILE)])
    plsc.subcore_barrier()

    rows = (rows0, rows1)
    gsem = (gs0, gs1)
    ssem = (ss0, ss1)
    row0 = wid * RW

    def chunk(i, carry):
        r = row0 + i * CH
        pltpu.sync_copy(src2d.at[pl.ds(r, CH)], sbuf)
        pltpu.sync_copy(dst2d.at[pl.ds(r, CH)], dbuf)
        pltpu.sync_copy(ew1d.at[pl.ds(r * 128, CH * 128)], wbuf)

        gh = [None] * CH
        sh = [None] * CH
        gh[0] = pltpu.async_copy(tbl.at[sbuf.at[0]], rows[0], gsem[0])
        for j in range(CH):
            b = j & 1
            gh[j].wait()
            if j + 1 < CH:
                if j >= 1:
                    sh[j - 1].wait()
                gh[j + 1] = pltpu.async_copy(tbl.at[sbuf.at[j + 1]],
                                             rows[1 - b], gsem[1 - b])
            rbuf = rows[b]

            @plsc.parallel_loop(0, 128, 1, unroll=8)
            def _scale_loop(e):
                w = plsc.load_gather(
                    wbuf, [jnp.full((16,), j * 128 + e, jnp.int32)]
                )
                rbuf[e] = rbuf[e] * w
            sh[j] = pltpu.async_copy(rbuf, acc_sp.at[dbuf.at[j]],
                                     ssem[b], add=True)
        sh[CH - 2].wait()
        sh[CH - 1].wait()
        return carry

    lax.fori_loop(0, RW // CH, chunk, 0)
    plsc.subcore_barrier()
    pltpu.sync_copy(acc_sp.at[pl.ds(z0, PTILE)], out.at[c, pl.ds(z0, PTILE)])


def _dense1_body(x_ref, w1_ref, b1_ref, wc_ref, deg_ref, t_ref, xc_ref):
    h = jnp.maximum(
        jnp.dot(x_ref[...], w1_ref[...], preferred_element_type=jnp.float32)
        + b1_ref[...],
        0.0,
    )
    xc = jnp.dot(h, wc_ref[...], preferred_element_type=jnp.float32)
    deg = deg_ref[0, :] + deg_ref[1, :] + 1.0
    pos = deg > 0.0
    dis = jnp.where(pos, lax.rsqrt(jnp.where(pos, deg, 1.0)), 0.0)
    xc_ref[...] = xc
    t_ref[...] = dis[:, None] * xc


def _dense1(x2, W1, b1, Wc, degp):
    return pl.pallas_call(
        _dense1_body,
        grid=(GRID,),
        in_specs=[
            pl.BlockSpec((BLK, D), lambda i: (i, 0)),
            pl.BlockSpec((D, H), lambda i: (0, 0)),
            pl.BlockSpec((1, H), lambda i: (0, 0)),
            pl.BlockSpec((H, H), lambda i: (0, 0)),
            pl.BlockSpec((NCORES, BLK), lambda i: (0, i)),
        ],
        out_specs=[
            pl.BlockSpec((BLK, H), lambda i: (i, 0)),
            pl.BlockSpec((BLK, H), lambda i: (i, 0)),
        ],
        out_shape=[
            jax.ShapeDtypeStruct((N2, H), jnp.float32),
            jax.ShapeDtypeStruct((N2, H), jnp.float32),
        ],
    )(x2, W1, b1.reshape(1, H), Wc, degp)


def _final_body(acc_ref, xc_ref, deg_ref, bc_ref, w2_ref, b2_ref, out_ref):
    acc = acc_ref[0] + acc_ref[1]
    deg = deg_ref[0, :] + deg_ref[1, :] + 1.0
    pos = deg > 0.0
    safe = jnp.where(pos, deg, 1.0)
    dis = jnp.where(pos, lax.rsqrt(safe), 0.0)
    inv = jnp.where(pos, 1.0 / safe, 0.0)
    g = jnp.maximum(
        dis[:, None] * acc + inv[:, None] * xc_ref[...] + bc_ref[...], 0.0
    )
    out_ref[...] = (
        jnp.dot(g, w2_ref[...], preferred_element_type=jnp.float32) + b2_ref[...]
    )


def _final(accp, xc, degp, bc, W2, b2):
    return pl.pallas_call(
        _final_body,
        grid=(GRID,),
        in_specs=[
            pl.BlockSpec((NCORES, BLK, H), lambda i: (0, i, 0)),
            pl.BlockSpec((BLK, H), lambda i: (i, 0)),
            pl.BlockSpec((NCORES, BLK), lambda i: (0, i)),
            pl.BlockSpec((1, H), lambda i: (0, 0)),
            pl.BlockSpec((H, C), lambda i: (0, 0)),
            pl.BlockSpec((1, C), lambda i: (0, 0)),
        ],
        out_specs=pl.BlockSpec((BLK, C), lambda i: (i, 0)),
        out_shape=jax.ShapeDtypeStruct((N, C), jnp.float32),
    )(accp, xc, degp, bc.reshape(1, H), W2, b2.reshape(1, C))


def kernel(x, edge_index, edge_weight, W1, b1, Wc, bc, W2, b2):
    src = edge_index[0]
    dst = edge_index[1]

    pad = E2 - E
    fill = (jnp.arange(pad, dtype=jnp.int32) * 97) % N
    src_p = jnp.concatenate([src, fill]).reshape(ROWS2, 128)
    dst_p = jnp.concatenate([dst, fill]).reshape(ROWS2, 128)
    ew_flat = jnp.concatenate([edge_weight, jnp.zeros((pad,), jnp.float32)])
    ew_p = ew_flat.reshape(ROWS2, 128)

    zeros1 = jnp.zeros((N2,), jnp.float32)
    zeros2 = jnp.zeros((N2, H), jnp.float32)

    degp = _deg_sc(dst_p, ew_p, zeros1)
    tbl, xc = _dense1(x, W1, b1, Wc, degp)
    accp = _edge_sc(src_p, dst_p, ew_flat, tbl, zeros2)
    return _final(accp, xc, degp, bc, W2, b2)

# --- scband reference (transcript-rebuilt; emitter-appended) ---
"""Pipeline reference for scband-gcn-14671608283779 (READ-ONLY COPY).

The authoritative reference and input builder live on the scoring server;
editing this copy changes nothing except your own understanding.
"""

import jax, jax.numpy as jnp
import numpy as np

N = 100000
E = 1600000
D = 128
H = 16
C = 40


def _gcn_conv(x, src, dst, ew, W, b):
    # PyG GCNConv: linear transform, add self-loops (weight 1), symmetric normalization, scatter-add
    x = x @ W
    loop = jnp.arange(N, dtype=src.dtype)
    src2 = jnp.concatenate([src, loop])
    dst2 = jnp.concatenate([dst, loop])
    ew2 = jnp.concatenate([ew, jnp.ones((N,), dtype=ew.dtype)])
    deg = jax.ops.segment_sum(ew2, dst2, num_segments=N)
    safe = jnp.where(deg > 0, deg, 1.0)
    dis = jnp.where(deg > 0, jax.lax.rsqrt(safe), 0.0)
    norm = dis[src2] * ew2 * dis[dst2]
    msg = norm[:, None] * x[src2]
    out = jax.ops.segment_sum(msg, dst2, num_segments=N)
    return out + b


def setup_inputs(seed: int = 0):
    key = jax.random.key(seed)
    ks = jax.random.split(key, 9)
    x = jax.random.normal(ks[0], (N, D), dtype=jnp.float32)
    edge_index = jax.random.randint(ks[1], (2, E), 0, N, dtype=jnp.int32)
    edge_weight = jax.random.uniform(ks[2], (E,), dtype=jnp.float32)
    W1 = jax.random.normal(ks[3], (D, H), dtype=jnp.float32) / np.sqrt(D)
    b1 = jnp.zeros((H,), jnp.float32)
    Wc = jax.random.normal(ks[4], (H, H), dtype=jnp.float32) / np.sqrt(H)
    bc = jnp.zeros((H,), jnp.float32)
    W2 = jax.random.normal(ks[5], (H, C), dtype=jnp.float32) / np.sqrt(H)
    b2 = jnp.zeros((C,), jnp.float32)
    return {"x": x, "edge_index": edge_index, "edge_weight": edge_weight,
            "W1": W1, "b1": b1, "Wc": Wc, "bc": bc, "W2": W2, "b2": b2}


def reference(x, edge_index, edge_weight, W1, b1, Wc, bc, W2, b2):
    src, dst = edge_index[0], edge_index[1]
    h = jax.nn.relu(x @ W1 + b1)      # first_lin + relu
    # F.dropout is identity in eval mode
    h = jax.nn.relu(_gcn_conv(h, src, dst, edge_weight, Wc, bc))  # single hidden GCNConv (num_layers=2)
    # F.dropout identity in eval mode
    out = h @ W2 + b2                  # lin2
    return out

if __name__ == "__main__":
    import jax
    _d = setup_inputs()
    print(jax.jit(kernel)(*tuple(_d.values())))

</pallas_src>

<mosaic_0001>
#map = affine_map<(d0, d1) -> (0, 0)>
#map1 = affine_map<(d0, d1) -> (0)>
module attributes {stable_mosaic.version = 14 : i64} {
  func.func @_deg_sc(%arg0: i32, %arg1: i32, %arg2: memref<12544x128xi32, #tpu.memory_space<hbm>>, %arg3: memref<12544x128xf32, #tpu.memory_space<hbm>>, %arg4: memref<100352xf32, #tpu.memory_space<hbm>>, %arg5: memref<2x100352xf32, #tpu.memory_space<hbm>>, %arg6: memref<8x128xi32, #tpu.memory_space<vmem>>, %arg7: memref<8x128xf32, #tpu.memory_space<vmem>>, %arg8: memref<100352xf32, #tpu.memory_space<vmem_shared>>, %arg9: memref<!tpu.dma_semaphore, #tpu.memory_space<semaphore_mem>>, %arg10: memref<!tpu.dma_semaphore, #tpu.memory_space<semaphore_mem>>, %arg11: memref<!tpu.dma_semaphore, #tpu.memory_space<semaphore_mem>>) attributes {dimension_semantics = [#tpu.dimension_semantics<core_parallel>, #tpu.dimension_semantics<subcore_parallel>], iteration_bounds = array<i64: 2, 16>, scalar_prefetch = 0 : i64, scratch_operands = 6 : i64, tpu.core_type = #tpu.core_type<sc_vector_subcore>, window_params = [{transform_indices = #map}, {transform_indices = #map}, {transform_indices = #map1}, {transform_indices = #map}]} {
    %mul3A = arith.constant 16 : i32
    %mul3A_0 = arith.muli %arg0, %mul3A : i32
    %add3A = arith.addi %mul3A_0, %arg1 : i32
    %mul3A_1 = arith.constant 6272 : i32
    %mul3A_2 = arith.muli %arg1, %mul3A_1 : i32
    "tpu.region"() ({
      %run_scoped3A = tpu.sem_alloc : memref<!tpu.dma_semaphore, #tpu.memory_space<semaphore_mem>>
      %dma_start3A = tpu.memref_slice %arg8[%mul3A_2] : memref<100352xf32, #tpu.memory_space<vmem_shared>> -> memref<6272xf32, #tpu.memory_space<vmem_shared>>
      %dma_start3A_11 = tpu.memref_slice %arg4[%mul3A_2] : memref<100352xf32, #tpu.memory_space<hbm>> -> memref<6272xf32, #tpu.memory_space<hbm>>
      tpu.enqueue_dma source(%dma_start3A_11 : memref<6272xf32, #tpu.memory_space<hbm>>) target(%dma_start3A : memref<6272xf32, #tpu.memory_space<vmem_shared>>) target_semaphore(%run_scoped3A : memref<!tpu.dma_semaphore, #tpu.memory_space<semaphore_mem>>)
      %dma_wait3A = tpu.memref_slice %arg8[%mul3A_2] : memref<100352xf32, #tpu.memory_space<vmem_shared>> -> memref<6272xf32, #tpu.memory_space<vmem_shared>>
      %dma_wait3A_12 = tpu.memref_slice %arg4[%mul3A_2] : memref<100352xf32, #tpu.memory_space<hbm>> -> memref<6272xf32, #tpu.memory_space<hbm>>
      tpu.wait_dma2 semaphore(%run_scoped3A : memref<!tpu.dma_semaphore, #tpu.memory_space<semaphore_mem>>) src(%dma_wait3A_12 : memref<6272xf32, #tpu.memory_space<hbm>>) dst(%dma_wait3A : memref<6272xf32, #tpu.memory_space<vmem_shared>>)
      tpu.yield
    }) : () -> ()
    %barrier3A = arith.constant 0 : index
    tpu.barrier barrier_id(%barrier3A)
    %mul3A_3 = arith.constant 392 : i32
    %mul3A_4 = arith.muli %add3A, %mul3A_3 : i32
    %scan3A = arith.constant 0 : i32
    %scan3A_5 = arith.constant 0 : i32
    %scan3A_6 = arith.constant 49 : i32
    %scan3A_7 = arith.addi %scan3A_5, %scan3A_6 : i32
    %scan3A_8 = arith.constant 1 : i32
    scf.for %scan3A_11 = %scan3A_5 to %scan3A_7 step %scan3A_8  : i32 {
      %mul3A_12 = arith.constant 8 : i32
      %mul3A_13 = arith.muli %scan3A_11, %mul3A_12 : i32
      %add3A_14 = arith.addi %mul3A_4, %mul3A_13 : i32
      %dma_start3A = arith.constant 0 : i32
      %dma_start3A_15 = tpu.memref_slice %arg2[%add3A_14, %dma_start3A] : memref<12544x128xi32, #tpu.memory_space<hbm>> -> memref<8x128xi32, #tpu.memory_space<hbm>>
      %dma_start3A_16 = arith.constant 0 : i32
      %dma_start3A_17 = tpu.memref_slice %arg2[%add3A_14, %dma_start3A_16] : memref<12544x128xi32, #tpu.memory_space<hbm>> -> memref<8x128xi32, #tpu.memory_space<hbm>>
      tpu.enqueue_dma source(%dma_start3A_17 : memref<8x128xi32, #tpu.memory_space<hbm>>) target(%arg6 : memref<8x128xi32, #tpu.memory_space<vmem>>) target_semaphore(%arg9 : memref<!tpu.dma_semaphore, #tpu.memory_space<semaphore_mem>>)
      %dma_start3A_18 = arith.constant 0 : i32
      %dma_start3A_19 = tpu.memref_slice %arg3[%add3A_14, %dma_start3A_18] : memref<12544x128xf32, #tpu.memory_space<hbm>> -> memref<8x128xf32, #tpu.memory_space<hbm>>
      %dma_start3A_20 = arith.constant 0 : i32
      %dma_start3A_21 = tpu.memref_slice %arg3[%add3A_14, %dma_start3A_20] : memref<12544x128xf32, #tpu.memory_space<hbm>> -> memref<8x128xf32, #tpu.memory_space<hbm>>
      tpu.enqueue_dma source(%dma_start3A_21 : memref<8x128xf32, #tpu.memory_space<hbm>>) target(%arg7 : memref<8x128xf32, #tpu.memory_space<vmem>>) target_semaphore(%arg10 : memref<!tpu.dma_semaphore, #tpu.memory_space<semaphore_mem>>)
      %dma_wait3A = arith.constant 0 : i32
      %dma_wait3A_22 = tpu.memref_slice %arg2[%add3A_14, %dma_wait3A] : memref<12544x128xi32, #tpu.memory_space<hbm>> -> memref<8x128xi32, #tpu.memory_space<hbm>>
      %dma_wait3A_23 = arith.constant 0 : i32
      %dma_wait3A_24 = tpu.memref_slice %arg2[%add3A_14, %dma_wait3A_23] : memref<12544x128xi32, #tpu.memory_space<hbm>> -> memref<8x128xi32, #tpu.memory_space<hbm>>
      tpu.wait_dma2 semaphore(%arg9 : memref<!tpu.dma_semaphore, #tpu.memory_space<semaphore_mem>>) src(%dma_wait3A_24 : memref<8x128xi32, #tpu.memory_space<hbm>>) dst(%arg6 : memref<8x128xi32, #tpu.memory_space<vmem>>)
      %dma_wait3A_25 = arith.constant 0 : i32
      %dma_wait3A_26 = tpu.memref_slice %arg3[%add3A_14, %dma_wait3A_25] : memref<12544x128xf32, #tpu.memory_space<hbm>> -> memref<8x128xf32, #tpu.memory_space<hbm>>
      %dma_wait3A_27 = arith.constant 0 : i32
      %dma_wait3A_28 = tpu.memref_slice %arg3[%add3A_14, %dma_wait3A_27] : memref<12544x128xf32, #tpu.memory_space<hbm>> -> memref<8x128xf32, #tpu.memory_space<hbm>>
      tpu.wait_dma2 semaphore(%arg10 : memref<!tpu.dma_semaphore, #tpu.memory_space<semaphore_mem>>) src(%dma_wait3A_28 : memref<8x128xf32, #tpu.memory_space<hbm>>) dst(%arg7 : memref<8x128xf32, #tpu.memory_space<vmem>>)
      %dma_start3A_29 = arith.constant 0 : i32
      %dma_start3A_30 = arith.constant 0 : i32
      %dma_start3A_31 = arith.constant 0 : i32
      %dma_start3A_32 = tpu.memref_slice %arg7[%dma_start3A_29, %dma_start3A_31] : memref<8x128xf32, #tpu.memory_space<vmem>> -> memref<1x128xf32, #tpu.memory_space<vmem>>
      %dma_start3A_33 = tpu.memref_squeeze %dma_start3A_32 : memref<1x128xf32, #tpu.memory_space<vmem>> -> memref<128xf32, #tpu.memory_space<vmem>>
      %dma_start3A_34 = arith.constant 0 : i32
      %dma_start3A_35 = tpu.memref_slice %arg6[%dma_start3A_30, %dma_start3A_34] : memref<8x128xi32, #tpu.memory_space<vmem>> -> memref<1x128xi32, #tpu.memory_space<vmem>>
      %dma_start3A_36 = tpu.memref_squeeze %dma_start3A_35 : memref<1x128xi32, #tpu.memory_space<vmem>> -> memref<128xi32, #tpu.memory_space<vmem>>
      %dma_start3A_37 = arith.constant 0 : i32
      %dma_start3A_38 = tpu.memref_slice %arg8[%dma_start3A_37] : memref<100352xf32, #tpu.memory_space<vmem_shared>> -> memref<100352xf32, #tpu.memory_space<vmem_shared>>
      tpu.enqueue_indirect_dma source(%dma_start3A_33 : memref<128xf32, #tpu.memory_space<vmem>>) target(%dma_start3A_38 : memref<100352xf32, #tpu.memory_space<vmem_shared>>) offsets(%dma_start3A_36 : memref<128xi32, #tpu.memory_space<vmem>>) semaphore(%arg11 : memref<!tpu.dma_semaphore, #tpu.memory_space<semaphore_mem>>) {add = true}
      %dma_start3A_39 = arith.constant 1 : i32
      %dma_start3A_40 = arith.constant 1 : i32
      %dma_start3A_41 = arith.constant 0 : i32
      %dma_start3A_42 = tpu.memref_slice %arg7[%dma_start3A_39, %dma_start3A_41] : memref<8x128xf32, #tpu.memory_space<vmem>> -> memref<1x128xf32, #tpu.memory_space<vmem>>
      %dma_start3A_43 = tpu.memref_squeeze %dma_start3A_42 : memref<1x128xf32, #tpu.memory_space<vmem>> -> memref<128xf32, #tpu.memory_space<vmem>>
      %dma_start3A_44 = arith.constant 0 : i32
      %dma_start3A_45 = tpu.memref_slice %arg6[%dma_start3A_40, %dma_start3A_44] : memref<8x128xi32, #tpu.memory_space<vmem>> -> memref<1x128xi32, #tpu.memory_space<vmem>>
      %dma_start3A_46 = tpu.memref_squeeze %dma_start3A_45 : memref<1x128xi32, #tpu.memory_space<vmem>> -> memref<128xi32, #tpu.memory_space<vmem>>
      %dma_start3A_47 = arith.constant 0 : i32
      %dma_start3A_48 = tpu.memref_slice %arg8[%dma_start3A_47] : memref<100352xf32, #tpu.memory_space<vmem_shared>> -> memref<100352xf32, #tpu.memory_space<vmem_shared>>
      tpu.enqueue_indirect_dma source(%dma_start3A_43 : memref<128xf32, #tpu.memory_space<vmem>>) target(%dma_start3A_48 : memref<100352xf32, #tpu.memory_space<vmem_shared>>) offsets(%dma_start3A_46 : memref<128xi32, #tpu.memory_space<vmem>>) semaphore(%arg11 : memref<!tpu.dma_semaphore, #tpu.memory_space<semaphore_mem>>) {add = true}
      %dma_start3A_49 = arith.constant 2 : i32
      %dma_start3A_50 = arith.constant 2 : i32
      %dma_start3A_51 = arith.constant 0 : i32
      %dma_start3A_52 = tpu.memref_slice %arg7[%dma_start3A_49, %dma_start3A_51] : memref<8x128xf32, #tpu.memory_space<vmem>> -> memref<1x128xf32, #tpu.memory_space<vmem>>
      %dma_start3A_53 = tpu.memref_squeeze %dma_start3A_52 : memref<1x128xf32, #tpu.memory_space<vmem>> -> memref<128xf32, #tpu.memory_space<vmem>>
      %dma_start3A_54 = arith.constant 0 : i32
      %dma_start3A_55 = tpu.memref_slice %arg6[%dma_start3A_50, %dma_start3A_54] : memref<8x128xi32, #tpu.memory_space<vmem>> -> memref<1x128xi32, #tpu.memory_space<vmem>>
      %dma_start3A_56 = tpu.memref_squeeze %dma_start3A_55 : memref<1x128xi32, #tpu.memory_space<vmem>> -> memref<128xi32, #tpu.memory_space<vmem>>
      %dma_start3A_57 = arith.constant 0 : i32
      %dma_start3A_58 = tpu.memref_slice %arg8[%dma_start3A_57] : memref<100352xf32, #tpu.memory_space<vmem_shared>> -> memref<100352xf32, #tpu.memory_space<vmem_shared>>
      tpu.enqueue_indirect_dma source(%dma_start3A_53 : memref<128xf32, #tpu.memory_space<vmem>>) target(%dma_start3A_58 : memref<100352xf32, #tpu.memory_space<vmem_shared>>) offsets(%dma_start3A_56 : memref<128xi32, #tpu.memory_space<vmem>>) semaphore(%arg11 : memref<!tpu.dma_semaphore, #tpu.memory_space<semaphore_mem>>) {add = true}
      %dma_start3A_59 = arith.constant 3 : i32
      %dma_start3A_60 = arith.constant 3 : i32
      %dma_start3A_61 = arith.constant 0 : i32
      %dma_start3A_62 = tpu.memref_slice %arg7[%dma_start3A_59, %dma_start3A_61] : memref<8x128xf32, #tpu.memory_space<vmem>> -> memref<1x128xf32, #tpu.memory_space<vmem>>
      %dma_start3A_63 = tpu.memref_squeeze %dma_start3A_62 : memref<1x128xf32, #tpu.memory_space<vmem>> -> memref<128xf32, #tpu.memory_space<vmem>>
      %dma_start3A_64 = arith.constant 0 : i32
      %dma_start3A_65 = tpu.memref_slice %arg6[%dma_start3A_60, %dma_start3A_64] : memref<8x128xi32, #tpu.memory_space<vmem>> -> memref<1x128xi32, #tpu.memory_space<vmem>>
      %dma_start3A_66 = tpu.memref_squeeze %dma_start3A_65 : memref<1x128xi32, #tpu.memory_space<vmem>> -> memref<128xi32, #tpu.memory_space<vmem>>
      %dma_start3A_67 = arith.constant 0 : i32
      %dma_start3A_68 = tpu.memref_slice %arg8[%dma_start3A_67] : memref<100352xf32, #tpu.memory_space<vmem_shared>> -> memref<100352xf32, #tpu.memory_space<vmem_shared>>
      tpu.enqueue_indirect_dma source(%dma_start3A_63 : memref<128xf32, #tpu.memory_space<vmem>>) target(%dma_start3A_68 : memref<100352xf32, #tpu.memory_space<vmem_shared>>) offsets(%dma_start3A_66 : memref<128xi32, #tpu.memory_space<vmem>>) semaphore(%arg11 : memref<!tpu.dma_semaphore, #tpu.memory_space<semaphore_mem>>) {add = true}
      %dma_start3A_69 = arith.constant 4 : i32
      %dma_start3A_70 = arith.constant 4 : i32
      %dma_start3A_71 = arith.constant 0 : i32
      %dma_start3A_72 = tpu.memref_slice %arg7[%dma_start3A_69, %dma_start3A_71] : memref<8x128xf32, #tpu.memory_space<vmem>> -> memref<1x128xf32, #tpu.memory_space<vmem>>
      %dma_start3A_73 = tpu.memref_squeeze %dma_start3A_72 : memref<1x128xf32, #tpu.memory_space<vmem>> -> memref<128xf32, #tpu.memory_space<vmem>>
      %dma_start3A_74 = arith.constant 0 : i32
      %dma_start3A_75 = tpu.memref_slice %arg6[%dma_start3A_70, %dma_start3A_74] : memref<8x128xi32, #tpu.memory_space<vmem>> -> memref<1x128xi32, #tpu.memory_space<vmem>>
      %dma_start3A_76 = tpu.memref_squeeze %dma_start3A_75 : memref<1x128xi32, #tpu.memory_space<vmem>> -> memref<128xi32, #tpu.memory_space<vmem>>
      %dma_start3A_77 = arith.constant 0 : i32
      %dma_start3A_78 = tpu.memref_slice %arg8[%dma_start3A_77] : memref<100352xf32, #tpu.memory_space<vmem_shared>> -> memref<100352xf32, #tpu.memory_space<vmem_shared>>
      tpu.enqueue_indirect_dma source(%dma_start3A_73 : memref<128xf32, #tpu.memory_space<vmem>>) target(%dma_start3A_78 : memref<100352xf32, #tpu.memory_space<vmem_shared>>) offsets(%dma_start3A_76 : memref<128xi32, #tpu.memory_space<vmem>>) semaphore(%arg11 : memref<!tpu.dma_semaphore, #tpu.memory_space<semaphore_mem>>) {add = true}
      %dma_start3A_79 = arith.constant 5 : i32
      %dma_start3A_80 = arith.constant 5 : i32
      %dma_start3A_81 = arith.constant 0 : i32
      %dma_start3A_82 = tpu.memref_slice %arg7[%dma_start3A_79, %dma_start3A_81] : memref<8x128xf32, #tpu.memory_space<vmem>> -> memref<1x128xf32, #tpu.memory_space<vmem>>
      %dma_start3A_83 = tpu.memref_squeeze %dma_start3A_82 : memref<1x128xf32, #tpu.memory_space<vmem>> -> memref<128xf32, #tpu.memory_space<vmem>>
      %dma_start3A_84 = arith.constant 0 : i32
      %dma_start3A_85 = tpu.memref_slice %arg6[%dma_start3A_80, %dma_start3A_84] : memref<8x128xi32, #tpu.memory_space<vmem>> -> memref<1x128xi32, #tpu.memory_space<vmem>>
      %dma_start3A_86 = tpu.memref_squeeze %dma_start3A_85 : memref<1x128xi32, #tpu.memory_space<vmem>> -> memref<128xi32, #tpu.memory_space<vmem>>
      %dma_start3A_87 = arith.constant 0 : i32
      %dma_start3A_88 = tpu.memref_slice %arg8[%dma_start3A_87] : memref<100352xf32, #tpu.memory_space<vmem_shared>> -> memref<100352xf32, #tpu.memory_space<vmem_shared>>
      tpu.enqueue_indirect_dma source(%dma_start3A_83 : memref<128xf32, #tpu.memory_space<vmem>>) target(%dma_start3A_88 : memref<100352xf32, #tpu.memory_space<vmem_shared>>) offsets(%dma_start3A_86 : memref<128xi32, #tpu.memory_space<vmem>>) semaphore(%arg11 : memref<!tpu.dma_semaphore, #tpu.memory_space<semaphore_mem>>) {add = true}
      %dma_start3A_89 = arith.constant 6 : i32
      %dma_start3A_90 = arith.constant 6 : i32
      %dma_start3A_91 = arith.constant 0 : i32
      %dma_start3A_92 = tpu.memref_slice %arg7[%dma_start3A_89, %dma_start3A_91] : memref<8x128xf32, #tpu.memory_space<vmem>> -> memref<1x128xf32, #tpu.memory_space<vmem>>
      %dma_start3A_93 = tpu.memref_squeeze %dma_start3A_92 : memref<1x128xf32, #tpu.memory_space<vmem>> -> memref<128xf32, #tpu.memory_space<vmem>>
      %dma_start3A_94 = arith.constant 0 : i32
      %dma_start3A_95 = tpu.memref_slice %arg6[%dma_start3A_90, %dma_start3A_94] : memref<8x128xi32, #tpu.memory_space<vmem>> -> memref<1x128xi32, #tpu.memory_space<vmem>>
      %dma_start3A_96 = tpu.memref_squeeze %dma_start3A_95 : memref<1x128xi32, #tpu.memory_space<vmem>> -> memref<128xi32, #tpu.memory_space<vmem>>
      %dma_start3A_97 = arith.constant 0 : i32
      %dma_start3A_98 = tpu.memref_slice %arg8[%dma_start3A_97] : memref<100352xf32, #tpu.memory_space<vmem_shared>> -> memref<100352xf32, #tpu.memory_space<vmem_shared>>
      tpu.enqueue_indirect_dma source(%dma_start3A_93 : memref<128xf32, #tpu.memory_space<vmem>>) target(%dma_start3A_98 : memref<100352xf32, #tpu.memory_space<vmem_shared>>) offsets(%dma_start3A_96 : memref<128xi32, #tpu.memory_space<vmem>>) semaphore(%arg11 : memref<!tpu.dma_semaphore, #tpu.memory_space<semaphore_mem>>) {add = true}
      %dma_start3A_99 = arith.constant 7 : i32
      %dma_start3A_100 = arith.constant 7 : i32
      %dma_start3A_101 = arith.constant 0 : i32
      %dma_start3A_102 = tpu.memref_slice %arg7[%dma_start3A_99, %dma_start3A_101] : memref<8x128xf32, #tpu.memory_space<vmem>> -> memref<1x128xf32, #tpu.memory_space<vmem>>
      %dma_start3A_103 = tpu.memref_squeeze %dma_start3A_102 : memref<1x128xf32, #tpu.memory_space<vmem>> -> memref<128xf32, #tpu.memory_space<vmem>>
      %dma_start3A_104 = arith.constant 0 : i32
      %dma_start3A_105 = tpu.memref_slice %arg6[%dma_start3A_100, %dma_start3A_104] : memref<8x128xi32, #tpu.memory_space<vmem>> -> memref<1x128xi32, #tpu.memory_space<vmem>>
      %dma_start3A_106 = tpu.memref_squeeze %dma_start3A_105 : memref<1x128xi32, #tpu.memory_space<vmem>> -> memref<128xi32, #tpu.memory_space<vmem>>
      %dma_start3A_107 = arith.constant 0 : i32
      %dma_start3A_108 = tpu.memref_slice %arg8[%dma_start3A_107] : memref<100352xf32, #tpu.memory_space<vmem_shared>> -> memref<100352xf32, #tpu.memory_space<vmem_shared>>
      tpu.enqueue_indirect_dma source(%dma_start3A_103 : memref<128xf32, #tpu.memory_space<vmem>>) target(%dma_start3A_108 : memref<100352xf32, #tpu.memory_space<vmem_shared>>) offsets(%dma_start3A_106 : memref<128xi32, #tpu.memory_space<vmem>>) semaphore(%arg11 : memref<!tpu.dma_semaphore, #tpu.memory_space<semaphore_mem>>) {add = true}
      %dma_wait3A_109 = arith.constant 0 : i32
      %dma_wait3A_110 = arith.constant 0 : i32
      %dma_wait3A_111 = arith.constant 0 : i32
      %dma_wait3A_112 = tpu.memref_slice %arg7[%dma_wait3A_109, %dma_wait3A_111] : memref<8x128xf32, #tpu.memory_space<vmem>> -> memref<1x128xf32, #tpu.memory_space<vmem>>
      %dma_wait3A_113 = tpu.memref_squeeze %dma_wait3A_112 : memref<1x128xf32, #tpu.memory_space<vmem>> -> memref<128xf32, #tpu.memory_space<vmem>>
      %dma_wait3A_114 = arith.constant 0 : i32
      %dma_wait3A_115 = tpu.memref_slice %arg6[%dma_wait3A_110, %dma_wait3A_114] : memref<8x128xi32, #tpu.memory_space<vmem>> -> memref<1x128xi32, #tpu.memory_space<vmem>>
      %dma_wait3A_116 = tpu.memref_squeeze %dma_wait3A_115 : memref<1x128xi32, #tpu.memory_space<vmem>> -> memref<128xi32, #tpu.memory_space<vmem>>
      %dma_wait3A_117 = arith.constant 0 : i32
      %dma_wait3A_118 = tpu.memref_slice %arg8[%dma_wait3A_117] : memref<100352xf32, #tpu.memory_space<vmem_shared>> -> memref<100352xf32, #tpu.memory_space<vmem_shared>>
      tpu.wait_indirect_dma semaphore(%arg11 : memref<!tpu.dma_semaphore, #tpu.memory_space<semaphore_mem>>) src(%dma_wait3A_113 : memref<128xf32, #tpu.memory_space<vmem>>) dst(%dma_wait3A_118 : memref<100352xf32, #tpu.memory_space<vmem_shared>>)
      %dma_wait3A_119 = arith.constant 1 : i32
      %dma_wait3A_120 = arith.constant 1 : i32
      %dma_wait3A_121 = arith.constant 0 : i32
      %dma_wait3A_122 = tpu.memref_slice %arg7[%dma_wait3A_119, %dma_wait3A_121] : memref<8x128xf32, #tpu.memory_space<vmem>> -> memref<1x128xf32, #tpu.memory_space<vmem>>
      %dma_wait3A_123 = tpu.memref_squeeze %dma_wait3A_122 : memref<1x128xf32, #tpu.memory_space<vmem>> -> memref<128xf32, #tpu.memory_space<vmem>>
      %dma_wait3A_124 = arith.constant 0 : i32
      %dma_wait3A_125 = tpu.memref_slice %arg6[%dma_wait3A_120, %dma_wait3A_124] : memref<8x128xi32, #tpu.memory_space<vmem>> -> memref<1x128xi32, #tpu.memory_space<vmem>>
      %dma_wait3A_126 = tpu.memref_squeeze %dma_wait3A_125 : memref<1x128xi32, #tpu.memory_space<vmem>> -> memref<128xi32, #tpu.memory_space<vmem>>
      %dma_wait3A_127 = arith.constant 0 : i32
      %dma_wait3A_128 = tpu.memref_slice %arg8[%dma_wait3A_127] : memref<100352xf32, #tpu.memory_space<vmem_shared>> -> memref<100352xf32, #tpu.memory_space<vmem_shared>>
      tpu.wait_indirect_dma semaphore(%arg11 : memref<!tpu.dma_semaphore, #tpu.memory_space<semaphore_mem>>) src(%dma_wait3A_123 : memref<128xf32, #tpu.memory_space<vmem>>) dst(%dma_wait3A_128 : memref<100352xf32, #tpu.memory_space<vmem_shared>>)
      %dma_wait3A_129 = arith.constant 2 : i32
      %dma_wait3A_130 = arith.constant 2 : i32
      %dma_wait3A_131 = arith.constant 0 : i32
      %dma_wait3A_132 = tpu.memref_slice %arg7[%dma_wait3A_129, %dma_wait3A_131] : memref<8x128xf32, #tpu.memory_space<vmem>> -> memref<1x128xf32, #tpu.memory_space<vmem>>
      %dma_wait3A_133 = tpu.memref_squeeze %dma_wait3A_132 : memref<1x128xf32, #tpu.memory_space<vmem>> -> memref<128xf32, #tpu.memory_space<vmem>>
      %dma_wait3A_134 = arith.constant 0 : i32
      %dma_wait3A_135 = tpu.memref_slice %arg6[%dma_wait3A_130, %dma_wait3A_134] : memref<8x128xi32, #tpu.memory_space<vmem>> -> memref<1x128xi32, #tpu.memory_space<vmem>>
      %dma_wait3A_136 = tpu.memref_squeeze %dma_wait3A_135 : memref<1x128xi32, #tpu.memory_space<vmem>> -> memref<128xi32, #tpu.memory_space<vmem>>
      %dma_wait3A_137 = arith.constant 0 : i32
      %dma_wait3A_138 = tpu.memref_slice %arg8[%dma_wait3A_137] : memref<100352xf32, #tpu.memory_space<vmem_shared>> -> memref<100352xf32, #tpu.memory_space<vmem_shared>>
      tpu.wait_indirect_dma semaphore(%arg11 : memref<!tpu.dma_semaphore, #tpu.memory_space<semaphore_mem>>) src(%dma_wait3A_133 : memref<128xf32, #tpu.memory_space<vmem>>) dst(%dma_wait3A_138 : memref<100352xf32, #tpu.memory_space<vmem_shared>>)
      %dma_wait3A_139 = arith.constant 3 : i32
      %dma_wait3A_140 = arith.constant 3 : i32
      %dma_wait3A_141 = arith.constant 0 : i32
      %dma_wait3A_142 = tpu.memref_slice %arg7[%dma_wait3A_139, %dma_wait3A_141] : memref<8x128xf32, #tpu.memory_space<vmem>> -> memref<1x128xf32, #tpu.memory_space<vmem>>
      %dma_wait3A_143 = tpu.memref_squeeze %dma_wait3A_142 : memref<1x128xf32, #tpu.memory_space<vmem>> -> memref<128xf32, #tpu.memory_space<vmem>>
      %dma_wait3A_144 = arith.constant 0 : i32
      %dma_wait3A_145 = tpu.memref_slice %arg6[%dma_wait3A_140, %dma_wait3A_144] : memref<8x128xi32, #tpu.memory_space<vmem>> -> memref<1x128xi32, #tpu.memory_space<vmem>>
      %dma_wait3A_146 = tpu.memref_squeeze %dma_wait3A_145 : memref<1x128xi32, #tpu.memory_space<vmem>> -> memref<128xi32, #tpu.memory_space<vmem>>
      %dma_wait3A_147 = arith.constant 0 : i32
      %dma_wait3A_148 = tpu.memref_slice %arg8[%dma_wait3A_147] : memref<100352xf32, #tpu.memory_space<vmem_shared>> -> memref<100352xf32, #tpu.memory_space<vmem_shared>>
      tpu.wait_indirect_dma semaphore(%arg11 : memref<!tpu.dma_semaphore, #tpu.memory_space<semaphore_mem>>) src(%dma_wait3A_143 : memref<128xf32, #tpu.memory_space<vmem>>) dst(%dma_wait3A_148 : memref<100352xf32, #tpu.memory_space<vmem_shared>>)
      %dma_wait3A_149 = arith.constant 4 : i32
      %dma_wait3A_150 = arith.constant 4 : i32
      %dma_wait3A_151 = arith.constant 0 : i32
      %dma_wait3A_152 = tpu.memref_slice %arg7[%dma_wait3A_149, %dma_wait3A_151] : memref<8x128xf32, #tpu.memory_space<vmem>> -> memref<1x128xf32, #tpu.memory_space<vmem>>
      %dma_wait3A_153 = tpu.memref_squeeze %dma_wait3A_152 : memref<1x128xf32, #tpu.memory_space<vmem>> -> memref<128xf32, #tpu.memory_space<vmem>>
      %dma_wait3A_154 = arith.constant 0 : i32
      %dma_wait3A_155 = tpu.memref_slice %arg6[%dma_wait3A_150, %dma_wait3A_154] : memref<8x128xi32, #tpu.memory_space<vmem>> -> memref<1x128xi32, #tpu.memory_space<vmem>>
      %dma_wait3A_156 = tpu.memref_squeeze %dma_wait3A_155 : memref<1x128xi32, #tpu.memory_space<vmem>> -> memref<128xi32, #tpu.memory_space<vmem>>
      %dma_wait3A_157 = arith.constant 0 : i32
      %dma_wait3A_158 = tpu.memref_slice %arg8[%dma_wait3A_157] : memref<100352xf32, #tpu.memory_space<vmem_shared>> -> memref<100352xf32, #tpu.memory_space<vmem_shared>>
      tpu.wait_indirect_dma semaphore(%arg11 : memref<!tpu.dma_semaphore, #tpu.memory_space<semaphore_mem>>) src(%dma_wait3A_153 : memref<128xf32, #tpu.memory_space<vmem>>) dst(%dma_wait3A_158 : memref<100352xf32, #tpu.memory_space<vmem_shared>>)
      %dma_wait3A_159 = arith.constant 5 : i32
      %dma_wait3A_160 = arith.constant 5 : i32
      %dma_wait3A_161 = arith.constant 0 : i32
      %dma_wait3A_162 = tpu.memref_slice %arg7[%dma_wait3A_159, %dma_wait3A_161] : memref<8x128xf32, #tpu.memory_space<vmem>> -> memref<1x128xf32, #tpu.memory_space<vmem>>
      %dma_wait3A_163 = tpu.memref_squeeze %dma_wait3A_162 : memref<1x128xf32, #tpu.memory_space<vmem>> -> memref<128xf32, #tpu.memory_space<vmem>>
      %dma_wait3A_164 = arith.constant 0 : i32
      %dma_wait3A_165 = tpu.memref_slice %arg6[%dma_wait3A_160, %dma_wait3A_164] : memref<8x128xi32, #tpu.memory_space<vmem>> -> memref<1x128xi32, #tpu.memory_space<vmem>>
      %dma_wait3A_166 = tpu.memref_squeeze %dma_wait3A_165 : memref<1x128xi32, #tpu.memory_space<vmem>> -> memref<128xi32, #tpu.memory_space<vmem>>
      %dma_wait3A_167 = arith.constant 0 : i32
      %dma_wait3A_168 = tpu.memref_slice %arg8[%dma_wait3A_167] : memref<100352xf32, #tpu.memory_space<vmem_shared>> -> memref<100352xf32, #tpu.memory_space<vmem_shared>>
      tpu.wait_indirect_dma semaphore(%arg11 : memref<!tpu.dma_semaphore, #tpu.memory_space<semaphore_mem>>) src(%dma_wait3A_163 : memref<128xf32, #tpu.memory_space<vmem>>) dst(%dma_wait3A_168 : memref<100352xf32, #tpu.memory_space<vmem_shared>>)
      %dma_wait3A_169 = arith.constant 6 : i32
      %dma_wait3A_170 = arith.constant 6 : i32
      %dma_wait3A_171 = arith.constant 0 : i32
      %dma_wait3A_172 = tpu.memref_slice %arg7[%dma_wait3A_169, %dma_wait3A_171] : memref<8x128xf32, #tpu.memory_space<vmem>> -> memref<1x128xf32, #tpu.memory_space<vmem>>
      %dma_wait3A_173 = tpu.memref_squeeze %dma_wait3A_172 : memref<1x128xf32, #tpu.memory_space<vmem>> -> memref<128xf32, #tpu.memory_space<vmem>>
      %dma_wait3A_174 = arith.constant 0 : i32
      %dma_wait3A_175 = tpu.memref_slice %arg6[%dma_wait3A_170, %dma_wait3A_174] : memref<8x128xi32, #tpu.memory_space<vmem>> -> memref<1x128xi32, #tpu.memory_space<vmem>>
      %dma_wait3A_176 = tpu.memref_squeeze %dma_wait3A_175 : memref<1x128xi32, #tpu.memory_space<vmem>> -> memref<128xi32, #tpu.memory_space<vmem>>
      %dma_wait3A_177 = arith.constant 0 : i32
      %dma_wait3A_178 = tpu.memref_slice %arg8[%dma_wait3A_177] : memref<100352xf32, #tpu.memory_space<vmem_shared>> -> memref<100352xf32, #tpu.memory_space<vmem_shared>>
      tpu.wait_indirect_dma semaphore(%arg11 : memref<!tpu.dma_semaphore, #tpu.memory_space<semaphore_mem>>) src(%dma_wait3A_173 : memref<128xf32, #tpu.memory_space<vmem>>) dst(%dma_wait3A_178 : memref<100352xf32, #tpu.memory_space<vmem_shared>>)
      %dma_wait3A_179 = arith.constant 7 : i32
      %dma_wait3A_180 = arith.constant 7 : i32
      %dma_wait3A_181 = arith.constant 0 : i32
      %dma_wait3A_182 = tpu.memref_slice %arg7[%dma_wait3A_179, %dma_wait3A_181] : memref<8x128xf32, #tpu.memory_space<vmem>> -> memref<1x128xf32, #tpu.memory_space<vmem>>
      %dma_wait3A_183 = tpu.memref_squeeze %dma_wait3A_182 : memref<1x128xf32, #tpu.memory_space<vmem>> -> memref<128xf32, #tpu.memory_space<vmem>>
      %dma_wait3A_184 = arith.constant 0 : i32
      %dma_wait3A_185 = tpu.memref_slice %arg6[%dma_wait3A_180, %dma_wait3A_184] : memref<8x128xi32, #tpu.memory_space<vmem>> -> memref<1x128xi32, #tpu.memory_space<vmem>>
      %dma_wait3A_186 = tpu.memref_squeeze %dma_wait3A_185 : memref<1x128xi32, #tpu.memory_space<vmem>> -> memref<128xi32, #tpu.memory_space<vmem>>
      %dma_wait3A_187 = arith.constant 0 : i32
      %dma_wait3A_188 = tpu.memref_slice %arg8[%dma_wait3A_187] : memref<100352xf32, #tpu.memory_space<vmem_shared>> -> memref<100352xf32, #tpu.memory_space<vmem_shared>>
      tpu.wait_indirect_dma semaphore(%arg11 : memref<!tpu.dma_semaphore, #tpu.memory_space<semaphore_mem>>) src(%dma_wait3A_183 : memref<128xf32, #tpu.memory_space<vmem>>) dst(%dma_wait3A_188 : memref<100352xf32, #tpu.memory_space<vmem_shared>>)
    }
    %scan3A_9 = arith.constant 49 : i32
    %barrier3A_10 = arith.constant 0 : index
    tpu.barrier barrier_id(%barrier3A_10)
    "tpu.region"() ({
      %run_scoped3A = tpu.sem_alloc : memref<!tpu.dma_semaphore, #tpu.memory_space<semaphore_mem>>
      %dma_start3A = tpu.memref_slice %arg5[%arg0, %mul3A_2] : memref<2x100352xf32, #tpu.memory_space<hbm>> -> memref<1x6272xf32, #tpu.memory_space<hbm>>
      %dma_start3A_11 = tpu.memref_squeeze %dma_start3A : memref<1x6272xf32, #tpu.memory_space<hbm>> -> memref<6272xf32, #tpu.memory_space<hbm>>
      %dma_start3A_12 = tpu.memref_slice %arg8[%mul3A_2] : memref<100352xf32, #tpu.memory_space<vmem_shared>> -> memref<6272xf32, #tpu.memory_space<vmem_shared>>
      tpu.enqueue_dma source(%dma_start3A_12 : memref<6272xf32, #tpu.memory_space<vmem_shared>>) target(%dma_start3A_11 : memref<6272xf32, #tpu.memory_space<hbm>>) target_semaphore(%run_scoped3A : memref<!tpu.dma_semaphore, #tpu.memory_space<semaphore_mem>>)
      %dma_wait3A = tpu.memref_slice %arg5[%arg0, %mul3A_2] : memref<2x100352xf32, #tpu.memory_space<hbm>> -> memref<1x6272xf32, #tpu.memory_space<hbm>>
      %dma_wait3A_13 = tpu.memref_squeeze %dma_wait3A : memref<1x6272xf32, #tpu.memory_space<hbm>> -> memref<6272xf32, #tpu.memory_space<hbm>>
      %dma_wait3A_14 = tpu.memref_slice %arg8[%mul3A_2] : memref<100352xf32, #tpu.memory_space<vmem_shared>> -> memref<6272xf32, #tpu.memory_space<vmem_shared>>
      tpu.wait_dma2 semaphore(%run_scoped3A : memref<!tpu.dma_semaphore, #tpu.memory_space<semaphore_mem>>) src(%dma_wait3A_14 : memref<6272xf32, #tpu.memory_space<vmem_shared>>) dst(%dma_wait3A_13 : memref<6272xf32, #tpu.memory_space<hbm>>)
      tpu.yield
    }) : () -> ()
    return
  }
}

#map = affine_map<(d0, d1) -> (0, 0)>
#map1 = affine_map<(d0, d1) -> (0)>
#map2 = affine_map<(d0, d1) -> (0, 0, 0)>
module attributes {stable_mosaic.version = 14 : i64} {
  func.func @_edge_sc(%arg0: i32, %arg1: i32, %arg2: memref<12544x128xi32, #tpu.memory_space<hbm>>, %arg3: memref<12544x128xi32, #tpu.memory_space<hbm>>, %arg4: memref<1605632xf32, #tpu.memory_space<hbm>>, %arg5: memref<100352x16xf32, #tpu.memory_space<hbm>>, %arg6: memref<100352x16xf32, #tpu.memory_space<hbm>>, %arg7: memref<2x100352x16xf32, #tpu.memory_space<hbm>>, %arg8: memref<8x128xi32, #tpu.memory_space<vmem>>, %arg9: memref<8x128xi32, #tpu.memory_space<vmem>>, %arg10: memref<1024xf32, #tpu.memory_space<vmem>>, %arg11: memref<128x16xf32, #tpu.memory_space<vmem>>, %arg12: memref<128x16xf32, #tpu.memory_space<vmem>>, %arg13: memref<100352x16xf32, #tpu.memory_space<vmem_shared>>, %arg14: memref<!tpu.dma_semaphore, #tpu.memory_space<semaphore_mem>>, %arg15: memref<!tpu.dma_semaphore, #tpu.memory_space<semaphore_mem>>, %arg16: memref<!tpu.dma_semaphore, #tpu.memory_space<semaphore_mem>>, %arg17: memref<!tpu.dma_semaphore, #tpu.memory_space<semaphore_mem>>) attributes {dimension_semantics = [#tpu.dimension_semantics<core_parallel>, #tpu.dimension_semantics<subcore_parallel>], iteration_bounds = array<i64: 2, 16>, scalar_prefetch = 0 : i64, scratch_operands = 10 : i64, tpu.core_type = #tpu.core_type<sc_vector_subcore>, window_params = [{transform_indices = #map}, {transform_indices = #map}, {transform_indices = #map1}, {transform_indices = #map}, {transform_indices = #map}, {transform_indices = #map2}]} {
    %mul3A = arith.constant 16 : i32
    %mul3A_0 = arith.muli %arg0, %mul3A : i32
    %add3A = arith.addi %mul3A_0, %arg1 : i32
    %mul3A_1 = arith.constant 6272 : i32
    %mul3A_2 = arith.muli %arg1, %mul3A_1 : i32
    "tpu.region"() ({
      %run_scoped3A = tpu.sem_alloc : memref<!tpu.dma_semaphore, #tpu.memory_space<semaphore_mem>>
      %dma_start3A = arith.constant 0 : i32
      %dma_start3A_11 = tpu.memref_slice %arg13[%mul3A_2, %dma_start3A] : memref<100352x16xf32, #tpu.memory_space<vmem_shared>> -> memref<6272x16xf32, #tpu.memory_space<vmem_shared>>
      %dma_start3A_12 = arith.constant 0 : i32
      %dma_start3A_13 = tpu.memref_slice %arg6[%mul3A_2, %dma_start3A_12] : memref<100352x16xf32, #tpu.memory_space<hbm>> -> memref<6272x16xf32, #tpu.memory_space<hbm>>
      tpu.enqueue_dma source(%dma_start3A_13 : memref<6272x16xf32, #tpu.memory_space<hbm>>) target(%dma_start3A_11 : memref<6272x16xf32, #tpu.memory_space<vmem_shared>>) target_semaphore(%run_scoped3A : memref<!tpu.dma_semaphore, #tpu.memory_space<semaphore_mem>>)
      %dma_wait3A = arith.constant 0 : i32
      %dma_wait3A_14 = tpu.memref_slice %arg13[%mul3A_2, %dma_wait3A] : memref<100352x16xf32, #tpu.memory_space<vmem_shared>> -> memref<6272x16xf32, #tpu.memory_space<vmem_shared>>
      %dma_wait3A_15 = arith.constant 0 : i32
      %dma_wait3A_16 = tpu.memref_slice %arg6[%mul3A_2, %dma_wait3A_15] : memref<100352x16xf32, #tpu.memory_space<hbm>> -> memref<6272x16xf32, #tpu.memory_space<hbm>>
      tpu.wait_dma2 semaphore(%run_scoped3A : memref<!tpu.dma_semaphore, #tpu.memory_space<semaphore_mem>>) src(%dma_wait3A_16 : memref<6272x16xf32, #tpu.memory_space<hbm>>) dst(%dma_wait3A_14 : memref<6272x16xf32, #tpu.memory_space<vmem_shared>>)
      tpu.yield
    }) : () -> ()
    %barrier3A = arith.constant 0 : index
    tpu.barrier barrier_id(%barrier3A)
    %mul3A_3 = arith.constant 392 : i32
    %mul3A_4 = arith.muli %add3A, %mul3A_3 : i32
    %scan3A = arith.constant 0 : i32
    %scan3A_5 = arith.constant 0 : i32
    %scan3A_6 = arith.constant 49 : i32
    %scan3A_7 = arith.addi %scan3A_5, %scan3A_6 : i32
    %scan3A_8 = arith.constant 1 : i32
    scf.for %scan3A_11 = %scan3A_5 to %scan3A_7 step %scan3A_8  : i32 {
      %mul3A_12 = arith.constant 8 : i32
      %mul3A_13 = arith.muli %scan3A_11, %mul3A_12 : i32
      %add3A_14 = arith.addi %mul3A_4, %mul3A_13 : i32
      "tpu.region"() ({
        %run_scoped3A = tpu.sem_alloc : memref<!tpu.dma_semaphore, #tpu.memory_space<semaphore_mem>>
        %dma_start3A_262 = arith.constant 0 : i32
        %dma_start3A_263 = tpu.memref_slice %arg2[%add3A_14, %dma_start3A_262] : memref<12544x128xi32, #tpu.memory_space<hbm>> -> memref<8x128xi32, #tpu.memory_space<hbm>>
        %dma_start3A_264 = arith.constant 0 : i32
        %dma_start3A_265 = tpu.memref_slice %arg2[%add3A_14, %dma_start3A_264] : memref<12544x128xi32, #tpu.memory_space<hbm>> -> memref<8x128xi32, #tpu.memory_space<hbm>>
        tpu.enqueue_dma source(%dma_start3A_265 : memref<8x128xi32, #tpu.memory_space<hbm>>) target(%arg8 : memref<8x128xi32, #tpu.memory_space<vmem>>) target_semaphore(%run_scoped3A : memref<!tpu.dma_semaphore, #tpu.memory_space<semaphore_mem>>)
        %dma_wait3A_266 = arith.constant 0 : i32
        %dma_wait3A_267 = tpu.memref_slice %arg2[%add3A_14, %dma_wait3A_266] : memref<12544x128xi32, #tpu.memory_space<hbm>> -> memref<8x128xi32, #tpu.memory_space<hbm>>
        %dma_wait3A_268 = arith.constant 0 : i32
        %dma_wait3A_269 = tpu.memref_slice %arg2[%add3A_14, %dma_wait3A_268] : memref<12544x128xi32, #tpu.memory_space<hbm>> -> memref<8x128xi32, #tpu.memory_space<hbm>>
        tpu.wait_dma2 semaphore(%run_scoped3A : memref<!tpu.dma_semaphore, #tpu.memory_space<semaphore_mem>>) src(%dma_wait3A_269 : memref<8x128xi32, #tpu.memory_space<hbm>>) dst(%arg8 : memref<8x128xi32, #tpu.memory_space<vmem>>)
        tpu.yield
      }) : () -> ()
      "tpu.region"() ({
        %run_scoped3A = tpu.sem_alloc : memref<!tpu.dma_semaphore, #tpu.memory_space<semaphore_mem>>
        %dma_start3A_262 = arith.constant 0 : i32
        %dma_start3A_263 = tpu.memref_slice %arg3[%add3A_14, %dma_start3A_262] : memref<12544x128xi32, #tpu.memory_space<hbm>> -> memref<8x128xi32, #tpu.memory_space<hbm>>
        %dma_start3A_264 = arith.constant 0 : i32
        %dma_start3A_265 = tpu.memref_slice %arg3[%add3A_14, %dma_start3A_264] : memref<12544x128xi32, #tpu.memory_space<hbm>> -> memref<8x128xi32, #tpu.memory_space<hbm>>
        tpu.enqueue_dma source(%dma_start3A_265 : memref<8x128xi32, #tpu.memory_space<hbm>>) target(%arg9 : memref<8x128xi32, #tpu.memory_space<vmem>>) target_semaphore(%run_scoped3A : memref<!tpu.dma_semaphore, #tpu.memory_space<semaphore_mem>>)
        %dma_wait3A_266 = arith.constant 0 : i32
        %dma_wait3A_267 = tpu.memref_slice %arg3[%add3A_14, %dma_wait3A_266] : memref<12544x128xi32, #tpu.memory_space<hbm>> -> memref<8x128xi32, #tpu.memory_space<hbm>>
        %dma_wait3A_268 = arith.constant 0 : i32
        %dma_wait3A_269 = tpu.memref_slice %arg3[%add3A_14, %dma_wait3A_268] : memref<12544x128xi32, #tpu.memory_space<hbm>> -> memref<8x128xi32, #tpu.memory_space<hbm>>
        tpu.wait_dma2 semaphore(%run_scoped3A : memref<!tpu.dma_semaphore, #tpu.memory_space<semaphore_mem>>) src(%dma_wait3A_269 : memref<8x128xi32, #tpu.memory_space<hbm>>) dst(%arg9 : memref<8x128xi32, #tpu.memory_space<vmem>>)
        tpu.yield
      }) : () -> ()
      %mul3A_15 = arith.constant 128 : i32
      %mul3A_16 = arith.muli %add3A_14, %mul3A_15 : i32
      "tpu.region"() ({
        %run_scoped3A = tpu.sem_alloc : memref<!tpu.dma_semaphore, #tpu.memory_space<semaphore_mem>>
        %dma_start3A_262 = tpu.memref_slice %arg4[%mul3A_16] : memref<1605632xf32, #tpu.memory_space<hbm>> -> memref<1024xf32, #tpu.memory_space<hbm>>
        %dma_start3A_263 = tpu.memref_slice %arg4[%mul3A_16] : memref<1605632xf32, #tpu.memory_space<hbm>> -> memref<1024xf32, #tpu.memory_space<hbm>>
        tpu.enqueue_dma source(%dma_start3A_263 : memref<1024xf32, #tpu.memory_space<hbm>>) target(%arg10 : memref<1024xf32, #tpu.memory_space<vmem>>) target_semaphore(%run_scoped3A : memref<!tpu.dma_semaphore, #tpu.memory_space<semaphore_mem>>)
        %dma_wait3A_264 = tpu.memref_slice %arg4[%mul3A_16] : memref<1605632xf32, #tpu.memory_space<hbm>> -> memref<1024xf32, #tpu.memory_space<hbm>>
        %dma_wait3A_265 = tpu.memref_slice %arg4[%mul3A_16] : memref<1605632xf32, #tpu.memory_space<hbm>> -> memref<1024xf32, #tpu.memory_space<hbm>>
        tpu.wait_dma2 semaphore(%run_scoped3A : memref<!tpu.dma_semaphore, #tpu.memory_space<semaphore_mem>>) src(%dma_wait3A_265 : memref<1024xf32, #tpu.memory_space<hbm>>) dst(%arg10 : memref<1024xf32, #tpu.memory_space<vmem>>)
        tpu.yield
      }) : () -> ()
      %dma_start3A = arith.constant 0 : i32
      %dma_start3A_17 = arith.constant 0 : i32
      %dma_start3A_18 = tpu.memref_slice %arg8[%dma_start3A, %dma_start3A_17] : memref<8x128xi32, #tpu.memory_space<vmem>> -> memref<1x128xi32, #tpu.memory_space<vmem>>
      %dma_start3A_19 = tpu.memref_squeeze %dma_start3A_18 : memref<1x128xi32, #tpu.memory_space<vmem>> -> memref<128xi32, #tpu.memory_space<vmem>>
      %dma_start3A_20 = arith.constant 0 : i32
      %dma_start3A_21 = arith.constant 0 : i32
      %dma_start3A_22 = tpu.memref_slice %arg5[%dma_start3A_20, %dma_start3A_21] : memref<100352x16xf32, #tpu.memory_space<hbm>> -> memref<100352x16xf32, #tpu.memory_space<hbm>>
      tpu.enqueue_indirect_dma source(%dma_start3A_22 : memref<100352x16xf32, #tpu.memory_space<hbm>>) target(%arg11 : memref<128x16xf32, #tpu.memory_space<vmem>>) offsets(%dma_start3A_19 : memref<128xi32, #tpu.memory_space<vmem>>) semaphore(%arg14 : memref<!tpu.dma_semaphore, #tpu.memory_space<semaphore_mem>>)
      %dma_wait3A = arith.constant 0 : i32
      %dma_wait3A_23 = arith.constant 0 : i32
      %dma_wait3A_24 = tpu.memref_slice %arg8[%dma_wait3A, %dma_wait3A_23] : memref<8x128xi32, #tpu.memory_space<vmem>> -> memref<1x128xi32, #tpu.memory_space<vmem>>
      %dma_wait3A_25 = tpu.memref_squeeze %dma_wait3A_24 : memref<1x128xi32, #tpu.memory_space<vmem>> -> memref<128xi32, #tpu.memory_space<vmem>>
      %dma_wait3A_26 = arith.constant 0 : i32
      %dma_wait3A_27 = arith.constant 0 : i32
      %dma_wait3A_28 = tpu.memref_slice %arg5[%dma_wait3A_26, %dma_wait3A_27] : memref<100352x16xf32, #tpu.memory_space<hbm>> -> memref<100352x16xf32, #tpu.memory_space<hbm>>
      tpu.wait_indirect_dma semaphore(%arg14 : memref<!tpu.dma_semaphore, #tpu.memory_space<semaphore_mem>>) src(%dma_wait3A_28 : memref<100352x16xf32, #tpu.memory_space<hbm>>) dst(%arg11 : memref<128x16xf32, #tpu.memory_space<vmem>>)
      %dma_start3A_29 = arith.constant 1 : i32
      %dma_start3A_30 = arith.constant 0 : i32
      %dma_start3A_31 = tpu.memref_slice %arg8[%dma_start3A_29, %dma_start3A_30] : memref<8x128xi32, #tpu.memory_space<vmem>> -> memref<1x128xi32, #tpu.memory_space<vmem>>
      %dma_start3A_32 = tpu.memref_squeeze %dma_start3A_31 : memref<1x128xi32, #tpu.memory_space<vmem>> -> memref<128xi32, #tpu.memory_space<vmem>>
      %dma_start3A_33 = arith.constant 0 : i32
      %dma_start3A_34 = arith.constant 0 : i32
      %dma_start3A_35 = tpu.memref_slice %arg5[%dma_start3A_33, %dma_start3A_34] : memref<100352x16xf32, #tpu.memory_space<hbm>> -> memref<100352x16xf32, #tpu.memory_space<hbm>>
      tpu.enqueue_indirect_dma source(%dma_start3A_35 : memref<100352x16xf32, #tpu.memory_space<hbm>>) target(%arg12 : memref<128x16xf32, #tpu.memory_space<vmem>>) offsets(%dma_start3A_32 : memref<128xi32, #tpu.memory_space<vmem>>) semaphore(%arg15 : memref<!tpu.dma_semaphore, #tpu.memory_space<semaphore_mem>>)
      %parallel_loop3A = arith.constant 0 : i32
      %parallel_loop3A_36 = arith.constant 128 : i32
      %parallel_loop3A_37 = arith.constant 1 : i32
      scf.for %parallel_loop3A_262 = %parallel_loop3A to %parallel_loop3A_36 step %parallel_loop3A_37  : i32 {
        %parallel_loop3A_263 = arith.constant 0 : i32
        %parallel_loop3A_264 = arith.addi %parallel_loop3A_263, %parallel_loop3A_262 : i32
        %parallel_loop3A_265 = vector.broadcast %parallel_loop3A_264 : i32 to vector<16xi32>
        %parallel_loop3A_266 = tpu.vector_load_idx %arg10[%parallel_loop3A_265] : memref<1024xf32, #tpu.memory_space<vmem>>[vector<16xi32>], vector<16xf32>,
        %parallel_loop3A_267 = arith.index_cast %parallel_loop3A_262 : i32 to index
        %parallel_loop3A_268 = arith.constant 0 : index
        %parallel_loop3A_269 = tpu.vector_load %arg11[%parallel_loop3A_267, %parallel_loop3A_268] {strides = array<i32>} : memref<128x16xf32, #tpu.memory_space<vmem>>, vector<16xf32>,
        %parallel_loop3A_270 = arith.mulf %parallel_loop3A_269, %parallel_loop3A_266 : vector<16xf32>
        %parallel_loop3A_271 = arith.index_cast %parallel_loop3A_262 : i32 to index
        %parallel_loop3A_272 = arith.constant 0 : index
        %parallel_loop3A_273 = tpu.vector_load %arg11[%parallel_loop3A_271, %parallel_loop3A_272] {strides = array<i32>} : memref<128x16xf32, #tpu.memory_space<vmem>>, vector<16xf32>,
        tpu.vector_store %arg11[%parallel_loop3A_271, %parallel_loop3A_272], %parallel_loop3A_270 {strides = array<i32>} : memref<128x16xf32, #tpu.memory_space<vmem>>, vector<16xf32>,
      } {sc.loop_unroll_factor = 8 : i64, sc.parallel_access}
      %dma_start3A_38 = arith.constant 0 : i32
      %dma_start3A_39 = arith.constant 0 : i32
      %dma_start3A_40 = tpu.memref_slice %arg9[%dma_start3A_38, %dma_start3A_39] : memref<8x128xi32, #tpu.memory_space<vmem>> -> memref<1x128xi32, #tpu.memory_space<vmem>>
      %dma_start3A_41 = tpu.memref_squeeze %dma_start3A_40 : memref<1x128xi32, #tpu.memory_space<vmem>> -> memref<128xi32, #tpu.memory_space<vmem>>
      %dma_start3A_42 = arith.constant 0 : i32
      %dma_start3A_43 = arith.constant 0 : i32
      %dma_start3A_44 = tpu.memref_slice %arg13[%dma_start3A_42, %dma_start3A_43] : memref<100352x16xf32, #tpu.memory_space<vmem_shared>> -> memref<100352x16xf32, #tpu.memory_space<vmem_shared>>
      tpu.enqueue_indirect_dma source(%arg11 : memref<128x16xf32, #tpu.memory_space<vmem>>) target(%dma_start3A_44 : memref<100352x16xf32, #tpu.memory_space<vmem_shared>>) offsets(%dma_start3A_41 : memref<128xi32, #tpu.memory_space<vmem>>) semaphore(%arg16 : memref<!tpu.dma_semaphore, #tpu.memory_space<semaphore_mem>>) {add = true}
      %dma_wait3A_45 = arith.constant 1 : i32
      %dma_wait3A_46 = arith.constant 0 : i32
      %dma_wait3A_47 = tpu.memref_slice %arg8[%dma_wait3A_45, %dma_wait3A_46] : memref<8x128xi32, #tpu.memory_space<vmem>> -> memref<1x128xi32, #tpu.memory_space<vmem>>
      %dma_wait3A_48 = tpu.memref_squeeze %dma_wait3A_47 : memref<1x128xi32, #tpu.memory_space<vmem>> -> memref<128xi32, #tpu.memory_space<vmem>>
      %dma_wait3A_49 = arith.constant 0 : i32
      %dma_wait3A_50 = arith.constant 0 : i32
      %dma_wait3A_51 = tpu.memref_slice %arg5[%dma_wait3A_49, %dma_wait3A_50] : memref<100352x16xf32, #tpu.memory_space<hbm>> -> memref<100352x16xf32, #tpu.memory_space<hbm>>
      tpu.wait_indirect_dma semaphore(%arg15 : memref<!tpu.dma_semaphore, #tpu.memory_space<semaphore_mem>>) src(%dma_wait3A_51 : memref<100352x16xf32, #tpu.memory_space<hbm>>) dst(%arg12 : memref<128x16xf32, #tpu.memory_space<vmem>>)
      %dma_wait3A_52 = arith.constant 0 : i32
      %dma_wait3A_53 = arith.constant 0 : i32
      %dma_wait3A_54 = tpu.memref_slice %arg9[%dma_wait3A_52, %dma_wait3A_53] : memref<8x128xi32, #tpu.memory_space<vmem>> -> memref<1x128xi32, #tpu.memory_space<vmem>>
      %dma_wait3A_55 = tpu.memref_squeeze %dma_wait3A_54 : memref<1x128xi32, #tpu.memory_space<vmem>> -> memref<128xi32, #tpu.memory_space<vmem>>
      %dma_wait3A_56 = arith.constant 0 : i32
      %dma_wait3A_57 = arith.constant 0 : i32
      %dma_wait3A_58 = tpu.memref_slice %arg13[%dma_wait3A_56, %dma_wait3A_57] : memref<100352x16xf32, #tpu.memory_space<vmem_shared>> -> memref<100352x16xf32, #tpu.memory_space<vmem_shared>>
      tpu.wait_indirect_dma semaphore(%arg16 : memref<!tpu.dma_semaphore, #tpu.memory_space<semaphore_mem>>) src(%arg11 : memref<128x16xf32, #tpu.memory_space<vmem>>) dst(%dma_wait3A_58 : memref<100352x16xf32, #tpu.memory_space<vmem_shared>>)
      %dma_start3A_59 = arith.constant 2 : i32
      %dma_start3A_60 = arith.constant 0 : i32
      %dma_start3A_61 = tpu.memref_slice %arg8[%dma_start3A_59, %dma_start3A_60] : memref<8x128xi32, #tpu.memory_space<vmem>> -> memref<1x128xi32, #tpu.memory_space<vmem>>
      %dma_start3A_62 = tpu.memref_squeeze %dma_start3A_61 : memref<1x128xi32, #tpu.memory_space<vmem>> -> memref<128xi32, #tpu.memory_space<vmem>>
      %dma_start3A_63 = arith.constant 0 : i32
      %dma_start3A_64 = arith.constant 0 : i32
      %dma_start3A_65 = tpu.memref_slice %arg5[%dma_start3A_63, %dma_start3A_64] : memref<100352x16xf32, #tpu.memory_space<hbm>> -> memref<100352x16xf32, #tpu.memory_space<hbm>>
      tpu.enqueue_indirect_dma source(%dma_start3A_65 : memref<100352x16xf32, #tpu.memory_space<hbm>>) target(%arg11 : memref<128x16xf32, #tpu.memory_space<vmem>>) offsets(%dma_start3A_62 : memref<128xi32, #tpu.memory_space<vmem>>) semaphore(%arg14 : memref<!tpu.dma_semaphore, #tpu.memory_space<semaphore_mem>>)
      %parallel_loop3A_66 = arith.constant 0 : i32
      %parallel_loop3A_67 = arith.constant 128 : i32
      %parallel_loop3A_68 = arith.constant 1 : i32
      scf.for %parallel_loop3A_262 = %parallel_loop3A_66 to %parallel_loop3A_67 step %parallel_loop3A_68  : i32 {
        %parallel_loop3A_263 = arith.constant 128 : i32
        %parallel_loop3A_264 = arith.addi %parallel_loop3A_263, %parallel_loop3A_262 : i32
        %parallel_loop3A_265 = vector.broadcast %parallel_loop3A_264 : i32 to vector<16xi32>
        %parallel_loop3A_266 = tpu.vector_load_idx %arg10[%parallel_loop3A_265] : memref<1024xf32, #tpu.memory_space<vmem>>[vector<16xi32>], vector<16xf32>,
        %parallel_loop3A_267 = arith.index_cast %parallel_loop3A_262 : i32 to index
        %parallel_loop3A_268 = arith.constant 0 : index
        %parallel_loop3A_269 = tpu.vector_load %arg12[%parallel_loop3A_267, %parallel_loop3A_268] {strides = array<i32>} : memref<128x16xf32, #tpu.memory_space<vmem>>, vector<16xf32>,
        %parallel_loop3A_270 = arith.mulf %parallel_loop3A_269, %parallel_loop3A_266 : vector<16xf32>
        %parallel_loop3A_271 = arith.index_cast %parallel_loop3A_262 : i32 to index
        %parallel_loop3A_272 = arith.constant 0 : index
        %parallel_loop3A_273 = tpu.vector_load %arg12[%parallel_loop3A_271, %parallel_loop3A_272] {strides = array<i32>} : memref<128x16xf32, #tpu.memory_space<vmem>>, vector<16xf32>,
        tpu.vector_store %arg12[%parallel_loop3A_271, %parallel_loop3A_272], %parallel_loop3A_270 {strides = array<i32>} : memref<128x16xf32, #tpu.memory_space<vmem>>, vector<16xf32>,
      } {sc.loop_unroll_factor = 8 : i64, sc.parallel_access}
      %dma_start3A_69 = arith.constant 1 : i32
      %dma_start3A_70 = arith.constant 0 : i32
      %dma_start3A_71 = tpu.memref_slice %arg9[%dma_start3A_69, %dma_start3A_70] : memref<8x128xi32, #tpu.memory_space<vmem>> -> memref<1x128xi32, #tpu.memory_space<vmem>>
      %dma_start3A_72 = tpu.memref_squeeze %dma_start3A_71 : memref<1x128xi32, #tpu.memory_space<vmem>> -> memref<128xi32, #tpu.memory_space<vmem>>
      %dma_start3A_73 = arith.constant 0 : i32
      %dma_start3A_74 = arith.constant 0 : i32
      %dma_start3A_75 = tpu.memref_slice %arg13[%dma_start3A_73, %dma_start3A_74] : memref<100352x16xf32, #tpu.memory_space<vmem_shared>> -> memref<100352x16xf32, #tpu.memory_space<vmem_shared>>
      tpu.enqueue_indirect_dma source(%arg12 : memref<128x16xf32, #tpu.memory_space<vmem>>) target(%dma_start3A_75 : memref<100352x16xf32, #tpu.memory_space<vmem_shared>>) offsets(%dma_start3A_72 : memref<128xi32, #tpu.memory_space<vmem>>) semaphore(%arg17 : memref<!tpu.dma_semaphore, #tpu.memory_space<semaphore_mem>>) {add = true}
      %dma_wait3A_76 = arith.constant 2 : i32
      %dma_wait3A_77 = arith.constant 0 : i32
      %dma_wait3A_78 = tpu.memref_slice %arg8[%dma_wait3A_76, %dma_wait3A_77] : memref<8x128xi32, #tpu.memory_space<vmem>> -> memref<1x128xi32, #tpu.memory_space<vmem>>
      %dma_wait3A_79 = tpu.memref_squeeze %dma_wait3A_78 : memref<1x128xi32, #tpu.memory_space<vmem>> -> memref<128xi32, #tpu.memory_space<vmem>>
      %dma_wait3A_80 = arith.constant 0 : i32
      %dma_wait3A_81 = arith.constant 0 : i32
      %dma_wait3A_82 = tpu.memref_slice %arg5[%dma_wait3A_80, %dma_wait3A_81] : memref<100352x16xf32, #tpu.memory_space<hbm>> -> memref<100352x16xf32, #tpu.memory_space<hbm>>
      tpu.wait_indirect_dma semaphore(%arg14 : memref<!tpu.dma_semaphore, #tpu.memory_space<semaphore_mem>>) src(%dma_wait3A_82 : memref<100352x16xf32, #tpu.memory_space<hbm>>) dst(%arg11 : memref<128x16xf32, #tpu.memory_space<vmem>>)
      %dma_wait3A_83 = arith.constant 1 : i32
      %dma_wait3A_84 = arith.constant 0 : i32
      %dma_wait3A_85 = tpu.memref_slice %arg9[%dma_wait3A_83, %dma_wait3A_84] : memref<8x128xi32, #tpu.memory_space<vmem>> -> memref<1x128xi32, #tpu.memory_space<vmem>>
      %dma_wait3A_86 = tpu.memref_squeeze %dma_wait3A_85 : memref<1x128xi32, #tpu.memory_space<vmem>> -> memref<128xi32, #tpu.memory_space<vmem>>
      %dma_wait3A_87 = arith.constant 0 : i32
      %dma_wait3A_88 = arith.constant 0 : i32
      %dma_wait3A_89 = tpu.memref_slice %arg13[%dma_wait3A_87, %dma_wait3A_88] : memref<100352x16xf32, #tpu.memory_space<vmem_shared>> -> memref<100352x16xf32, #tpu.memory_space<vmem_shared>>
      tpu.wait_indirect_dma semaphore(%arg17 : memref<!tpu.dma_semaphore, #tpu.memory_space<semaphore_mem>>) src(%arg12 : memref<128x16xf32, #tpu.memory_space<vmem>>) dst(%dma_wait3A_89 : memref<100352x16xf32, #tpu.memory_space<vmem_shared>>)
      %dma_start3A_90 = arith.constant 3 : i32
      %dma_start3A_91 = arith.constant 0 : i32
      %dma_start3A_92 = tpu.memref_slice %arg8[%dma_start3A_90, %dma_start3A_91] : memref<8x128xi32, #tpu.memory_space<vmem>> -> memref<1x128xi32, #tpu.memory_space<vmem>>
      %dma_start3A_93 = tpu.memref_squeeze %dma_start3A_92 : memref<1x128xi32, #tpu.memory_space<vmem>> -> memref<128xi32, #tpu.memory_space<vmem>>
      %dma_start3A_94 = arith.constant 0 : i32
      %dma_start3A_95 = arith.constant 0 : i32
      %dma_start3A_96 = tpu.memref_slice %arg5[%dma_start3A_94, %dma_start3A_95] : memref<100352x16xf32, #tpu.memory_space<hbm>> -> memref<100352x16xf32, #tpu.memory_space<hbm>>
      tpu.enqueue_indirect_dma source(%dma_start3A_96 : memref<100352x16xf32, #tpu.memory_space<hbm>>) target(%arg12 : memref<128x16xf32, #tpu.memory_space<vmem>>) offsets(%dma_start3A_93 : memref<128xi32, #tpu.memory_space<vmem>>) semaphore(%arg15 : memref<!tpu.dma_semaphore, #tpu.memory_space<semaphore_mem>>)
      %parallel_loop3A_97 = arith.constant 0 : i32
      %parallel_loop3A_98 = arith.constant 128 : i32
      %parallel_loop3A_99 = arith.constant 1 : i32
      scf.for %parallel_loop3A_262 = %parallel_loop3A_97 to %parallel_loop3A_98 step %parallel_loop3A_99  : i32 {
        %parallel_loop3A_263 = arith.constant 256 : i32
        %parallel_loop3A_264 = arith.addi %parallel_loop3A_263, %parallel_loop3A_262 : i32
        %parallel_loop3A_265 = vector.broadcast %parallel_loop3A_264 : i32 to vector<16xi32>
        %parallel_loop3A_266 = tpu.vector_load_idx %arg10[%parallel_loop3A_265] : memref<1024xf32, #tpu.memory_space<vmem>>[vector<16xi32>], vector<16xf32>,
        %parallel_loop3A_267 = arith.index_cast %parallel_loop3A_262 : i32 to index
        %parallel_loop3A_268 = arith.constant 0 : index
        %parallel_loop3A_269 = tpu.vector_load %arg11[%parallel_loop3A_267, %parallel_loop3A_268] {strides = array<i32>} : memref<128x16xf32, #tpu.memory_space<vmem>>, vector<16xf32>,
        %parallel_loop3A_270 = arith.mulf %parallel_loop3A_269, %parallel_loop3A_266 : vector<16xf32>
        %parallel_loop3A_271 = arith.index_cast %parallel_loop3A_262 : i32 to index
        %parallel_loop3A_272 = arith.constant 0 : index
        %parallel_loop3A_273 = tpu.vector_load %arg11[%parallel_loop3A_271, %parallel_loop3A_272] {strides = array<i32>} : memref<128x16xf32, #tpu.memory_space<vmem>>, vector<16xf32>,
        tpu.vector_store %arg11[%parallel_loop3A_271, %parallel_loop3A_272], %parallel_loop3A_270 {strides = array<i32>} : memref<128x16xf32, #tpu.memory_space<vmem>>, vector<16xf32>,
      } {sc.loop_unroll_factor = 8 : i64, sc.parallel_access}
      %dma_start3A_100 = arith.constant 2 : i32
      %dma_start3A_101 = arith.constant 0 : i32
      %dma_start3A_102 = tpu.memref_slice %arg9[%dma_start3A_100, %dma_start3A_101] : memref<8x128xi32, #tpu.memory_space<vmem>> -> memref<1x128xi32, #tpu.memory_space<vmem>>
      %dma_start3A_103 = tpu.memref_squeeze %dma_start3A_102 : memref<1x128xi32, #tpu.memory_space<vmem>> -> memref<128xi32, #tpu.memory_space<vmem>>
      %dma_start3A_104 = arith.constant 0 : i32
      %dma_start3A_105 = arith.constant 0 : i32
      %dma_start3A_106 = tpu.memref_slice %arg13[%dma_start3A_104, %dma_start3A_105] : memref<100352x16xf32, #tpu.memory_space<vmem_shared>> -> memref<100352x16xf32, #tpu.memory_space<vmem_shared>>
      tpu.enqueue_indirect_dma source(%arg11 : memref<128x16xf32, #tpu.memory_space<vmem>>) target(%dma_start3A_106 : memref<100352x16xf32, #tpu.memory_space<vmem_shared>>) offsets(%dma_start3A_103 : memref<128xi32, #tpu.memory_space<vmem>>) semaphore(%arg16 : memref<!tpu.dma_semaphore, #tpu.memory_space<semaphore_mem>>) {add = true}
      %dma_wait3A_107 = arith.constant 3 : i32
      %dma_wait3A_108 = arith.constant 0 : i32
      %dma_wait3A_109 = tpu.memref_slice %arg8[%dma_wait3A_107, %dma_wait3A_108] : memref<8x128xi32, #tpu.memory_space<vmem>> -> memref<1x128xi32, #tpu.memory_space<vmem>>
      %dma_wait3A_110 = tpu.memref_squeeze %dma_wait3A_109 : memref<1x128xi32, #tpu.memory_space<vmem>> -> memref<128xi32, #tpu.memory_space<vmem>>
      %dma_wait3A_111 = arith.constant 0 : i32
      %dma_wait3A_112 = arith.constant 0 : i32
      %dma_wait3A_113 = tpu.memref_slice %arg5[%dma_wait3A_111, %dma_wait3A_112] : memref<100352x16xf32, #tpu.memory_space<hbm>> -> memref<100352x16xf32, #tpu.memory_space<hbm>>
      tpu.wait_indirect_dma semaphore(%arg15 : memref<!tpu.dma_semaphore, #tpu.memory_space<semaphore_mem>>) src(%dma_wait3A_113 : memref<100352x16xf32, #tpu.memory_space<hbm>>) dst(%arg12 : memref<128x16xf32, #tpu.memory_space<vmem>>)
      %dma_wait3A_114 = arith.constant 2 : i32
      %dma_wait3A_115 = arith.constant 0 : i32
      %dma_wait3A_116 = tpu.memref_slice %arg9[%dma_wait3A_114, %dma_wait3A_115] : memref<8x128xi32, #tpu.memory_space<vmem>> -> memref<1x128xi32, #tpu.memory_space<vmem>>
      %dma_wait3A_117 = tpu.memref_squeeze %dma_wait3A_116 : memref<1x128xi32, #tpu.memory_space<vmem>> -> memref<128xi32, #tpu.memory_space<vmem>>
      %dma_wait3A_118 = arith.constant 0 : i32
      %dma_wait3A_119 = arith.constant 0 : i32
      %dma_wait3A_120 = tpu.memref_slice %arg13[%dma_wait3A_118, %dma_wait3A_119] : memref<100352x16xf32, #tpu.memory_space<vmem_shared>> -> memref<100352x16xf32, #tpu.memory_space<vmem_shared>>
      tpu.wait_indirect_dma semaphore(%arg16 : memref<!tpu.dma_semaphore, #tpu.memory_space<semaphore_mem>>) src(%arg11 : memref<128x16xf32, #tpu.memory_space<vmem>>) dst(%dma_wait3A_120 : memref<100352x16xf32, #tpu.memory_space<vmem_shared>>)
      %dma_start3A_121 = arith.constant 4 : i32
      %dma_start3A_122 = arith.constant 0 : i32
      %dma_start3A_123 = tpu.memref_slice %arg8[%dma_start3A_121, %dma_start3A_122] : memref<8x128xi32, #tpu.memory_space<vmem>> -> memref<1x128xi32, #tpu.memory_space<vmem>>
      %dma_start3A_124 = tpu.memref_squeeze %dma_start3A_123 : memref<1x128xi32, #tpu.memory_space<vmem>> -> memref<128xi32, #tpu.memory_space<vmem>>
      %dma_start3A_125 = arith.constant 0 : i32
      %dma_start3A_126 = arith.constant 0 : i32
      %dma_start3A_127 = tpu.memref_slice %arg5[%dma_start3A_125, %dma_start3A_126] : memref<100352x16xf32, #tpu.memory_space<hbm>> -> memref<100352x16xf32, #tpu.memory_space<hbm>>
      tpu.enqueue_indirect_dma source(%dma_start3A_127 : memref<100352x16xf32, #tpu.memory_space<hbm>>) target(%arg11 : memref<128x16xf32, #tpu.memory_space<vmem>>) offsets(%dma_start3A_124 : memref<128xi32, #tpu.memory_space<vmem>>) semaphore(%arg14 : memref<!tpu.dma_semaphore, #tpu.memory_space<semaphore_mem>>)
      %parallel_loop3A_128 = arith.constant 0 : i32
      %parallel_loop3A_129 = arith.constant 128 : i32
      %parallel_loop3A_130 = arith.constant 1 : i32
      scf.for %parallel_loop3A_262 = %parallel_loop3A_128 to %parallel_loop3A_129 step %parallel_loop3A_130  : i32 {
        %parallel_loop3A_263 = arith.constant 384 : i32
        %parallel_loop3A_264 = arith.addi %parallel_loop3A_263, %parallel_loop3A_262 : i32
        %parallel_loop3A_265 = vector.broadcast %parallel_loop3A_264 : i32 to vector<16xi32>
        %parallel_loop3A_266 = tpu.vector_load_idx %arg10[%parallel_loop3A_265] : memref<1024xf32, #tpu.memory_space<vmem>>[vector<16xi32>], vector<16xf32>,
        %parallel_loop3A_267 = arith.index_cast %parallel_loop3A_262 : i32 to index
        %parallel_loop3A_268 = arith.constant 0 : index
        %parallel_loop3A_269 = tpu.vector_load %arg12[%parallel_loop3A_267, %parallel_loop3A_268] {strides = array<i32>} : memref<128x16xf32, #tpu.memory_space<vmem>>, vector<16xf32>,
        %parallel_loop3A_270 = arith.mulf %parallel_loop3A_269, %parallel_loop3A_266 : vector<16xf32>
        %parallel_loop3A_271 = arith.index_cast %parallel_loop3A_262 : i32 to index
        %parallel_loop3A_272 = arith.constant 0 : index
        %parallel_loop3A_273 = tpu.vector_load %arg12[%parallel_loop3A_271, %parallel_loop3A_272] {strides = array<i32>} : memref<128x16xf32, #tpu.memory_space<vmem>>, vector<16xf32>,
        tpu.vector_store %arg12[%parallel_loop3A_271, %parallel_loop3A_272], %parallel_loop3A_270 {strides = array<i32>} : memref<128x16xf32, #tpu.memory_space<vmem>>, vector<16xf32>,
      } {sc.loop_unroll_factor = 8 : i64, sc.parallel_access}
      %dma_start3A_131 = arith.constant 3 : i32
      %dma_start3A_132 = arith.constant 0 : i32
      %dma_start3A_133 = tpu.memref_slice %arg9[%dma_start3A_131, %dma_start3A_132] : memref<8x128xi32, #tpu.memory_space<vmem>> -> memref<1x128xi32, #tpu.memory_space<vmem>>
      %dma_start3A_134 = tpu.memref_squeeze %dma_start3A_133 : memref<1x128xi32, #tpu.memory_space<vmem>> -> memref<128xi32, #tpu.memory_space<vmem>>
      %dma_start3A_135 = arith.constant 0 : i32
      %dma_start3A_136 = arith.constant 0 : i32
      %dma_start3A_137 = tpu.memref_slice %arg13[%dma_start3A_135, %dma_start3A_136] : memref<100352x16xf32, #tpu.memory_space<vmem_shared>> -> memref<100352x16xf32, #tpu.memory_space<vmem_shared>>
      tpu.enqueue_indirect_dma source(%arg12 : memref<128x16xf32, #tpu.memory_space<vmem>>) target(%dma_start3A_137 : memref<100352x16xf32, #tpu.memory_space<vmem_shared>>) offsets(%dma_start3A_134 : memref<128xi32, #tpu.memory_space<vmem>>) semaphore(%arg17 : memref<!tpu.dma_semaphore, #tpu.memory_space<semaphore_mem>>) {add = true}
      %dma_wait3A_138 = arith.constant 4 : i32
      %dma_wait3A_139 = arith.constant 0 : i32
      %dma_wait3A_140 = tpu.memref_slice %arg8[%dma_wait3A_138, %dma_wait3A_139] : memref<8x128xi32, #tpu.memory_space<vmem>> -> memref<1x128xi32, #tpu.memory_space<vmem>>
      %dma_wait3A_141 = tpu.memref_squeeze %dma_wait3A_140 : memref<1x128xi32, #tpu.memory_space<vmem>> -> memref<128xi32, #tpu.memory_space<vmem>>
      %dma_wait3A_142 = arith.constant 0 : i32
      %dma_wait3A_143 = arith.constant 0 : i32
      %dma_wait3A_144 = tpu.memref_slice %arg5[%dma_wait3A_142, %dma_wait3A_143] : memref<100352x16xf32, #tpu.memory_space<hbm>> -> memref<100352x16xf32, #tpu.memory_space<hbm>>
      tpu.wait_indirect_dma semaphore(%arg14 : memref<!tpu.dma_semaphore, #tpu.memory_space<semaphore_mem>>) src(%dma_wait3A_144 : memref<100352x16xf32, #tpu.memory_space<hbm>>) dst(%arg11 : memref<128x16xf32, #tpu.memory_space<vmem>>)
      %dma_wait3A_145 = arith.constant 3 : i32
      %dma_wait3A_146 = arith.constant 0 : i32
      %dma_wait3A_147 = tpu.memref_slice %arg9[%dma_wait3A_145, %dma_wait3A_146] : memref<8x128xi32, #tpu.memory_space<vmem>> -> memref<1x128xi32, #tpu.memory_space<vmem>>
      %dma_wait3A_148 = tpu.memref_squeeze %dma_wait3A_147 : memref<1x128xi32, #tpu.memory_space<vmem>> -> memref<128xi32, #tpu.memory_space<vmem>>
      %dma_wait3A_149 = arith.constant 0 : i32
      %dma_wait3A_150 = arith.constant 0 : i32
      %dma_wait3A_151 = tpu.memref_slice %arg13[%dma_wait3A_149, %dma_wait3A_150] : memref<100352x16xf32, #tpu.memory_space<vmem_shared>> -> memref<100352x16xf32, #tpu.memory_space<vmem_shared>>
      tpu.wait_indirect_dma semaphore(%arg17 : memref<!tpu.dma_semaphore, #tpu.memory_space<semaphore_mem>>) src(%arg12 : memref<128x16xf32, #tpu.memory_space<vmem>>) dst(%dma_wait3A_151 : memref<100352x16xf32, #tpu.memory_space<vmem_shared>>)
      %dma_start3A_152 = arith.constant 5 : i32
      %dma_start3A_153 = arith.constant 0 : i32
      %dma_start3A_154 = tpu.memref_slice %arg8[%dma_start3A_152, %dma_start3A_153] : memref<8x128xi32, #tpu.memory_space<vmem>> -> memref<1x128xi32, #tpu.memory_space<vmem>>
      %dma_start3A_155 = tpu.memref_squeeze %dma_start3A_154 : memref<1x128xi32, #tpu.memory_space<vmem>> -> memref<128xi32, #tpu.memory_space<vmem>>
      %dma_start3A_156 = arith.constant 0 : i32
      %dma_start3A_157 = arith.constant 0 : i32
      %dma_start3A_158 = tpu.memref_slice %arg5[%dma_start3A_156, %dma_start3A_157] : memref<100352x16xf32, #tpu.memory_space<hbm>> -> memref<100352x16xf32, #tpu.memory_space<hbm>>
      tpu.enqueue_indirect_dma source(%dma_start3A_158 : memref<100352x16xf32, #tpu.memory_space<hbm>>) target(%arg12 : memref<128x16xf32, #tpu.memory_space<vmem>>) offsets(%dma_start3A_155 : memref<128xi32, #tpu.memory_space<vmem>>) semaphore(%arg15 : memref<!tpu.dma_semaphore, #tpu.memory_space<semaphore_mem>>)
      %parallel_loop3A_159 = arith.constant 0 : i32
      %parallel_loop3A_160 = arith.constant 128 : i32
      %parallel_loop3A_161 = arith.constant 1 : i32
      scf.for %parallel_loop3A_262 = %parallel_loop3A_159 to %parallel_loop3A_160 step %parallel_loop3A_161  : i32 {
        %parallel_loop3A_263 = arith.constant 512 : i32
        %parallel_loop3A_264 = arith.addi %parallel_loop3A_263, %parallel_loop3A_262 : i32
        %parallel_loop3A_265 = vector.broadcast %parallel_loop3A_264 : i32 to vector<16xi32>
        %parallel_loop3A_266 = tpu.vector_load_idx %arg10[%parallel_loop3A_265] : memref<1024xf32, #tpu.memory_space<vmem>>[vector<16xi32>], vector<16xf32>,
        %parallel_loop3A_267 = arith.index_cast %parallel_loop3A_262 : i32 to index
        %parallel_loop3A_268 = arith.constant 0 : index
        %parallel_loop3A_269 = tpu.vector_load %arg11[%parallel_loop3A_267, %parallel_loop3A_268] {strides = array<i32>} : memref<128x16xf32, #tpu.memory_space<vmem>>, vector<16xf32>,
        %parallel_loop3A_270 = arith.mulf %parallel_loop3A_269, %parallel_loop3A_266 : vector<16xf32>
        %parallel_loop3A_271 = arith.index_cast %parallel_loop3A_262 : i32 to index
        %parallel_loop3A_272 = arith.constant 0 : index
        %parallel_loop3A_273 = tpu.vector_load %arg11[%parallel_loop3A_271, %parallel_loop3A_272] {strides = array<i32>} : memref<128x16xf32, #tpu.memory_space<vmem>>, vector<16xf32>,
        tpu.vector_store %arg11[%parallel_loop3A_271, %parallel_loop3A_272], %parallel_loop3A_270 {strides = array<i32>} : memref<128x16xf32, #tpu.memory_space<vmem>>, vector<16xf32>,
      } {sc.loop_unroll_factor = 8 : i64, sc.parallel_access}
      %dma_start3A_162 = arith.constant 4 : i32
      %dma_start3A_163 = arith.constant 0 : i32
      %dma_start3A_164 = tpu.memref_slice %arg9[%dma_start3A_162, %dma_start3A_163] : memref<8x128xi32, #tpu.memory_space<vmem>> -> memref<1x128xi32, #tpu.memory_space<vmem>>
      %dma_start3A_165 = tpu.memref_squeeze %dma_start3A_164 : memref<1x128xi32, #tpu.memory_space<vmem>> -> memref<128xi32, #tpu.memory_space<vmem>>
      %dma_start3A_166 = arith.constant 0 : i32
      %dma_start3A_167 = arith.constant 0 : i32
      %dma_start3A_168 = tpu.memref_slice %arg13[%dma_start3A_166, %dma_start3A_167] : memref<100352x16xf32, #tpu.memory_space<vmem_shared>> -> memref<100352x16xf32, #tpu.memory_space<vmem_shared>>
      tpu.enqueue_indirect_dma source(%arg11 : memref<128x16xf32, #tpu.memory_space<vmem>>) target(%dma_start3A_168 : memref<100352x16xf32, #tpu.memory_space<vmem_shared>>) offsets(%dma_start3A_165 : memref<128xi32, #tpu.memory_space<vmem>>) semaphore(%arg16 : memref<!tpu.dma_semaphore, #tpu.memory_space<semaphore_mem>>) {add = true}
      %dma_wait3A_169 = arith.constant 5 : i32
      %dma_wait3A_170 = arith.constant 0 : i32
      %dma_wait3A_171 = tpu.memref_slice %arg8[%dma_wait3A_169, %dma_wait3A_170] : memref<8x128xi32, #tpu.memory_space<vmem>> -> memref<1x128xi32, #tpu.memory_space<vmem>>
      %dma_wait3A_172 = tpu.memref_squeeze %dma_wait3A_171 : memref<1x128xi32, #tpu.memory_space<vmem>> -> memref<128xi32, #tpu.memory_space<vmem>>
      %dma_wait3A_173 = arith.constant 0 : i32
      %dma_wait3A_174 = arith.constant 0 : i32
      %dma_wait3A_175 = tpu.memref_slice %arg5[%dma_wait3A_173, %dma_wait3A_174] : memref<100352x16xf32, #tpu.memory_space<hbm>> -> memref<100352x16xf32, #tpu.memory_space<hbm>>
      tpu.wait_indirect_dma semaphore(%arg15 : memref<!tpu.dma_semaphore, #tpu.memory_space<semaphore_mem>>) src(%dma_wait3A_175 : memref<100352x16xf32, #tpu.memory_space<hbm>>) dst(%arg12 : memref<128x16xf32, #tpu.memory_space<vmem>>)
      %dma_wait3A_176 = arith.constant 4 : i32
      %dma_wait3A_177 = arith.constant 0 : i32
      %dma_wait3A_178 = tpu.memref_slice %arg9[%dma_wait3A_176, %dma_wait3A_177] : memref<8x128xi32, #tpu.memory_space<vmem>> -> memref<1x128xi32, #tpu.memory_space<vmem>>
      %dma_wait3A_179 = tpu.memref_squeeze %dma_wait3A_178 : memref<1x128xi32, #tpu.memory_space<vmem>> -> memref<128xi32, #tpu.memory_space<vmem>>
      %dma_wait3A_180 = arith.constant 0 : i32
      %dma_wait3A_181 = arith.constant 0 : i32
      %dma_wait3A_182 = tpu.memref_slice %arg13[%dma_wait3A_180, %dma_wait3A_181] : memref<100352x16xf32, #tpu.memory_space<vmem_shared>> -> memref<100352x16xf32, #tpu.memory_space<vmem_shared>>
      tpu.wait_indirect_dma semaphore(%arg16 : memref<!tpu.dma_semaphore, #tpu.memory_space<semaphore_mem>>) src(%arg11 : memref<128x16xf32, #tpu.memory_space<vmem>>) dst(%dma_wait3A_182 : memref<100352x16xf32, #tpu.memory_space<vmem_shared>>)
      %dma_start3A_183 = arith.constant 6 : i32
      %dma_start3A_184 = arith.constant 0 : i32
      %dma_start3A_185 = tpu.memref_slice %arg8[%dma_start3A_183, %dma_start3A_184] : memref<8x128xi32, #tpu.memory_space<vmem>> -> memref<1x128xi32, #tpu.memory_space<vmem>>
      %dma_start3A_186 = tpu.memref_squeeze %dma_start3A_185 : memref<1x128xi32, #tpu.memory_space<vmem>> -> memref<128xi32, #tpu.memory_space<vmem>>
      %dma_start3A_187 = arith.constant 0 : i32
      %dma_start3A_188 = arith.constant 0 : i32
      %dma_start3A_189 = tpu.memref_slice %arg5[%dma_start3A_187, %dma_start3A_188] : memref<100352x16xf32, #tpu.memory_space<hbm>> -> memref<100352x16xf32, #tpu.memory_space<hbm>>
      tpu.enqueue_indirect_dma source(%dma_start3A_189 : memref<100352x16xf32, #tpu.memory_space<hbm>>) target(%arg11 : memref<128x16xf32, #tpu.memory_space<vmem>>) offsets(%dma_start3A_186 : memref<128xi32, #tpu.memory_space<vmem>>) semaphore(%arg14 : memref<!tpu.dma_semaphore, #tpu.memory_space<semaphore_mem>>)
      %parallel_loop3A_190 = arith.constant 0 : i32
      %parallel_loop3A_191 = arith.constant 128 : i32
      %parallel_loop3A_192 = arith.constant 1 : i32
      scf.for %parallel_loop3A_262 = %parallel_loop3A_190 to %parallel_loop3A_191 step %parallel_loop3A_192  : i32 {
        %parallel_loop3A_263 = arith.constant 640 : i32
        %parallel_loop3A_264 = arith.addi %parallel_loop3A_263, %parallel_loop3A_262 : i32
        %parallel_loop3A_265 = vector.broadcast %parallel_loop3A_264 : i32 to vector<16xi32>
        %parallel_loop3A_266 = tpu.vector_load_idx %arg10[%parallel_loop3A_265] : memref<1024xf32, #tpu.memory_space<vmem>>[vector<16xi32>], vector<16xf32>,
        %parallel_loop3A_267 = arith.index_cast %parallel_loop3A_262 : i32 to index
        %parallel_loop3A_268 = arith.constant 0 : index
        %parallel_loop3A_269 = tpu.vector_load %arg12[%parallel_loop3A_267, %parallel_loop3A_268] {strides = array<i32>} : memref<128x16xf32, #tpu.memory_space<vmem>>, vector<16xf32>,
        %parallel_loop3A_270 = arith.mulf %parallel_loop3A_269, %parallel_loop3A_266 : vector<16xf32>
        %parallel_loop3A_271 = arith.index_cast %parallel_loop3A_262 : i32 to index
        %parallel_loop3A_272 = arith.constant 0 : index
        %parallel_loop3A_273 = tpu.vector_load %arg12[%parallel_loop3A_271, %parallel_loop3A_272] {strides = array<i32>} : memref<128x16xf32, #tpu.memory_space<vmem>>, vector<16xf32>,
        tpu.vector_store %arg12[%parallel_loop3A_271, %parallel_loop3A_272], %parallel_loop3A_270 {strides = array<i32>} : memref<128x16xf32, #tpu.memory_space<vmem>>, vector<16xf32>,
      } {sc.loop_unroll_factor = 8 : i64, sc.parallel_access}
      %dma_start3A_193 = arith.constant 5 : i32
      %dma_start3A_194 = arith.constant 0 : i32
      %dma_start3A_195 = tpu.memref_slice %arg9[%dma_start3A_193, %dma_start3A_194] : memref<8x128xi32, #tpu.memory_space<vmem>> -> memref<1x128xi32, #tpu.memory_space<vmem>>
      %dma_start3A_196 = tpu.memref_squeeze %dma_start3A_195 : memref<1x128xi32, #tpu.memory_space<vmem>> -> memref<128xi32, #tpu.memory_space<vmem>>
      %dma_start3A_197 = arith.constant 0 : i32
      %dma_start3A_198 = arith.constant 0 : i32
      %dma_start3A_199 = tpu.memref_slice %arg13[%dma_start3A_197, %dma_start3A_198] : memref<100352x16xf32, #tpu.memory_space<vmem_shared>> -> memref<100352x16xf32, #tpu.memory_space<vmem_shared>>
      tpu.enqueue_indirect_dma source(%arg12 : memref<128x16xf32, #tpu.memory_space<vmem>>) target(%dma_start3A_199 : memref<100352x16xf32, #tpu.memory_space<vmem_shared>>) offsets(%dma_start3A_196 : memref<128xi32, #tpu.memory_space<vmem>>) semaphore(%arg17 : memref<!tpu.dma_semaphore, #tpu.memory_space<semaphore_mem>>) {add = true}
      %dma_wait3A_200 = arith.constant 6 : i32
      %dma_wait3A_201 = arith.constant 0 : i32
      %dma_wait3A_202 = tpu.memref_slice %arg8[%dma_wait3A_200, %dma_wait3A_201] : memref<8x128xi32, #tpu.memory_space<vmem>> -> memref<1x128xi32, #tpu.memory_space<vmem>>
      %dma_wait3A_203 = tpu.memref_squeeze %dma_wait3A_202 : memref<1x128xi32, #tpu.memory_space<vmem>> -> memref<128xi32, #tpu.memory_space<vmem>>
      %dma_wait3A_204 = arith.constant 0 : i32
      %dma_wait3A_205 = arith.constant 0 : i32
      %dma_wait3A_206 = tpu.memref_slice %arg5[%dma_wait3A_204, %dma_wait3A_205] : memref<100352x16xf32, #tpu.memory_space<hbm>> -> memref<100352x16xf32, #tpu.memory_space<hbm>>
      tpu.wait_indirect_dma semaphore(%arg14 : memref<!tpu.dma_semaphore, #tpu.memory_space<semaphore_mem>>) src(%dma_wait3A_206 : memref<100352x16xf32, #tpu.memory_space<hbm>>) dst(%arg11 : memref<128x16xf32, #tpu.memory_space<vmem>>)
      %dma_wait3A_207 = arith.constant 5 : i32
      %dma_wait3A_208 = arith.constant 0 : i32
      %dma_wait3A_209 = tpu.memref_slice %arg9[%dma_wait3A_207, %dma_wait3A_208] : memref<8x128xi32, #tpu.memory_space<vmem>> -> memref<1x128xi32, #tpu.memory_space<vmem>>
      %dma_wait3A_210 = tpu.memref_squeeze %dma_wait3A_209 : memref<1x128xi32, #tpu.memory_space<vmem>> -> memref<128xi32, #tpu.memory_space<vmem>>
      %dma_wait3A_211 = arith.constant 0 : i32
      %dma_wait3A_212 = arith.constant 0 : i32
      %dma_wait3A_213 = tpu.memref_slice %arg13[%dma_wait3A_211, %dma_wait3A_212] : memref<100352x16xf32, #tpu.memory_space<vmem_shared>> -> memref<100352x16xf32, #tpu.memory_space<vmem_shared>>
      tpu.wait_indirect_dma semaphore(%arg17 : memref<!tpu.dma_semaphore, #tpu.memory_space<semaphore_mem>>) src(%arg12 : memref<128x16xf32, #tpu.memory_space<vmem>>) dst(%dma_wait3A_213 : memref<100352x16xf32, #tpu.memory_space<vmem_shared>>)
      %dma_start3A_214 = arith.constant 7 : i32
      %dma_start3A_215 = arith.constant 0 : i32
      %dma_start3A_216 = tpu.memref_slice %arg8[%dma_start3A_214, %dma_start3A_215] : memref<8x128xi32, #tpu.memory_space<vmem>> -> memref<1x128xi32, #tpu.memory_space<vmem>>
      %dma_start3A_217 = tpu.memref_squeeze %dma_start3A_216 : memref<1x128xi32, #tpu.memory_space<vmem>> -> memref<128xi32, #tpu.memory_space<vmem>>
      %dma_start3A_218 = arith.constant 0 : i32
      %dma_start3A_219 = arith.constant 0 : i32
      %dma_start3A_220 = tpu.memref_slice %arg5[%dma_start3A_218, %dma_start3A_219] : memref<100352x16xf32, #tpu.memory_space<hbm>> -> memref<100352x16xf32, #tpu.memory_space<hbm>>
      tpu.enqueue_indirect_dma source(%dma_start3A_220 : memref<100352x16xf32, #tpu.memory_space<hbm>>) target(%arg12 : memref<128x16xf32, #tpu.memory_space<vmem>>) offsets(%dma_start3A_217 : memref<128xi32, #tpu.memory_space<vmem>>) semaphore(%arg15 : memref<!tpu.dma_semaphore, #tpu.memory_space<semaphore_mem>>)
      %parallel_loop3A_221 = arith.constant 0 : i32
      %parallel_loop3A_222 = arith.constant 128 : i32
      %parallel_loop3A_223 = arith.constant 1 : i32
      scf.for %parallel_loop3A_262 = %parallel_loop3A_221 to %parallel_loop3A_222 step %parallel_loop3A_223  : i32 {
        %parallel_loop3A_263 = arith.constant 768 : i32
        %parallel_loop3A_264 = arith.addi %parallel_loop3A_263, %parallel_loop3A_262 : i32
        %parallel_loop3A_265 = vector.broadcast %parallel_loop3A_264 : i32 to vector<16xi32>
        %parallel_loop3A_266 = tpu.vector_load_idx %arg10[%parallel_loop3A_265] : memref<1024xf32, #tpu.memory_space<vmem>>[vector<16xi32>], vector<16xf32>,
        %parallel_loop3A_267 = arith.index_cast %parallel_loop3A_262 : i32 to index
        %parallel_loop3A_268 = arith.constant 0 : index
        %parallel_loop3A_269 = tpu.vector_load %arg11[%parallel_loop3A_267, %parallel_loop3A_268] {strides = array<i32>} : memref<128x16xf32, #tpu.memory_space<vmem>>, vector<16xf32>,
        %parallel_loop3A_270 = arith.mulf %parallel_loop3A_269, %parallel_loop3A_266 : vector<16xf32>
        %parallel_loop3A_271 = arith.index_cast %parallel_loop3A_262 : i32 to index
        %parallel_loop3A_272 = arith.constant 0 : index
        %parallel_loop3A_273 = tpu.vector_load %arg11[%parallel_loop3A_271, %parallel_loop3A_272] {strides = array<i32>} : memref<128x16xf32, #tpu.memory_space<vmem>>, vector<16xf32>,
        tpu.vector_store %arg11[%parallel_loop3A_271, %parallel_loop3A_272], %parallel_loop3A_270 {strides = array<i32>} : memref<128x16xf32, #tpu.memory_space<vmem>>, vector<16xf32>,
      } {sc.loop_unroll_factor = 8 : i64, sc.parallel_access}
      %dma_start3A_224 = arith.constant 6 : i32
      %dma_start3A_225 = arith.constant 0 : i32
      %dma_start3A_226 = tpu.memref_slice %arg9[%dma_start3A_224, %dma_start3A_225] : memref<8x128xi32, #tpu.memory_space<vmem>> -> memref<1x128xi32, #tpu.memory_space<vmem>>
      %dma_start3A_227 = tpu.memref_squeeze %dma_start3A_226 : memref<1x128xi32, #tpu.memory_space<vmem>> -> memref<128xi32, #tpu.memory_space<vmem>>
      %dma_start3A_228 = arith.constant 0 : i32
      %dma_start3A_229 = arith.constant 0 : i32
      %dma_start3A_230 = tpu.memref_slice %arg13[%dma_start3A_228, %dma_start3A_229] : memref<100352x16xf32, #tpu.memory_space<vmem_shared>> -> memref<100352x16xf32, #tpu.memory_space<vmem_shared>>
      tpu.enqueue_indirect_dma source(%arg11 : memref<128x16xf32, #tpu.memory_space<vmem>>) target(%dma_start3A_230 : memref<100352x16xf32, #tpu.memory_space<vmem_shared>>) offsets(%dma_start3A_227 : memref<128xi32, #tpu.memory_space<vmem>>) semaphore(%arg16 : memref<!tpu.dma_semaphore, #tpu.memory_space<semaphore_mem>>) {add = true}
      %dma_wait3A_231 = arith.constant 7 : i32
      %dma_wait3A_232 = arith.constant 0 : i32
      %dma_wait3A_233 = tpu.memref_slice %arg8[%dma_wait3A_231, %dma_wait3A_232] : memref<8x128xi32, #tpu.memory_space<vmem>> -> memref<1x128xi32, #tpu.memory_space<vmem>>
      %dma_wait3A_234 = tpu.memref_squeeze %dma_wait3A_233 : memref<1x128xi32, #tpu.memory_space<vmem>> -> memref<128xi32, #tpu.memory_space<vmem>>
      %dma_wait3A_235 = arith.constant 0 : i32
      %dma_wait3A_236 = arith.constant 0 : i32
      %dma_wait3A_237 = tpu.memref_slice %arg5[%dma_wait3A_235, %dma_wait3A_236] : memref<100352x16xf32, #tpu.memory_space<hbm>> -> memref<100352x16xf32, #tpu.memory_space<hbm>>
      tpu.wait_indirect_dma semaphore(%arg15 : memref<!tpu.dma_semaphore, #tpu.memory_space<semaphore_mem>>) src(%dma_wait3A_237 : memref<100352x16xf32, #tpu.memory_space<hbm>>) dst(%arg12 : memref<128x16xf32, #tpu.memory_space<vmem>>)
      %parallel_loop3A_238 = arith.constant 0 : i32
      %parallel_loop3A_239 = arith.constant 128 : i32
      %parallel_loop3A_240 = arith.constant 1 : i32
      scf.for %parallel_loop3A_262 = %parallel_loop3A_238 to %parallel_loop3A_239 step %parallel_loop3A_240  : i32 {
        %parallel_loop3A_263 = arith.constant 896 : i32
        %parallel_loop3A_264 = arith.addi %parallel_loop3A_263, %parallel_loop3A_262 : i32
        %parallel_loop3A_265 = vector.broadcast %parallel_loop3A_264 : i32 to vector<16xi32>
        %parallel_loop3A_266 = tpu.vector_load_idx %arg10[%parallel_loop3A_265] : memref<1024xf32, #tpu.memory_space<vmem>>[vector<16xi32>], vector<16xf32>,
        %parallel_loop3A_267 = arith.index_cast %parallel_loop3A_262 : i32 to index
        %parallel_loop3A_268 = arith.constant 0 : index
        %parallel_loop3A_269 = tpu.vector_load %arg12[%parallel_loop3A_267, %parallel_loop3A_268] {strides = array<i32>} : memref<128x16xf32, #tpu.memory_space<vmem>>, vector<16xf32>,
        %parallel_loop3A_270 = arith.mulf %parallel_loop3A_269, %parallel_loop3A_266 : vector<16xf32>
        %parallel_loop3A_271 = arith.index_cast %parallel_loop3A_262 : i32 to index
        %parallel_loop3A_272 = arith.constant 0 : index
        %parallel_loop3A_273 = tpu.vector_load %arg12[%parallel_loop3A_271, %parallel_loop3A_272] {strides = array<i32>} : memref<128x16xf32, #tpu.memory_space<vmem>>, vector<16xf32>,
        tpu.vector_store %arg12[%parallel_loop3A_271, %parallel_loop3A_272], %parallel_loop3A_270 {strides = array<i32>} : memref<128x16xf32, #tpu.memory_space<vmem>>, vector<16xf32>,
      } {sc.loop_unroll_factor = 8 : i64, sc.parallel_access}
      %dma_start3A_241 = arith.constant 7 : i32
      %dma_start3A_242 = arith.constant 0 : i32
      %dma_start3A_243 = tpu.memref_slice %arg9[%dma_start3A_241, %dma_start3A_242] : memref<8x128xi32, #tpu.memory_space<vmem>> -> memref<1x128xi32, #tpu.memory_space<vmem>>
      %dma_start3A_244 = tpu.memref_squeeze %dma_start3A_243 : memref<1x128xi32, #tpu.memory_space<vmem>> -> memref<128xi32, #tpu.memory_space<vmem>>
      %dma_start3A_245 = arith.constant 0 : i32
      %dma_start3A_246 = arith.constant 0 : i32
      %dma_start3A_247 = tpu.memref_slice %arg13[%dma_start3A_245, %dma_start3A_246] : memref<100352x16xf32, #tpu.memory_space<vmem_shared>> -> memref<100352x16xf32, #tpu.memory_space<vmem_shared>>
      tpu.enqueue_indirect_dma source(%arg12 : memref<128x16xf32, #tpu.memory_space<vmem>>) target(%dma_start3A_247 : memref<100352x16xf32, #tpu.memory_space<vmem_shared>>) offsets(%dma_start3A_244 : memref<128xi32, #tpu.memory_space<vmem>>) semaphore(%arg17 : memref<!tpu.dma_semaphore, #tpu.memory_space<semaphore_mem>>) {add = true}
      %dma_wait3A_248 = arith.constant 6 : i32
      %dma_wait3A_249 = arith.constant 0 : i32
      %dma_wait3A_250 = tpu.memref_slice %arg9[%dma_wait3A_248, %dma_wait3A_249] : memref<8x128xi32, #tpu.memory_space<vmem>> -> memref<1x128xi32, #tpu.memory_space<vmem>>
      %dma_wait3A_251 = tpu.memref_squeeze %dma_wait3A_250 : memref<1x128xi32, #tpu.memory_space<vmem>> -> memref<128xi32, #tpu.memory_space<vmem>>
      %dma_wait3A_252 = arith.constant 0 : i32
      %dma_wait3A_253 = arith.constant 0 : i32
      %dma_wait3A_254 = tpu.memref_slice %arg13[%dma_wait3A_252, %dma_wait3A_253] : memref<100352x16xf32, #tpu.memory_space<vmem_shared>> -> memref<100352x16xf32, #tpu.memory_space<vmem_shared>>
      tpu.wait_indirect_dma semaphore(%arg16 : memref<!tpu.dma_semaphore, #tpu.memory_space<semaphore_mem>>) src(%arg11 : memref<128x16xf32, #tpu.memory_space<vmem>>) dst(%dma_wait3A_254 : memref<100352x16xf32, #tpu.memory_space<vmem_shared>>)
      %dma_wait3A_255 = arith.constant 7 : i32
      %dma_wait3A_256 = arith.constant 0 : i32
      %dma_wait3A_257 = tpu.memref_slice %arg9[%dma_wait3A_255, %dma_wait3A_256] : memref<8x128xi32, #tpu.memory_space<vmem>> -> memref<1x128xi32, #tpu.memory_space<vmem>>
      %dma_wait3A_258 = tpu.memref_squeeze %dma_wait3A_257 : memref<1x128xi32, #tpu.memory_space<vmem>> -> memref<128xi32, #tpu.memory_space<vmem>>
      %dma_wait3A_259 = arith.constant 0 : i32
      %dma_wait3A_260 = arith.constant 0 : i32
      %dma_wait3A_261 = tpu.memref_slice %arg13[%dma_wait3A_259, %dma_wait3A_260] : memref<100352x16xf32, #tpu.memory_space<vmem_shared>> -> memref<100352x16xf32, #tpu.memory_space<vmem_shared>>
      tpu.wait_indirect_dma semaphore(%arg17 : memref<!tpu.dma_semaphore, #tpu.memory_space<semaphore_mem>>) src(%arg12 : memref<128x16xf32, #tpu.memory_space<vmem>>) dst(%dma_wait3A_261 : memref<100352x16xf32, #tpu.memory_space<vmem_shared>>)
    }
    %scan3A_9 = arith.constant 49 : i32
    %barrier3A_10 = arith.constant 0 : index
    tpu.barrier barrier_id(%barrier3A_10)
    "tpu.region"() ({
      %run_scoped3A = tpu.sem_alloc : memref<!tpu.dma_semaphore, #tpu.memory_space<semaphore_mem>>
      %dma_start3A = arith.constant 0 : i32
      %dma_start3A_11 = tpu.memref_slice %arg7[%arg0, %mul3A_2, %dma_start3A] : memref<2x100352x16xf32, #tpu.memory_space<hbm>> -> memref<1x6272x16xf32, #tpu.memory_space<hbm>>
      %dma_start3A_12 = tpu.memref_squeeze %dma_start3A_11 : memref<1x6272x16xf32, #tpu.memory_space<hbm>> -> memref<6272x16xf32, #tpu.memory_space<hbm>>
      %dma_start3A_13 = arith.constant 0 : i32
      %dma_start3A_14 = tpu.memref_slice %arg13[%mul3A_2, %dma_start3A_13] : memref<100352x16xf32, #tpu.memory_space<vmem_shared>> -> memref<6272x16xf32, #tpu.memory_space<vmem_shared>>
      tpu.enqueue_dma source(%dma_start3A_14 : memref<6272x16xf32, #tpu.memory_space<vmem_shared>>) target(%dma_start3A_12 : memref<6272x16xf32, #tpu.memory_space<hbm>>) target_semaphore(%run_scoped3A : memref<!tpu.dma_semaphore, #tpu.memory_space<semaphore_mem>>)
      %dma_wait3A = arith.constant 0 : i32
      %dma_wait3A_15 = tpu.memref_slice %arg7[%arg0, %mul3A_2, %dma_wait3A] : memref<2x100352x16xf32, #tpu.memory_space<hbm>> -> memref<1x6272x16xf32, #tpu.memory_space<hbm>>
      %dma_wait3A_16 = tpu.memref_squeeze %dma_wait3A_15 : memref<1x6272x16xf32, #tpu.memory_space<hbm>> -> memref<6272x16xf32, #tpu.memory_space<hbm>>
      %dma_wait3A_17 = arith.constant 0 : i32
      %dma_wait3A_18 = tpu.memref_slice %arg13[%mul3A_2, %dma_wait3A_17] : memref<100352x16xf32, #tpu.memory_space<vmem_shared>> -> memref<6272x16xf32, #tpu.memory_space<vmem_shared>>
      tpu.wait_dma2 semaphore(%run_scoped3A : memref<!tpu.dma_semaphore, #tpu.memory_space<semaphore_mem>>) src(%dma_wait3A_18 : memref<6272x16xf32, #tpu.memory_space<vmem_shared>>) dst(%dma_wait3A_16 : memref<6272x16xf32, #tpu.memory_space<hbm>>)
      tpu.yield
    }) : () -> ()
    return
  }
}

module attributes {stable_mosaic.version = 14 : i64} {
  func.func @_dense1_body(%arg0: i32, %arg1: memref<2048x128xf32, #tpu.memory_space<vmem>>, %arg2: memref<128x16xf32, #tpu.memory_space<vmem>>, %arg3: memref<1x16xf32, #tpu.memory_space<vmem>>, %arg4: memref<16x16xf32, #tpu.memory_space<vmem>>, %arg5: memref<2x2048xf32, #tpu.memory_space<vmem>>, %arg6: memref<2048x16xf32, #tpu.memory_space<vmem>>, %arg7: memref<2048x16xf32, #tpu.memory_space<vmem>>) attributes {dimension_semantics = [#tpu.dimension_semantics<arbitrary>], iteration_bounds = array<i64: 49>, scalar_prefetch = 0 : i64, scratch_operands = 0 : i64, tpu.core_type = #tpu.core_type<tc>, window_params = [{transform_indices = @transform_0, window_bounds = array<i64: 2048, 128>}, {pipeline_mode = #tpu.pipeline_mode<synchronous>, transform_indices = @transform_1, window_bounds = array<i64: 128, 16>}, {pipeline_mode = #tpu.pipeline_mode<synchronous>, transform_indices = @transform_2, window_bounds = array<i64: 1, 16>}, {pipeline_mode = #tpu.pipeline_mode<synchronous>, transform_indices = @transform_3, window_bounds = array<i64: 16, 16>}, {transform_indices = @transform_4, window_bounds = array<i64: 2, 2048>}, {transform_indices = @transform_5, window_bounds = array<i64: 2048, 16>}, {transform_indices = @transform_6, window_bounds = array<i64: 2048, 16>}]} {
    %get3A = arith.constant 0 : index
    %get3A_0 = arith.constant 0 : index
    %get3A_1 = vector.load %arg1[%get3A, %get3A_0] : memref<2048x128xf32, #tpu.memory_space<vmem>>, vector<2048x128xf32>
    %get3A_2 = arith.constant 0 : index
    %get3A_3 = arith.constant 0 : index
    %get3A_4 = vector.load %arg2[%get3A_2, %get3A_3] : memref<128x16xf32, #tpu.memory_space<vmem>>, vector<128x16xf32>
    %dot_general3A = arith.constant dense<0.000000e+00> : vector<2048x16xf32>
    %dot_general3A_5 = tpu.matmul %get3A_1, %get3A_4, %dot_general3A {dimension_numbers = #tpu.dot_dimension_numbers<[1], [0], [0], [1], [0, 0, 1, 1], [], []>, transpose_lhs_hint = false} : vector<2048x128xf32>, vector<128x16xf32>, vector<2048x16xf32> -> vector<2048x16xf32>
    %get3A_6 = arith.constant 0 : index
    %get3A_7 = arith.constant 0 : index
    %get3A_8 = vector.load %arg3[%get3A_6, %get3A_7] : memref<1x16xf32, #tpu.memory_space<vmem>>, vector<1x16xf32>
    %add3A = vector.broadcast %get3A_8 : vector<1x16xf32> to vector<2048x16xf32>
    %add3A_9 = arith.addf %dot_general3A_5, %add3A : vector<2048x16xf32>
    %max3A = arith.constant 0.000000e+00 : f32
    %max3A_10 = vector.broadcast %max3A : f32 to vector<2048x16xf32>
    %max3A_11 = arith.maximumf %add3A_9, %max3A_10 : vector<2048x16xf32>
    %get3A_12 = arith.constant 0 : index
    %get3A_13 = arith.constant 0 : index
    %get3A_14 = vector.load %arg4[%get3A_12, %get3A_13] : memref<16x16xf32, #tpu.memory_space<vmem>>, vector<16x16xf32>
    %dot_general3A_15 = arith.constant dense<0.000000e+00> : vector<2048x16xf32>
    %dot_general3A_16 = tpu.matmul %max3A_11, %get3A_14, %dot_general3A_15 {dimension_numbers = #tpu.dot_dimension_numbers<[1], [0], [0], [1], [0, 0, 1, 1], [], []>, transpose_lhs_hint = false} : vector<2048x16xf32>, vector<16x16xf32>, vector<2048x16xf32> -> vector<2048x16xf32>
    %get3A_17 = arith.constant 0 : index
    %get3A_18 = arith.constant 0 : index
    %get3A_19 = vector.load %arg5[%get3A_17, %get3A_18] : memref<2x2048xf32, #tpu.memory_space<vmem>>, vector<1x2048xf32>
    %get3A_20 = vector.shape_cast %get3A_19 : vector<1x2048xf32> to vector<2048xf32>
    %get3A_21 = arith.constant 1 : index
    %get3A_22 = arith.constant 0 : index
    %get3A_23 = vector.load %arg5[%get3A_21, %get3A_22] : memref<2x2048xf32, #tpu.memory_space<vmem>>, vector<1x2048xf32>
    %get3A_24 = vector.shape_cast %get3A_23 : vector<1x2048xf32> to vector<2048xf32>
    %add3A_25 = arith.addf %get3A_20, %get3A_24 : vector<2048xf32>
    %add3A_26 = arith.constant 1.000000e+00 : f32
    %add3A_27 = vector.broadcast %add3A_26 : f32 to vector<2048xf32>
    %add3A_28 = arith.addf %add3A_25, %add3A_27 : vector<2048xf32>
    %gt3A = arith.constant 0.000000e+00 : f32
    %gt3A_29 = vector.broadcast %gt3A : f32 to vector<2048xf32>
    %gt3A_30 = arith.cmpf ogt, %add3A_28, %gt3A_29 : vector<2048xf32>
    %jit3A = arith.constant 1.000000e+00 : f32
    %broadcast_in_dim3A = vector.broadcast %jit3A : f32 to vector<2048xf32>
    %select_n3A = arith.select %gt3A_30, %add3A_28, %broadcast_in_dim3A : vector<2048xi1>, vector<2048xf32>
    %rsqrt3A = math.rsqrt %select_n3A : vector<2048xf32>
    %jit3A_31 = arith.constant 0.000000e+00 : f32
    %broadcast_in_dim3A_32 = vector.broadcast %jit3A_31 : f32 to vector<2048xf32>
    %select_n3A_33 = arith.select %gt3A_30, %rsqrt3A, %broadcast_in_dim3A_32 : vector<2048xi1>, vector<2048xf32>
    %swap3A = arith.constant 0 : index
    %swap3A_34 = arith.constant 0 : index
    %swap3A_35 = vector.load %arg7[%swap3A, %swap3A_34] : memref<2048x16xf32, #tpu.memory_space<vmem>>, vector<2048x16xf32>
    tpu.vector_store %arg7[%swap3A, %swap3A_34], %dot_general3A_16 {strides = array<i32>} : memref<2048x16xf32, #tpu.memory_space<vmem>>, vector<2048x16xf32>,
    %broadcast_in_dim3A_36 = vector.shape_cast %select_n3A_33 : vector<2048xf32> to vector<2048x1xf32>
    %mul3A = vector.broadcast %broadcast_in_dim3A_36 : vector<2048x1xf32> to vector<2048x16xf32>
    %mul3A_37 = arith.mulf %mul3A, %dot_general3A_16 : vector<2048x16xf32>
    %swap3A_38 = arith.constant 0 : index
    %swap3A_39 = arith.constant 0 : index
    %swap3A_40 = vector.load %arg6[%swap3A_38, %swap3A_39] : memref<2048x16xf32, #tpu.memory_space<vmem>>, vector<2048x16xf32>
    tpu.vector_store %arg6[%swap3A_38, %swap3A_39], %mul3A_37 {strides = array<i32>} : memref<2048x16xf32, #tpu.memory_space<vmem>>, vector<2048x16xf32>,
    return
  }
  func.func @transform_0(%arg0: i32) -> (i32, i32) {
    %c0_i32 = arith.constant 0 : i32
    %c0_i32_0 = arith.constant 0 : i32
    return %arg0, %c0_i32 : i32, i32
  }
  func.func @transform_1(%arg0: i32) -> (i32, i32) {
    %c0_i32 = arith.constant 0 : i32
    %c0_i32_0 = arith.constant 0 : i32
    %c0_i32_1 = arith.constant 0 : i32
    return %c0_i32, %c0_i32_0 : i32, i32
  }
  func.func @transform_2(%arg0: i32) -> (i32, i32) {
    %c0_i32 = arith.constant 0 : i32
    %c0_i32_0 = arith.constant 0 : i32
    %c0_i32_1 = arith.constant 0 : i32
    return %c0_i32, %c0_i32_0 : i32, i32
  }
  func.func @transform_3(%arg0: i32) -> (i32, i32) {
    %c0_i32 = arith.constant 0 : i32
    %c0_i32_0 = arith.constant 0 : i32
    %c0_i32_1 = arith.constant 0 : i32
    return %c0_i32, %c0_i32_0 : i32, i32
  }
  func.func @transform_4(%arg0: i32) -> (i32, i32) {
    %c0_i32 = arith.constant 0 : i32
    %c0_i32_0 = arith.constant 0 : i32
    return %c0_i32, %arg0 : i32, i32
  }
  func.func @transform_5(%arg0: i32) -> (i32, i32) {
    %c0_i32 = arith.constant 0 : i32
    %c0_i32_0 = arith.constant 0 : i32
    return %arg0, %c0_i32 : i32, i32
  }
  func.func @transform_6(%arg0: i32) -> (i32, i32) {
    %c0_i32 = arith.constant 0 : i32
    %c0_i32_0 = arith.constant 0 : i32
    return %arg0, %c0_i32 : i32, i32
  }
}

module attributes {stable_mosaic.version = 14 : i64} {
  func.func @_final_body(%arg0: i32, %arg1: memref<2x2048x16xf32, #tpu.memory_space<vmem>>, %arg2: memref<2048x16xf32, #tpu.memory_space<vmem>>, %arg3: memref<2x2048xf32, #tpu.memory_space<vmem>>, %arg4: memref<1x16xf32, #tpu.memory_space<vmem>>, %arg5: memref<16x40xf32, #tpu.memory_space<vmem>>, %arg6: memref<1x40xf32, #tpu.memory_space<vmem>>, %arg7: memref<2048x40xf32, #tpu.memory_space<vmem>>) attributes {dimension_semantics = [#tpu.dimension_semantics<arbitrary>], iteration_bounds = array<i64: 49>, scalar_prefetch = 0 : i64, scratch_operands = 0 : i64, tpu.core_type = #tpu.core_type<tc>, window_params = [{transform_indices = @transform_0, window_bounds = array<i64: 2, 2048, 16>}, {transform_indices = @transform_1, window_bounds = array<i64: 2048, 16>}, {transform_indices = @transform_2, window_bounds = array<i64: 2, 2048>}, {pipeline_mode = #tpu.pipeline_mode<synchronous>, transform_indices = @transform_3, window_bounds = array<i64: 1, 16>}, {pipeline_mode = #tpu.pipeline_mode<synchronous>, transform_indices = @transform_4, window_bounds = array<i64: 16, 40>}, {pipeline_mode = #tpu.pipeline_mode<synchronous>, transform_indices = @transform_5, window_bounds = array<i64: 1, 40>}, {transform_indices = @transform_6, window_bounds = array<i64: 2048, 40>}]} {
    %get3A = arith.constant 0 : index
    %get3A_0 = arith.constant 0 : index
    %get3A_1 = arith.constant 0 : index
    %get3A_2 = vector.load %arg1[%get3A, %get3A_0, %get3A_1] : memref<2x2048x16xf32, #tpu.memory_space<vmem>>, vector<1x2048x16xf32>
    %get3A_3 = vector.shape_cast %get3A_2 : vector<1x2048x16xf32> to vector<2048x16xf32>
    %get3A_4 = arith.constant 1 : index
    %get3A_5 = arith.constant 0 : index
    %get3A_6 = arith.constant 0 : index
    %get3A_7 = vector.load %arg1[%get3A_4, %get3A_5, %get3A_6] : memref<2x2048x16xf32, #tpu.memory_space<vmem>>, vector<1x2048x16xf32>
    %get3A_8 = vector.shape_cast %get3A_7 : vector<1x2048x16xf32> to vector<2048x16xf32>
    %add3A = arith.addf %get3A_3, %get3A_8 : vector<2048x16xf32>
    %get3A_9 = arith.constant 0 : index
    %get3A_10 = arith.constant 0 : index
    %get3A_11 = vector.load %arg3[%get3A_9, %get3A_10] : memref<2x2048xf32, #tpu.memory_space<vmem>>, vector<1x2048xf32>
    %get3A_12 = vector.shape_cast %get3A_11 : vector<1x2048xf32> to vector<2048xf32>
    %get3A_13 = arith.constant 1 : index
    %get3A_14 = arith.constant 0 : index
    %get3A_15 = vector.load %arg3[%get3A_13, %get3A_14] : memref<2x2048xf32, #tpu.memory_space<vmem>>, vector<1x2048xf32>
    %get3A_16 = vector.shape_cast %get3A_15 : vector<1x2048xf32> to vector<2048xf32>
    %add3A_17 = arith.addf %get3A_12, %get3A_16 : vector<2048xf32>
    %add3A_18 = arith.constant 1.000000e+00 : f32
    %add3A_19 = vector.broadcast %add3A_18 : f32 to vector<2048xf32>
    %add3A_20 = arith.addf %add3A_17, %add3A_19 : vector<2048xf32>
    %gt3A = arith.constant 0.000000e+00 : f32
    %gt3A_21 = vector.broadcast %gt3A : f32 to vector<2048xf32>
    %gt3A_22 = arith.cmpf ogt, %add3A_20, %gt3A_21 : vector<2048xf32>
    %jit3A = arith.constant 1.000000e+00 : f32
    %broadcast_in_dim3A = vector.broadcast %jit3A : f32 to vector<2048xf32>
    %select_n3A = arith.select %gt3A_22, %add3A_20, %broadcast_in_dim3A : vector<2048xi1>, vector<2048xf32>
    %rsqrt3A = math.rsqrt %select_n3A : vector<2048xf32>
    %jit3A_23 = arith.constant 0.000000e+00 : f32
    %broadcast_in_dim3A_24 = vector.broadcast %jit3A_23 : f32 to vector<2048xf32>
    %select_n3A_25 = arith.select %gt3A_22, %rsqrt3A, %broadcast_in_dim3A_24 : vector<2048xi1>, vector<2048xf32>
    %div3A = arith.constant 1.000000e+00 : f32
    %div3A_26 = vector.broadcast %div3A : f32 to vector<2048xf32>
    %div3A_27 = arith.divf %div3A_26, %select_n3A : vector<2048xf32>
    %jit3A_28 = arith.constant 0.000000e+00 : f32
    %broadcast_in_dim3A_29 = vector.broadcast %jit3A_28 : f32 to vector<2048xf32>
    %select_n3A_30 = arith.select %gt3A_22, %div3A_27, %broadcast_in_dim3A_29 : vector<2048xi1>, vector<2048xf32>
    %broadcast_in_dim3A_31 = vector.shape_cast %select_n3A_25 : vector<2048xf32> to vector<2048x1xf32>
    %mul3A = vector.broadcast %broadcast_in_dim3A_31 : vector<2048x1xf32> to vector<2048x16xf32>
    %mul3A_32 = arith.mulf %mul3A, %add3A : vector<2048x16xf32>
    %broadcast_in_dim3A_33 = vector.shape_cast %select_n3A_30 : vector<2048xf32> to vector<2048x1xf32>
    %get3A_34 = arith.constant 0 : index
    %get3A_35 = arith.constant 0 : index
    %get3A_36 = vector.load %arg2[%get3A_34, %get3A_35] : memref<2048x16xf32, #tpu.memory_space<vmem>>, vector<2048x16xf32>
    %mul3A_37 = vector.broadcast %broadcast_in_dim3A_33 : vector<2048x1xf32> to vector<2048x16xf32>
    %mul3A_38 = arith.mulf %mul3A_37, %get3A_36 : vector<2048x16xf32>
    %add3A_39 = arith.addf %mul3A_32, %mul3A_38 : vector<2048x16xf32>
    %get3A_40 = arith.constant 0 : index
    %get3A_41 = arith.constant 0 : index
    %get3A_42 = vector.load %arg4[%get3A_40, %get3A_41] : memref<1x16xf32, #tpu.memory_space<vmem>>, vector<1x16xf32>
    %add3A_43 = vector.broadcast %get3A_42 : vector<1x16xf32> to vector<2048x16xf32>
    %add3A_44 = arith.addf %add3A_39, %add3A_43 : vector<2048x16xf32>
    %max3A = arith.constant 0.000000e+00 : f32
    %max3A_45 = vector.broadcast %max3A : f32 to vector<2048x16xf32>
    %max3A_46 = arith.maximumf %add3A_44, %max3A_45 : vector<2048x16xf32>
    %get3A_47 = arith.constant 0 : index
    %get3A_48 = arith.constant 0 : index
    %get3A_49 = vector.load %arg5[%get3A_47, %get3A_48] : memref<16x40xf32, #tpu.memory_space<vmem>>, vector<16x40xf32>
    %dot_general3A = arith.constant dense<0.000000e+00> : vector<2048x40xf32>
    %dot_general3A_50 = tpu.matmul %max3A_46, %get3A_49, %dot_general3A {dimension_numbers = #tpu.dot_dimension_numbers<[1], [0], [0], [1], [0, 0, 1, 1], [], []>, transpose_lhs_hint = false} : vector<2048x16xf32>, vector<16x40xf32>, vector<2048x40xf32> -> vector<2048x40xf32>
    %get3A_51 = arith.constant 0 : index
    %get3A_52 = arith.constant 0 : index
    %get3A_53 = vector.load %arg6[%get3A_51, %get3A_52] : memref<1x40xf32, #tpu.memory_space<vmem>>, vector<1x40xf32>
    %add3A_54 = vector.broadcast %get3A_53 : vector<1x40xf32> to vector<2048x40xf32>
    %add3A_55 = arith.addf %dot_general3A_50, %add3A_54 : vector<2048x40xf32>
    %swap3A = arith.constant 0 : index
    %swap3A_56 = arith.constant 0 : index
    %swap3A_57 = vector.load %arg7[%swap3A, %swap3A_56] : memref<2048x40xf32, #tpu.memory_space<vmem>>, vector<2048x40xf32>
    tpu.vector_store %arg7[%swap3A, %swap3A_56], %add3A_55 {strides = array<i32>} : memref<2048x40xf32, #tpu.memory_space<vmem>>, vector<2048x40xf32>,
    return
  }
  func.func @transform_0(%arg0: i32) -> (i32, i32, i32) {
    %c0_i32 = arith.constant 0 : i32
    %c0_i32_0 = arith.constant 0 : i32
    %c0_i32_1 = arith.constant 0 : i32
    return %c0_i32, %arg0, %c0_i32_0 : i32, i32, i32
  }
  func.func @transform_1(%arg0: i32) -> (i32, i32) {
    %c0_i32 = arith.constant 0 : i32
    %c0_i32_0 = arith.constant 0 : i32
    return %arg0, %c0_i32 : i32, i32
  }
  func.func @transform_2(%arg0: i32) -> (i32, i32) {
    %c0_i32 = arith.constant 0 : i32
    %c0_i32_0 = arith.constant 0 : i32
    return %c0_i32, %arg0 : i32, i32
  }
  func.func @transform_3(%arg0: i32) -> (i32, i32) {
    %c0_i32 = arith.constant 0 : i32
    %c0_i32_0 = arith.constant 0 : i32
    %c0_i32_1 = arith.constant 0 : i32
    return %c0_i32, %c0_i32_0 : i32, i32
  }
  func.func @transform_4(%arg0: i32) -> (i32, i32) {
    %c0_i32 = arith.constant 0 : i32
    %c0_i32_0 = arith.constant 0 : i32
    %c0_i32_1 = arith.constant 0 : i32
    return %c0_i32, %c0_i32_0 : i32, i32
  }
  func.func @transform_5(%arg0: i32) -> (i32, i32) {
    %c0_i32 = arith.constant 0 : i32
    %c0_i32_0 = arith.constant 0 : i32
    %c0_i32_1 = arith.constant 0 : i32
    return %c0_i32, %c0_i32_0 : i32, i32
  }
  func.func @transform_6(%arg0: i32) -> (i32, i32) {
    %c0_i32 = arith.constant 0 : i32
    %c0_i32_0 = arith.constant 0 : i32
    return %arg0, %c0_i32 : i32, i32
  }
}

</mosaic_0001>

<sc_bundles>
// kernel: kernel.6.cloned.1.call-start
scs
__scs_entry_jumppad:
0x0: {  	(pc) =	sbr.rel $0x88, $3  }
0x1: {  	(tag) =	ssettag $0x0;
	lr =	simm.s32 $0x1  }
0x2: {  	[smem:$0x3F98] =	sst lr;
	_ =	strace $0xD0000000  }
0x3: {  	_ = 	snop  }
0x4: {  	_ = 	snop  }
0x5: {  	_ = 	snop  }
0x6: {  	_ = 	snop  }
0x7: {  	_ = 	snop  }
__scs_overlays_trampoline_lowered:
0x8: {  	[smem:$0x3FA7] =	sst s0  }
0x9: {  	[smem:$0x3FA8] =	sst s1  }
0xa: {  	[smem:$0x3FA9] =	sst s2  }
0xb: {  	[smem:$0x3FAA] =	sst s3  }
0xc: {  	[smem:$0x3FAB] =	sst s4  }
0xd: {  	[smem:$0x3FAC] =	sst s5  }
0xe: {  	[smem:$0x3FAD] =	sst s6  }
0xf: {  	[smem:$0x3FAE] =	sst s7  }
0x10: {  	[smem:$0x3FAF] =	sst s8  }
0x11: {  	[smem:$0x3FB0] =	sst s9;
	s0 =	simm.s32 @!p0 $0x0  }
0x12: {  	s1 =	sld [smem:$0x3F96];
	s0 =	simm.s32 @p0 $0x1  }
0x13: {  	[smem:$0x3FB1] =	sst s0;
	s0 =	simm.s32 @!p1 $0x0  }
0x14: {  	s2 =	sld [smem:$0x3F95];
	s0 =	simm.s32 @p1 $0x1  }
0x15: {  	[smem:$0x3FB2] =	sst s0;
	s0 =	simm.s32 @!p2 $0x0  }
0x16: {  	s3 =	sld [smem:$0x3FDB];
	s0 =	simm.s32 @p2 $0x1  }
0x17: {  	s4 =	simm.s32 $0x1BF5;
	[smem:$0x3FB4] =	sst s0  }
0x18: {  	s0 =	sld [smem:$0x3F97];
	_ =	swait.ge [sflag:s4], $0x0  }
0x19: {  	s7 =	sld [smem:$0x3F98]  }
0x1a: {  	s8 =	sadd.s32 $0xFFFFE003, lr  }
0x1b: {  	s9 =	sadd.s32 $0xFFFFFEF7, lr;
	s5 =	simm.s32 $0xFFFFFFFF;
	p2 =	slt.u32 s8, $0xFFFFF086  }
0x1c: {  	p1 =	slt.u32 s9, $0xF7A;
	s5 =	simm.s32 @!p2 $0x0  }
0x1d: {  	s5 =	simm.s32 @p1 $0x1;
	p0 =	seq.s32 s7, s2  }
0x1e: {  	s7 =	smul.u32 @!p0 $0xF7A, s2;
	p2 =	seq.s32 @!p0 s5, $0x0  }
0x1f: {  	s9 =	smul.u32 $0xF7A, s1;
	s8 =	simm.s32 @!p0 $0x1BF5;
	p2 =	por !p2, p0  }
0x20: {  	[sflag:s8] =	ssyncset.s32 @!p0 $0xFFFFF086;
	s6 =	sadd.s32 @!p0 s3, s7;
	s7 =	simm.s32 @!p0 $0x108  }
0x21: {  	s3 =	sadd.s32 s3, s9;
	s6 =	sadd.s32 @!p0 $0x88, s6;
	s7 =	simm.s32 @p2 $0x1082  }
0x22: {  	[simem:s7], [sflag:s8] =	dma.local @!p0 [hbm:s6], $0xF7A  }
0x23: {  	s9 =	sor.u32 $0xD0000000, s2;
	s6 =	simm.s32 $0x108;
	_ =	swait.ge @!p0 [sflag:s8], $0x0  }
0x24: {  	s3 =	sadd.s32 $0x88, s3;
	s6 =	simm.s32 @!p1 $0x1082;
	[sflag:s4] =	ssyncset.s32 $0xFFFFF086  }
0x25: {  	[simem:s6], [sflag:s4] =	dma.local [hbm:s3], $0xF7A  }
0x26: {  	[smem:$0x3F98] =	sst s1;
	(tag) =	ssettag s2;
	_ =	strace s9  }
0x27: {  	s1 =	sld [smem:$0x3FA8]  }
0x28: {  	s2 =	sld [smem:$0x3FA9]  }
0x29: {  	s4 =	sld [smem:$0x3FAB]  }
0x2a: {  	p0 =	seq.s32 s5, $0x0;
	s5 =	sld [smem:$0x3FAC]  }
0x2b: {  	s6 =	sld [smem:$0x3FAD]  }
0x2c: {  	s7 =	sld [smem:$0x3FAE]  }
0x2d: {  	s3 =	simm.s32 $0x108;
	s8 =	sld [smem:$0x3FAF]  }
0x2e: {  	s3 =	simm.s32 @!p0 $0x1082;
	s9 =	sld [smem:$0x3FB0]  }
0x2f: {  	lr =	sadd.s32 s0, s3;
	s0 =	sld [smem:$0x3FA7]  }
0x30: {  	s3 =	sld [smem:$0x3FAA]  }
0x31: {  	[smem:$0x3FB3] =	sst s10  }
0x32: {  	s10 =	sld [smem:$0x3FB1];
	_ =	sdelay $0x3  }
0x33: {  	p0 =	seq.s32 s10, $0x1;
	s10 =	sld [smem:$0x3FB3];
	_ =	sdelay $0x3  }
0x34: {  	[smem:$0x3FB3] =	sst s10  }
0x35: {  	s10 =	sld [smem:$0x3FB2];
	_ =	sdelay $0x3  }
0x36: {  	p1 =	seq.s32 s10, $0x1;
	s10 =	sld [smem:$0x3FB3];
	_ =	sdelay $0x3  }
0x37: {  	[smem:$0x3FB3] =	sst s10  }
0x38: {  	s10 =	sld [smem:$0x3FB4]  }
0x39: {  	_ = 	snop;
	(pc) =	sbr.ind lr, $3  }
0x3a: {  	_ = 	snop  }
0x3b: {  	_ = 	snop  }
0x3c: {  	p2 =	seq.s32 s10, $0x1;
	s10 =	sld [smem:$0x3FB3]  }
0x3d: {  	_ =	shalt  }
0x3e: {  	_ =	shalt  }
0x3f: {  	_ =	shalt  }
0x40: {  	_ =	shalt  }
0x41: {  	_ =	shalt  }
0x42: {  	_ =	shalt  }
0x43: {  	_ =	shalt  }
0x44: {  	_ =	shalt  }
0x45: {  	_ =	shalt  }
0x46: {  	_ =	shalt  }
0x47: {  	_ =	shalt  }
0x48: {  	_ =	shalt  }
0x49: {  	_ =	shalt  }
0x4a: {  	_ =	shalt  }
0x4b: {  	_ =	shalt  }
0x4c: {  	_ =	shalt  }
0x4d: {  	_ =	shalt  }
0x4e: {  	_ =	shalt  }
0x4f: {  	_ =	shalt  }
0x50: {  	_ =	shalt  }
0x51: {  	_ =	shalt  }
0x52: {  	_ =	shalt  }
0x53: {  	_ =	shalt  }
0x54: {  	_ =	shalt  }
0x55: {  	_ =	shalt  }
0x56: {  	_ =	shalt  }
0x57: {  	_ =	shalt  }
0x58: {  	_ =	shalt  }
0x59: {  	_ =	shalt  }
0x5a: {  	_ =	shalt  }
0x5b: {  	_ =	shalt  }
0x5c: {  	_ =	shalt  }
0x5d: {  	_ =	shalt  }
0x5e: {  	_ =	shalt  }
0x5f: {  	_ =	shalt  }
0x60: {  	_ =	shalt  }
0x61: {  	_ =	shalt  }
0x62: {  	_ =	shalt  }
0x63: {  	_ =	shalt  }
0x64: {  	_ =	shalt  }
0x65: {  	_ =	shalt  }
0x66: {  	_ =	shalt  }
0x67: {  	_ =	shalt  }
0x68: {  	_ =	shalt  }
0x69: {  	_ =	shalt  }
0x6a: {  	_ =	shalt  }
0x6b: {  	_ =	shalt  }
0x6c: {  	_ =	shalt  }
0x6d: {  	_ =	shalt  }
0x6e: {  	_ =	shalt  }
0x6f: {  	_ =	shalt  }
0x70: {  	_ =	shalt  }
0x71: {  	_ =	shalt  }
0x72: {  	_ =	shalt  }
0x73: {  	_ =	shalt  }
0x74: {  	_ =	shalt  }
0x75: {  	_ =	shalt  }
0x76: {  	_ =	shalt  }
0x77: {  	_ =	shalt  }
0x78: {  	_ =	shalt  }
0x79: {  	_ =	shalt  }
0x7a: {  	_ =	shalt  }
0x7b: {  	_ =	shalt  }
0x7c: {  	_ =	shalt  }
0x7d: {  	_ =	shalt  }
0x7e: {  	_ =	shalt  }
0x7f: {  	_ =	shalt  }
0x80: {  	_ =	shalt  }
0x81: {  	_ =	shalt  }
0x82: {  	_ =	shalt  }
0x83: {  	_ =	shalt  }
0x84: {  	_ =	shalt  }
0x85: {  	_ =	shalt  }
0x86: {  	_ =	shalt  }
0x87: {  	_ =	shalt  }
.Lfunc_end0:
.L_simem_size_0:
called_computation_lowered:
.L_overlay_start_0:
0x88: {  	s2 =	sld [smem:$0x3FD9]  }
0x89: {  	s3 =	sld [smem:$0x3FFE];
	_ =	sdelay $0x1  }
0x8a: {  	s1 =	srdreg.scid  }
0x8b: {  	s0 =	sand.u32 $0x1, s1  }
0x8c: {  	s17 =	sshll.u32 s0, $0xA;
	s2 =	sadd.s32 s3, s2  }
0x8d: {  	s2 =	sadd.s32 s2, s17  }
0x8e: {  	[smem:$0x3FBF] =	sst s2  }
0x8f: {  	_ = 	snop  }
0x90: {  	s2 =	sld [smem:$0x3FD0];
	(tm) =	ssettm $0x1  }
0x91: {  	s18 =	sld [smem:$0x3FFB];
	_ =	sdelay $0x3  }
0x92: {  	_ =	strace s18  }
0x93: {  	s3 =	sld [smem:$0x3FFC];
	_ =	sdelay $0x3  }
0x94: {  	_ =	strace s3  }
0x95: {  	s3 =	sld [smem:$0x3FFD];
	_ =	sdelay $0x3  }
0x96: {  	_ =	strace s3  }
0x97: {  	_ =	strace $0x8FFFFFFF  }
0x98: {  	s19 =	sld [smem:$0x3FDB];
	_ =	sdelay $0x1  }
0x99: {  	s4 =	simm.s32 $_scs_section_size  }
0x9a: {  	s5 =	simm.s32 $_size__tile_overlayer_lowered;
	s6 =	simm.s32 $_tile_overlayer_lowered  }
0x9b: {  	s22 =	simm.s32 $0x1BFF;
	s21 =	sshll.u32 s6, $0x1;
	s3 =	sadd.s32 s4, s19  }
0x9c: {  	s7 =	simm.s32 $0x0;
	s20 =	sshll.u32 s5, $0x1;
	s5 =	sadd.s32 s21, s3  }
0x9d: {  	[timem:s7], [sflag:s22] =	dma.local [hbm:s5], s20  }
0x9e: {  	_ =	swait.ge [sflag:s22], s20  }
0x9f: {  	s4 =	ssub.s32 $0x0, s20;
	[sflag:s22] =	ssyncset.done $0x0  }
0xa0: {  	[sflag:s22] =	ssyncadd.s32 s4;
	_ =	sdelay $0x1  }
0xa1: {  	s23 =	simm.s32 $0x1B8B  }
0xa2: {  	_ =	swait.ge [sflag:s23], $0x1  }
0xa3: {  	[sflag:s23] =	ssyncset.done $0x0  }
0xa4: {  	s25 =	simm.s32 $0x1B8E;
	s24 =	sld [smem:$0x3FFE];
	[sflag:s23] =	ssyncadd.s32 $0xFFFFFFFF  }
0xa5: {  	s26 =	simm.s32 $execute0_lowered;
	[smem:$0x3FD2] =	sst s25  }
0xa6: {  	s5 =	sshll.u32 s26, $0x1;
	_ =	strace $0x80000046;
	[dreg:$0x1] =	wrdreg $0xFFFFFFFF  }
0xa7: {  	s28 =	simm.s32 $_size_execute0_lowered;
	s3 =	sadd.s32 s3, s5;
	[dreg:$0x0] =	wrdreg $0x0  }
0xa8: {  	s5 =	sshll.u32 s28, $0x1;
	[dreg:$0x2] =	wrdreg s3  }
0xa9: {  	[dreg:$0x3] =	wrdreg s5  }
0xaa: {  	[dreg:$0x4] =	wrdreg $0xC0  }
0xab: {  	_ =	task [dreg:s7], $0x5FFFF  }
0xac: {  	[dreg:$0x1] =	wrdreg $0xFFFFFFFF  }
0xad: {  	[dreg:$0x0] =	wrdreg $0x60  }
0xae: {  	[dreg:$0x2] =	wrdreg s24  }
0xaf: {  	[dreg:$0x3] =	wrdreg s2  }
0xb0: {  	[dreg:$0x4] =	wrdreg $0x8000  }
0xb1: {  	[dreg:$0x5] =	wrdreg $0x9  }
0xb2: {  	_ =	task.clear_ibuf [dreg:s7], $0x6FFFF;
	_ =	strace $0x90000046  }
0xb3: {  	s29 =	simm.s32 $0x9;
	_ =	strace $0x80000048  }
0xb4: {  	_ =	swait.ge [sflag:s29], $0x1  }
0xb5: {  	[sflag:s29] =	ssyncadd.s32 $0xFFFFFFFF  }
0xb6: {  	_ =	strace $0x90000048  }
0xb7: {  	_ =	sfence  }
0xb8: {  	s30 =	sld [smem:$0x0];
	_ =	sdelay $0x2  }
0xb9: {  	s31 =	sshll.u32 s1, $0xD;
	s1 =	sshrl.u32 s1, $0x2  }
0xba: {  	s3 =	sand.u32 $0x4000, s31;
	s1 =	sadd.s32 s1, s30  }
0xbb: {  	s0 =	sor.u32 s3, s0;
	s1 =	sshll.u32 s1, $0x11  }
0xbc: {  	s0 =	sor.u32 s1, s0  }
0xbd: {  	s0 =	sadd.s32 $0x8F2B, s0  }
0xbe: {  	[sflag:s0] =	ssyncadd.remote.s32 $0x1  }
0xbf: {  	_ =	sfence.sel $0xFFFF  }
0xc0: {  	[dreg:$0x0] =	wrdreg $0xFFFFFFFF;
	(pc) =	sbr.abs _section_cstart, $3  }
0xc1: {  	[dreg:$0x1] =	wrdreg $0xFFFFFFFF  }
0xc2: {  	_ =	task.clear_ibuf [dreg:s7], $0x2FFFF;
	_ =	strace $0x9FFFFFFF  }
0xc3: {  	(tm) =	ssettm $0x7FFFFFFF  }
tec
execute0_lowered:
.L_overlay_start_1:
0x0: {  	(tag) =	ssettag $0x1  }
0x1: {  	s0 =	rddreg [dreg:$0x0]  }
0x2: {  	s1 =	rddreg [dreg:$0x1]  }
0x3: {  	s3 =	srdreg.scid;
	s2 =	rddreg [dreg:$0x2]  }
0x4: {  	s11 =	stileid.u32;
	s12 =	simm.s32 $0x400;
	s13 =	simm.s32 $0x1  }
0x5: {  	s14 =	simm.s32 $0x2;
	s15 =	simm.s32 $0x80;
	s16 =	simm.s32 $0x480  }
0x6: {  	s17 =	simm.s32 $0x100;
	s18 =	simm.s32 $0x500;
	s19 =	simm.s32 $0x180  }
0x7: {  	s20 =	simm.s32 $0x580;
	s21 =	simm.s32 $0x200;
	s28 =	simm.s32 $0x380  }
0x8: {  	s29 =	simm.s32 $0x780;
	s30 =	simm.s32 $0x3;
	s31 =	simm.s32 $0x0  }
0x9: {  	s4 =	sand.u32 $0x1, s3;
	s3 =	simm.s32 $0x0;
	s6 =	smul.u32 $0xC400, s11  }
0xa: {  	s22 =	smul.u32 $0x1880, s11;
	s24 =	sshll.u32 s11, $0x6;
	s11 =	simm.s32 $0x4  }
0xb: {  	s5 =	smul.u32 $0xC4000, s4;
	[smem:$0x7FF] =	sst s3;
	s7 =	ssub.s32 $0x2, s4  }
0xc: {  	s4 =	smul.u32 $0x18800, s4;
	_ =	strace $0x80000047;
	s23 =	sshrl.u32 s22, $0x3  }
0xd: {  	s8 =	sshrl.u32 s7, $0x1;
	s10 =	sadd.s32 s22, s2;
	s5 =	sadd.s32 s6, s5  }
0xe: {  	s7 =	ssub.s32 s7, s8;
	s4 =	sadd.s32 s22, s4;
	s10 =	sshrl.u32 s10, $0x3  }
0xf: {  	s22 =	simm.s32 $0x600;
	s5 =	sshrl.u32 s5, $0x3;
	s4 =	sshrl.u32 s4, $0x3  }
0x10: {  	s26 =	smax.u32 s7, $0x1;
	s9 =	sadd.s32 s5, s0;
	s0 =	sadd.s32 s23, s0  }
0x11: {  	s5 =	sor.u32 $0x1C04, s24;
	s25 =	sadd.s32 s1, s4;
	[dreg:$0x6] =	wrdreg s26  }
0x12: {  	s23 =	simm.s32 $0x280;
	s24 =	simm.s32 $0x680;
	s26 =	simm.s32 $0x700  }
0x13: {  	s0 =	sadd.s32 $0x94200, s0;
	[dreg:$0x5] =	wrdreg s25;
	s8 =	sadd.s32 $0x1200, s9  }
0x14: {  	s9 =	sadd.s32 $0x32200, s9;
	s25 =	simm.s32 $0x300;
	[dreg:$0x4] =	wrdreg s0  }
.LBB2_1:
0x15: {  	s0 =	rddreg [dreg:$0x4]  }
0x16: {  	[spmem:s10], [sflag:s5] =	dma.local [hbm:s0], $0x310  }
0x17: {  	_ =	swait.ge [sflag:s11], $0x310  }
0x18: {  	[sflag:s11] =	ssyncset.done $0x0  }
0x19: {  	[sflag:s11] =	ssyncadd.s32 $0xFFFFFCF0  }
0x1a: {  	s6 =	sadd.s32 $0x0, s9;
	[bflag:$0x0] =	sbarrier.arrive $0xFFFF  }
0x1b: {  	[tilespmem:s3], [sflag:$0x1] =	stream.linear.gather [hbm4b:s6+s3], $0x400, $0x38;
	[tilespmem:$0x2080] =	vst v63  }
0x1c: {  	s7 =	sadd.s32 $0x0, s8  }
0x1d: {  	[tilespmem:s12], [sflag:$0x2] =	stream.linear.gather [hbm4b:s7+s3], $0x400, $0x38;
	[tilespmem:$0x2080] =	vst v63  }
0x1e: {  	_ =	swait.ge [sflag:s13], $0x400  }
0x1f: {  	[sflag:s13] =	ssyncset.done $0x0  }
0x20: {  	[sflag:s13] =	ssyncadd.s32 $0xFFFFFC00  }
0x21: {  	_ =	swait.ge [sflag:s14], $0x400  }
0x22: {  	[sflag:s14] =	ssyncset.done $0x0  }
0x23: {  	[sflag:s14] =	ssyncadd.s32 $0xFFFFFC00  }
0x24: {  	[spmem:s2] =	stream.indirect.scatter.add.f32 [tilespmem:s12], [sflag:$0x3], $0x1, s3, s15, $0xb8;
	[tilespmem:$0x2080] =	vst v63  }
0x25: {  	_ = 	snop  }
0x26: {  	[spmem:s2] =	stream.indirect.scatter.add.f32 [tilespmem:s16], [sflag:$0x3], $0x1, s15, s15, $0xb8;
	[tilespmem:$0x2080] =	vst v63  }
0x27: {  	_ = 	snop  }
0x28: {  	[spmem:s2] =	stream.indirect.scatter.add.f32 [tilespmem:s18], [sflag:$0x3], $0x1, s17, s15, $0xb8;
	[tilespmem:$0x2080] =	vst v63  }
0x29: {  	_ = 	snop  }
0x2a: {  	[spmem:s2] =	stream.indirect.scatter.add.f32 [tilespmem:s20], [sflag:$0x3], $0x1, s19, s15, $0xb8;
	[tilespmem:$0x2080] =	vst v63  }
0x2b: {  	_ = 	snop  }
0x2c: {  	[spmem:s2] =	stream.indirect.scatter.add.f32 [tilespmem:s22], [sflag:$0x3], $0x1, s21, s15, $0xb8;
	[tilespmem:$0x2080] =	vst v63  }
0x2d: {  	_ = 	snop  }
0x2e: {  	[spmem:s2] =	stream.indirect.scatter.add.f32 [tilespmem:s24], [sflag:$0x3], $0x1, s23, s15, $0xb8;
	[tilespmem:$0x2080] =	vst v63  }
0x2f: {  	_ = 	snop  }
0x30: {  	[spmem:s2] =	stream.indirect.scatter.add.f32 [tilespmem:s26], [sflag:$0x3], $0x1, s25, s15, $0xb8;
	[tilespmem:$0x2080] =	vst v63  }
0x31: {  	_ = 	snop  }
0x32: {  	[spmem:s2] =	stream.indirect.scatter.add.f32 [tilespmem:s29], [sflag:$0x3], $0x1, s28, s15, $0xb8;
	[tilespmem:$0x2080] =	vst v63  }
0x33: {  	_ =	swait.ge [sflag:s30], $0x80  }
0x34: {  	[sflag:s30] =	ssyncset.done $0x0  }
0x35: {  	[sflag:s30] =	ssyncadd.s32 $0xFFFFFF80  }
0x36: {  	_ =	swait.ge [sflag:s30], $0x80  }
0x37: {  	[sflag:s30] =	ssyncset.done $0x0  }
0x38: {  	[sflag:s30] =	ssyncadd.s32 $0xFFFFFF80  }
0x39: {  	_ =	swait.ge [sflag:s30], $0x80  }
0x3a: {  	[sflag:s30] =	ssyncset.done $0x0  }
0x3b: {  	[sflag:s30] =	ssyncadd.s32 $0xFFFFFF80  }
0x3c: {  	_ =	swait.ge [sflag:s30], $0x80  }
0x3d: {  	[sflag:s30] =	ssyncset.done $0x0  }
0x3e: {  	[sflag:s30] =	ssyncadd.s32 $0xFFFFFF80  }
0x3f: {  	_ =	swait.ge [sflag:s30], $0x80  }
0x40: {  	[sflag:s30] =	ssyncset.done $0x0  }
0x41: {  	[sflag:s30] =	ssyncadd.s32 $0xFFFFFF80  }
0x42: {  	_ =	swait.ge [sflag:s30], $0x80  }
0x43: {  	[sflag:s30] =	ssyncset.done $0x0  }
0x44: {  	[sflag:s30] =	ssyncadd.s32 $0xFFFFFF80  }
0x45: {  	_ =	swait.ge [sflag:s30], $0x80  }
0x46: {  	[sflag:s30] =	ssyncset.done $0x0  }
0x47: {  	[sflag:s30] =	ssyncadd.s32 $0xFFFFFF80  }
0x48: {  	_ =	swait.ge [sflag:s30], $0x80  }
0x49: {  	s1 =	simm.s32 $0x100;
	s0 =	simm.s32 $0x80;
	[sflag:s30] =	ssyncset.done $0x0  }
.LBB2_2:
0x4a: {  	s6 =	sadd.s32 s0, s9  }
0x4b: {  	[sflag:s30] =	ssyncadd.s32 $0xFFFFFF80;
	s7 =	smov.u32 s1;
	s4 =	sadd.s32 $0x80, s1  }
0x4c: {  	[tilespmem:s3], [sflag:$0x1] =	stream.linear.gather [hbm4b:s6+s3], $0x400, $0x38;
	[tilespmem:$0x2080] =	vst v63  }
0x4d: {  	p0 =	sne.s32 s1, $0x1800;
	s1 =	sadd.s32 s0, s8;
	s0 =	smov.u32 s7  }
0x4e: {  	[tilespmem:s12], [sflag:$0x2] =	stream.linear.gather [hbm4b:s1+s3], $0x400, $0x38;
	[tilespmem:$0x2080] =	vst v63  }
0x4f: {  	_ =	swait.ge [sflag:s13], $0x400  }
0x50: {  	[sflag:s13] =	ssyncset.done $0x0  }
0x51: {  	[sflag:s13] =	ssyncadd.s32 $0xFFFFFC00  }
0x52: {  	_ =	swait.ge [sflag:s14], $0x400  }
0x53: {  	[sflag:s14] =	ssyncset.done $0x0  }
0x54: {  	[sflag:s14] =	ssyncadd.s32 $0xFFFFFC00  }
0x55: {  	[spmem:s2] =	stream.indirect.scatter.add.f32 [tilespmem:s12], [sflag:$0x3], $0x1, s3, s15, $0xb8;
	[tilespmem:$0x2080] =	vst v63  }
0x56: {  	_ = 	snop  }
0x57: {  	[spmem:s2] =	stream.indirect.scatter.add.f32 [tilespmem:s16], [sflag:$0x3], $0x1, s15, s15, $0xb8;
	[tilespmem:$0x2080] =	vst v63  }
0x58: {  	_ = 	snop  }
0x59: {  	[spmem:s2] =	stream.indirect.scatter.add.f32 [tilespmem:s18], [sflag:$0x3], $0x1, s17, s15, $0xb8;
	[tilespmem:$0x2080] =	vst v63  }
0x5a: {  	_ = 	snop  }
0x5b: {  	[spmem:s2] =	stream.indirect.scatter.add.f32 [tilespmem:s20], [sflag:$0x3], $0x1, s19, s15, $0xb8;
	[tilespmem:$0x2080] =	vst v63  }
0x5c: {  	_ = 	snop  }
0x5d: {  	[spmem:s2] =	stream.indirect.scatter.add.f32 [tilespmem:s22], [sflag:$0x3], $0x1, s21, s15, $0xb8;
	[tilespmem:$0x2080] =	vst v63  }
0x5e: {  	_ = 	snop  }
0x5f: {  	[spmem:s2] =	stream.indirect.scatter.add.f32 [tilespmem:s24], [sflag:$0x3], $0x1, s23, s15, $0xb8;
	[tilespmem:$0x2080] =	vst v63  }
0x60: {  	_ = 	snop  }
0x61: {  	[spmem:s2] =	stream.indirect.scatter.add.f32 [tilespmem:s26], [sflag:$0x3], $0x1, s25, s15, $0xb8;
	[tilespmem:$0x2080] =	vst v63  }
0x62: {  	_ = 	snop  }
0x63: {  	[spmem:s2] =	stream.indirect.scatter.add.f32 [tilespmem:s29], [sflag:$0x3], $0x1, s28, s15, $0xb8;
	[tilespmem:$0x2080] =	vst v63  }
0x64: {  	_ =	swait.ge [sflag:s30], $0x80  }
0x65: {  	[sflag:s30] =	ssyncset.done $0x0  }
0x66: {  	[sflag:s30] =	ssyncadd.s32 $0xFFFFFF80  }
0x67: {  	_ =	swait.ge [sflag:s30], $0x80  }
0x68: {  	[sflag:s30] =	ssyncset.done $0x0  }
0x69: {  	[sflag:s30] =	ssyncadd.s32 $0xFFFFFF80  }
0x6a: {  	_ =	swait.ge [sflag:s30], $0x80  }
0x6b: {  	[sflag:s30] =	ssyncset.done $0x0  }
0x6c: {  	[sflag:s30] =	ssyncadd.s32 $0xFFFFFF80  }
0x6d: {  	_ =	swait.ge [sflag:s30], $0x80  }
0x6e: {  	[sflag:s30] =	ssyncset.done $0x0  }
0x6f: {  	[sflag:s30] =	ssyncadd.s32 $0xFFFFFF80  }
0x70: {  	_ =	swait.ge [sflag:s30], $0x80  }
0x71: {  	[sflag:s30] =	ssyncset.done $0x0  }
0x72: {  	[sflag:s30] =	ssyncadd.s32 $0xFFFFFF80  }
0x73: {  	_ =	swait.ge [sflag:s30], $0x80  }
0x74: {  	[sflag:s30] =	ssyncset.done $0x0  }
0x75: {  	[sflag:s30] =	ssyncadd.s32 $0xFFFFFF80  }
.Ltmp0:
0x76: {  	_ =	swait.ge [sflag:s30], $0x80;
	(pc) =	sbr.rel @p0 .LBB2_2-.Ltmp0, $4  }
0x77: {  	[sflag:s30] =	ssyncset.done $0x0  }
0x78: {  	[sflag:s30] =	ssyncadd.s32 $0xFFFFFF80  }
0x79: {  	_ =	swait.ge [sflag:s30], $0x80  }
0x7a: {  	s1 =	smov.u32 s4;
	[sflag:s30] =	ssyncset.done $0x0  }
0x7b: {  	s1 =	sadd.s32 s0, s9;
	[sflag:s30] =	ssyncadd.s32 $0xFFFFFF80  }
0x7c: {  	[tilespmem:s3], [sflag:$0x1] =	stream.linear.gather [hbm4b:s1+s3], $0x400, $0x38;
	[tilespmem:$0x2080] =	vst v63  }
0x7d: {  	s4 =	sadd.s32 s0, s8  }
0x7e: {  	[tilespmem:s12], [sflag:$0x2] =	stream.linear.gather [hbm4b:s4+s3], $0x400, $0x38;
	[tilespmem:$0x2080] =	vst v63  }
0x7f: {  	_ =	swait.ge [sflag:s13], $0x400  }
0x80: {  	[sflag:s13] =	ssyncset.done $0x0  }
0x81: {  	[sflag:s13] =	ssyncadd.s32 $0xFFFFFC00  }
0x82: {  	_ =	swait.ge [sflag:s14], $0x400  }
0x83: {  	[sflag:s14] =	ssyncset.done $0x0  }
0x84: {  	[sflag:s14] =	ssyncadd.s32 $0xFFFFFC00  }
0x85: {  	[spmem:s2] =	stream.indirect.scatter.add.f32 [tilespmem:s12], [sflag:$0x3], $0x1, s3, s15, $0xb8;
	[tilespmem:$0x2080] =	vst v63  }
0x86: {  	_ = 	snop  }
0x87: {  	[spmem:s2] =	stream.indirect.scatter.add.f32 [tilespmem:s16], [sflag:$0x3], $0x1, s15, s15, $0xb8;
	[tilespmem:$0x2080] =	vst v63  }
0x88: {  	_ = 	snop  }
0x89: {  	[spmem:s2] =	stream.indirect.scatter.add.f32 [tilespmem:s18], [sflag:$0x3], $0x1, s17, s15, $0xb8;
	[tilespmem:$0x2080] =	vst v63  }
0x8a: {  	_ = 	snop  }
0x8b: {  	[spmem:s2] =	stream.indirect.scatter.add.f32 [tilespmem:s20], [sflag:$0x3], $0x1, s19, s15, $0xb8;
	[tilespmem:$0x2080] =	vst v63  }
0x8c: {  	_ = 	snop  }
0x8d: {  	[spmem:s2] =	stream.indirect.scatter.add.f32 [tilespmem:s22], [sflag:$0x3], $0x1, s21, s15, $0xb8;
	[tilespmem:$0x2080] =	vst v63  }
0x8e: {  	_ = 	snop  }
0x8f: {  	[spmem:s2] =	stream.indirect.scatter.add.f32 [tilespmem:s24], [sflag:$0x3], $0x1, s23, s15, $0xb8;
	[tilespmem:$0x2080] =	vst v63  }
0x90: {  	_ = 	snop  }
0x91: {  	[spmem:s2] =	stream.indirect.scatter.add.f32 [tilespmem:s26], [sflag:$0x3], $0x1, s25, s15, $0xb8;
	[tilespmem:$0x2080] =	vst v63  }
0x92: {  	_ = 	snop  }
0x93: {  	[spmem:s2] =	stream.indirect.scatter.add.f32 [tilespmem:s29], [sflag:$0x3], $0x1, s28, s15, $0xb8;
	[tilespmem:$0x2080] =	vst v63  }
0x94: {  	_ =	swait.ge [sflag:s30], $0x80  }
0x95: {  	[sflag:s30] =	ssyncset.done $0x0  }
0x96: {  	[sflag:s30] =	ssyncadd.s32 $0xFFFFFF80  }
0x97: {  	_ =	swait.ge [sflag:s30], $0x80  }
0x98: {  	[sflag:s30] =	ssyncset.done $0x0  }
0x99: {  	[sflag:s30] =	ssyncadd.s32 $0xFFFFFF80  }
0x9a: {  	_ =	swait.ge [sflag:s30], $0x80  }
0x9b: {  	[sflag:s30] =	ssyncset.done $0x0  }
0x9c: {  	[sflag:s30] =	ssyncadd.s32 $0xFFFFFF80  }
0x9d: {  	_ =	swait.ge [sflag:s30], $0x80  }
0x9e: {  	[sflag:s30] =	ssyncset.done $0x0  }
0x9f: {  	[sflag:s30] =	ssyncadd.s32 $0xFFFFFF80  }
0xa0: {  	_ =	swait.ge [sflag:s30], $0x80  }
0xa1: {  	[sflag:s30] =	ssyncset.done $0x0  }
0xa2: {  	[sflag:s30] =	ssyncadd.s32 $0xFFFFFF80  }
0xa3: {  	_ =	swait.ge [sflag:s30], $0x80  }
0xa4: {  	[sflag:s30] =	ssyncset.done $0x0  }
0xa5: {  	[sflag:s30] =	ssyncadd.s32 $0xFFFFFF80  }
0xa6: {  	_ =	swait.ge [sflag:s30], $0x80  }
0xa7: {  	[sflag:s30] =	ssyncset.done $0x0  }
0xa8: {  	[sflag:s30] =	ssyncadd.s32 $0xFFFFFF80  }
0xa9: {  	_ =	swait.ge [sflag:s30], $0x80  }
0xaa: {  	[sflag:s30] =	ssyncset.done $0x0  }
0xab: {  	[sflag:s30] =	ssyncadd.s32 $0xFFFFFF80  }
0xac: {  	[bflag:$0x0] =	sbarrier.arrive $0xFFFF  }
0xad: {  	s6 =	rddreg [dreg:$0x5]  }
0xae: {  	[hbm:s6], [sflag:s5] =	dma.local [spmem:s10], $0x310  }
0xaf: {  	_ =	swait.ge [sflag:s11], $0x310  }
0xb0: {  	s31 =	sadd.s32 $0x1, s31;
	s7 =	rddreg [dreg:$0x6]  }
0xb1: {  	p0 =	sne.s32 s31, s7  }
.Ltmp1:
0xb2: {  	_ = 	snop;
	(pc) =	sbr.rel @p0 .LBB2_1-.Ltmp1, $3  }
0xb3: {  	_ =	sdelay $0x1  }
0xb4: {  	[sflag:s11] =	ssyncset.done $0x0  }
0xb5: {  	[sflag:s11] =	ssyncadd.s32 $0xFFFFFCF0  }
0xb6: {  	_ =	sfence.sel $0x180000  }
0xb7: {  	[bflag:$0x0] =	sbarrier.arrive $0xFFFF  }
0xb8: {  	_ =	strace $0x90000047  }
0xb9: {  	s0 =	stileid.u32;
	[bflag:$0x2] =	sbarrier.arrive $0xFFFF  }
0xba: {  	p0 =	sne.s32 s0, $0x0;
	s0 =	rddreg [dreg:$0x3]  }
0xbb: {  	s0 =	sadd.s32 @!p0 $0x100000, s0  }
0xbc: {  	[sflag:s0] =	ssyncadd.tile.s32 @!p0 $0x1;
	_ =	shalt  }
.Lfunc_end2:
_tile_overlayer_lowered:
.L_overlay_start_2:
0xbd: {  	(tag) =	ssettag $0x2  }
0xbe: {  	s0 =	rddreg [dreg:$0x0];
	s2 =	stileid.u32  }
0xbf: {  	s1 =	rddreg [dreg:$0x1];
	p0 =	sne.s32 s2, $0x0  }
0xc0: {  	s3 =	rddreg [dreg:$0x2];
	[bflag:$0x3] =	sbarrier.arrive $0xFFFF;
	s2 =	simm.s32 @!p0 $0x1C04  }
0xc1: {  	[timem:s3], [sflag:s2] =	dma.local @!p0 [hbm:s0], s1  }
0xc2: {  	s0 =	simm.s32 @!p0 $0x4  }
0xc3: {  	_ =	swait.ge @!p0 [sflag:s0], s1  }
0xc4: {  	s1 =	ssub.s32 @!p0 $0x0, s1;
	[sflag:s0] =	ssyncset.done @!p0 $0x0  }
0xc5: {  	[sflag:s0] =	ssyncadd.s32 @!p0 s1  }
0xc6: {  	[bflag:$0x3] =	sbarrier.arrive $0xFFFF  }
0xc7: {  	_ =	shalt  }

// kernel: kernel.9.cloned.1.call-start
scs
__scs_entry_jumppad:
0x0: {  	(pc) =	sbr.rel $0x88, $3  }
0x1: {  	(tag) =	ssettag $0x0;
	lr =	simm.s32 $0x1  }
0x2: {  	[smem:$0x3F98] =	sst lr;
	_ =	strace $0xD0000000  }
0x3: {  	_ = 	snop  }
0x4: {  	_ = 	snop  }
0x5: {  	_ = 	snop  }
0x6: {  	_ = 	snop  }
0x7: {  	_ = 	snop  }
__scs_overlays_trampoline_lowered:
0x8: {  	[smem:$0x3FA7] =	sst s0  }
0x9: {  	[smem:$0x3FA8] =	sst s1  }
0xa: {  	[smem:$0x3FA9] =	sst s2  }
0xb: {  	[smem:$0x3FAA] =	sst s3  }
0xc: {  	[smem:$0x3FAB] =	sst s4  }
0xd: {  	[smem:$0x3FAC] =	sst s5  }
0xe: {  	[smem:$0x3FAD] =	sst s6  }
0xf: {  	[smem:$0x3FAE] =	sst s7  }
0x10: {  	[smem:$0x3FAF] =	sst s8  }
0x11: {  	[smem:$0x3FB0] =	sst s9;
	s0 =	simm.s32 @!p0 $0x0  }
0x12: {  	s1 =	sld [smem:$0x3F96];
	s0 =	simm.s32 @p0 $0x1  }
0x13: {  	[smem:$0x3FB1] =	sst s0;
	s0 =	simm.s32 @!p1 $0x0  }
0x14: {  	s2 =	sld [smem:$0x3F95];
	s0 =	simm.s32 @p1 $0x1  }
0x15: {  	[smem:$0x3FB2] =	sst s0;
	s0 =	simm.s32 @!p2 $0x0  }
0x16: {  	s3 =	sld [smem:$0x3FDB];
	s0 =	simm.s32 @p2 $0x1  }
0x17: {  	s4 =	simm.s32 $0x1BF5;
	[smem:$0x3FB4] =	sst s0  }
0x18: {  	s0 =	sld [smem:$0x3F97];
	_ =	swait.ge [sflag:s4], $0x0  }
0x19: {  	s7 =	sld [smem:$0x3F98]  }
0x1a: {  	s8 =	sadd.s32 $0xFFFFE003, lr  }
0x1b: {  	s9 =	sadd.s32 $0xFFFFFEF7, lr;
	s5 =	simm.s32 $0xFFFFFFFF;
	p2 =	slt.u32 s8, $0xFFFFF086  }
0x1c: {  	p1 =	slt.u32 s9, $0xF7A;
	s5 =	simm.s32 @!p2 $0x0  }
0x1d: {  	s5 =	simm.s32 @p1 $0x1;
	p0 =	seq.s32 s7, s2  }
0x1e: {  	s7 =	smul.u32 @!p0 $0xF7A, s2;
	p2 =	seq.s32 @!p0 s5, $0x0  }
0x1f: {  	s9 =	smul.u32 $0xF7A, s1;
	s8 =	simm.s32 @!p0 $0x1BF5;
	p2 =	por !p2, p0  }
0x20: {  	[sflag:s8] =	ssyncset.s32 @!p0 $0xFFFFF086;
	s6 =	sadd.s32 @!p0 s3, s7;
	s7 =	simm.s32 @!p0 $0x108  }
0x21: {  	s3 =	sadd.s32 s3, s9;
	s6 =	sadd.s32 @!p0 $0x88, s6;
	s7 =	simm.s32 @p2 $0x1082  }
0x22: {  	[simem:s7], [sflag:s8] =	dma.local @!p0 [hbm:s6], $0xF7A  }
0x23: {  	s9 =	sor.u32 $0xD0000000, s2;
	s6 =	simm.s32 $0x108;
	_ =	swait.ge @!p0 [sflag:s8], $0x0  }
0x24: {  	s3 =	sadd.s32 $0x88, s3;
	s6 =	simm.s32 @!p1 $0x1082;
	[sflag:s4] =	ssyncset.s32 $0xFFFFF086  }
0x25: {  	[simem:s6], [sflag:s4] =	dma.local [hbm:s3], $0xF7A  }
0x26: {  	[smem:$0x3F98] =	sst s1;
	(tag) =	ssettag s2;
	_ =	strace s9  }
0x27: {  	s1 =	sld [smem:$0x3FA8]  }
0x28: {  	s2 =	sld [smem:$0x3FA9]  }
0x29: {  	s4 =	sld [smem:$0x3FAB]  }
0x2a: {  	p0 =	seq.s32 s5, $0x0;
	s5 =	sld [smem:$0x3FAC]  }
0x2b: {  	s6 =	sld [smem:$0x3FAD]  }
0x2c: {  	s7 =	sld [smem:$0x3FAE]  }
0x2d: {  	s3 =	simm.s32 $0x108;
	s8 =	sld [smem:$0x3FAF]  }
0x2e: {  	s3 =	simm.s32 @!p0 $0x1082;
	s9 =	sld [smem:$0x3FB0]  }
0x2f: {  	lr =	sadd.s32 s0, s3;
	s0 =	sld [smem:$0x3FA7]  }
0x30: {  	s3 =	sld [smem:$0x3FAA]  }
0x31: {  	[smem:$0x3FB3] =	sst s10  }
0x32: {  	s10 =	sld [smem:$0x3FB1];
	_ =	sdelay $0x3  }
0x33: {  	p0 =	seq.s32 s10, $0x1;
	s10 =	sld [smem:$0x3FB3];
	_ =	sdelay $0x3  }
0x34: {  	[smem:$0x3FB3] =	sst s10  }
0x35: {  	s10 =	sld [smem:$0x3FB2];
	_ =	sdelay $0x3  }
0x36: {  	p1 =	seq.s32 s10, $0x1;
	s10 =	sld [smem:$0x3FB3];
	_ =	sdelay $0x3  }
0x37: {  	[smem:$0x3FB3] =	sst s10  }
0x38: {  	s10 =	sld [smem:$0x3FB4]  }
0x39: {  	_ = 	snop;
	(pc) =	sbr.ind lr, $3  }
0x3a: {  	_ = 	snop  }
0x3b: {  	_ = 	snop  }
0x3c: {  	p2 =	seq.s32 s10, $0x1;
	s10 =	sld [smem:$0x3FB3]  }
0x3d: {  	_ =	shalt  }
0x3e: {  	_ =	shalt  }
0x3f: {  	_ =	shalt  }
0x40: {  	_ =	shalt  }
0x41: {  	_ =	shalt  }
0x42: {  	_ =	shalt  }
0x43: {  	_ =	shalt  }
0x44: {  	_ =	shalt  }
0x45: {  	_ =	shalt  }
0x46: {  	_ =	shalt  }
0x47: {  	_ =	shalt  }
0x48: {  	_ =	shalt  }
0x49: {  	_ =	shalt  }
0x4a: {  	_ =	shalt  }
0x4b: {  	_ =	shalt  }
0x4c: {  	_ =	shalt  }
0x4d: {  	_ =	shalt  }
0x4e: {  	_ =	shalt  }
0x4f: {  	_ =	shalt  }
0x50: {  	_ =	shalt  }
0x51: {  	_ =	shalt  }
0x52: {  	_ =	shalt  }
0x53: {  	_ =	shalt  }
0x54: {  	_ =	shalt  }
0x55: {  	_ =	shalt  }
0x56: {  	_ =	shalt  }
0x57: {  	_ =	shalt  }
0x58: {  	_ =	shalt  }
0x59: {  	_ =	shalt  }
0x5a: {  	_ =	shalt  }
0x5b: {  	_ =	shalt  }
0x5c: {  	_ =	shalt  }
0x5d: {  	_ =	shalt  }
0x5e: {  	_ =	shalt  }
0x5f: {  	_ =	shalt  }
0x60: {  	_ =	shalt  }
0x61: {  	_ =	shalt  }
0x62: {  	_ =	shalt  }
0x63: {  	_ =	shalt  }
0x64: {  	_ =	shalt  }
0x65: {  	_ =	shalt  }
0x66: {  	_ =	shalt  }
0x67: {  	_ =	shalt  }
0x68: {  	_ =	shalt  }
0x69: {  	_ =	shalt  }
0x6a: {  	_ =	shalt  }
0x6b: {  	_ =	shalt  }
0x6c: {  	_ =	shalt  }
0x6d: {  	_ =	shalt  }
0x6e: {  	_ =	shalt  }
0x6f: {  	_ =	shalt  }
0x70: {  	_ =	shalt  }
0x71: {  	_ =	shalt  }
0x72: {  	_ =	shalt  }
0x73: {  	_ =	shalt  }
0x74: {  	_ =	shalt  }
0x75: {  	_ =	shalt  }
0x76: {  	_ =	shalt  }
0x77: {  	_ =	shalt  }
0x78: {  	_ =	shalt  }
0x79: {  	_ =	shalt  }
0x7a: {  	_ =	shalt  }
0x7b: {  	_ =	shalt  }
0x7c: {  	_ =	shalt  }
0x7d: {  	_ =	shalt  }
0x7e: {  	_ =	shalt  }
0x7f: {  	_ =	shalt  }
0x80: {  	_ =	shalt  }
0x81: {  	_ =	shalt  }
0x82: {  	_ =	shalt  }
0x83: {  	_ =	shalt  }
0x84: {  	_ =	shalt  }
0x85: {  	_ =	shalt  }
0x86: {  	_ =	shalt  }
0x87: {  	_ =	shalt  }
.Lfunc_end0:
.L_simem_size_0:
called_computation.1_lowered:
.L_overlay_start_0:
0x88: {  	s2 =	sld [smem:$0x3FD9]  }
0x89: {  	s3 =	sld [smem:$0x3FFE];
	_ =	sdelay $0x1  }
0x8a: {  	s1 =	srdreg.scid  }
0x8b: {  	s0 =	sand.u32 $0x1, s1  }
0x8c: {  	s17 =	sshll.u32 s0, $0xA;
	s2 =	sadd.s32 s3, s2  }
0x8d: {  	s2 =	sadd.s32 s2, s17  }
0x8e: {  	[smem:$0x3FBF] =	sst s2  }
0x8f: {  	_ = 	snop  }
0x90: {  	s2 =	sld [smem:$0x3FD0];
	(tm) =	ssettm $0x1  }
0x91: {  	s18 =	sld [smem:$0x3FFB];
	_ =	sdelay $0x3  }
0x92: {  	_ =	strace s18  }
0x93: {  	s3 =	sld [smem:$0x3FFC];
	_ =	sdelay $0x3  }
0x94: {  	_ =	strace s3  }
0x95: {  	s3 =	sld [smem:$0x3FFD];
	_ =	sdelay $0x3  }
0x96: {  	_ =	strace s3  }
0x97: {  	_ =	strace $0x8FFFFFFF  }
0x98: {  	s19 =	sld [smem:$0x3FDB];
	_ =	sdelay $0x1  }
0x99: {  	s4 =	simm.s32 $_scs_section_size  }
0x9a: {  	s5 =	simm.s32 $_size__tile_overlayer_lowered;
	s6 =	simm.s32 $_tile_overlayer_lowered  }
0x9b: {  	s22 =	simm.s32 $0x1BFF;
	s21 =	sshll.u32 s6, $0x1;
	s3 =	sadd.s32 s4, s19  }
0x9c: {  	s7 =	simm.s32 $0x0;
	s20 =	sshll.u32 s5, $0x1;
	s5 =	sadd.s32 s21, s3  }
0x9d: {  	[timem:s7], [sflag:s22] =	dma.local [hbm:s5], s20  }
0x9e: {  	_ =	swait.ge [sflag:s22], s20  }
0x9f: {  	s4 =	ssub.s32 $0x0, s20;
	[sflag:s22] =	ssyncset.done $0x0  }
0xa0: {  	[sflag:s22] =	ssyncadd.s32 s4;
	_ =	sdelay $0x1  }
0xa1: {  	s23 =	simm.s32 $0x1B8B  }
0xa2: {  	_ =	swait.ge [sflag:s23], $0x1  }
0xa3: {  	[sflag:s23] =	ssyncset.done $0x0  }
0xa4: {  	s25 =	simm.s32 $0x1B8E;
	s24 =	sld [smem:$0x3FFE];
	[sflag:s23] =	ssyncadd.s32 $0xFFFFFFFF  }
0xa5: {  	s26 =	simm.s32 $execute0_lowered;
	[smem:$0x3FD2] =	sst s25  }
0xa6: {  	s5 =	sshll.u32 s26, $0x1;
	_ =	strace $0x80000049;
	[dreg:$0x1] =	wrdreg $0xFFFFFFFF  }
0xa7: {  	s28 =	simm.s32 $_size_execute0_lowered;
	s3 =	sadd.s32 s3, s5;
	[dreg:$0x0] =	wrdreg $0x0  }
0xa8: {  	s5 =	sshll.u32 s28, $0x1;
	[dreg:$0x2] =	wrdreg s3  }
0xa9: {  	[dreg:$0x3] =	wrdreg s5  }
0xaa: {  	[dreg:$0x4] =	wrdreg $0xC0  }
0xab: {  	_ =	task [dreg:s7], $0x5FFFF  }
0xac: {  	[dreg:$0x1] =	wrdreg $0xFFFFFFFF  }
0xad: {  	[dreg:$0x0] =	wrdreg $0x60  }
0xae: {  	[dreg:$0x2] =	wrdreg s24  }
0xaf: {  	[dreg:$0x3] =	wrdreg s2  }
0xb0: {  	[dreg:$0x4] =	wrdreg $0x1C000  }
0xb1: {  	[dreg:$0x5] =	wrdreg $0x9  }
0xb2: {  	_ =	task.clear_ibuf [dreg:s7], $0x6FFFF;
	_ =	strace $0x90000049  }
0xb3: {  	s29 =	simm.s32 $0x9;
	_ =	strace $0x8000004B  }
0xb4: {  	_ =	swait.ge [sflag:s29], $0x1  }
0xb5: {  	[sflag:s29] =	ssyncadd.s32 $0xFFFFFFFF  }
0xb6: {  	_ =	strace $0x9000004B  }
0xb7: {  	_ =	sfence  }
0xb8: {  	s30 =	sld [smem:$0x0];
	_ =	sdelay $0x2  }
0xb9: {  	s31 =	sshll.u32 s1, $0xD;
	s1 =	sshrl.u32 s1, $0x2  }
0xba: {  	s3 =	sand.u32 $0x4000, s31;
	s1 =	sadd.s32 s1, s30  }
0xbb: {  	s0 =	sor.u32 s3, s0;
	s1 =	sshll.u32 s1, $0x11  }
0xbc: {  	s0 =	sor.u32 s1, s0  }
0xbd: {  	s0 =	sadd.s32 $0x8F2B, s0  }
0xbe: {  	[sflag:s0] =	ssyncadd.remote.s32 $0x1  }
0xbf: {  	_ =	sfence.sel $0xFFFF  }
0xc0: {  	[dreg:$0x0] =	wrdreg $0xFFFFFFFF;
	(pc) =	sbr.abs _section_cstart, $3  }
0xc1: {  	[dreg:$0x1] =	wrdreg $0xFFFFFFFF  }
0xc2: {  	_ =	task.clear_ibuf [dreg:s7], $0x2FFFF;
	_ =	strace $0x9FFFFFFF  }
0xc3: {  	(tm) =	ssettm $0x7FFFFFFF  }
tec
execute0_lowered:
.L_overlay_start_1:
0x0: {  	(tag) =	ssettag $0x1  }
0x1: {  	s0 =	rddreg [dreg:$0x0]  }
0x2: {  	s2 =	rddreg [dreg:$0x1]  }
0x3: {  	s1 =	rddreg [dreg:$0x2]  }
0x4: {  	s23 =	simm.s32 $0x0;
	s13 =	stileid.u32;
	s7 =	srdreg.scid  }
0x5: {  	s14 =	simm.s32 $0x5;
	s15 =	simm.s32 $0x400;
	s16 =	simm.s32 $0x800  }
0x6: {  	s17 =	simm.s32 $0x80;
	s18 =	simm.s32 $0xC00;
	s19 =	simm.s32 $0x1  }
0x7: {  	s28 =	simm.s32 $0x500;
	s29 =	simm.s32 $0x200;
	s30 =	simm.s32 $0x580  }
0x8: {  	s31 =	simm.s32 $0x280;
	[smem:$0x7FF] =	sst s23;
	s4 =	sadd.s32 $0x63200, s0  }
0x9: {  	s3 =	smul.u32 $0x18800, s13;
	s5 =	sadd.s32 $0x32200, s0;
	s6 =	sadd.s32 $0x1200, s0  }
0xa: {  	s8 =	sand.u32 $0x1, s7;
	s7 =	sadd.s32 $0x3A4200, s0;
	s24 =	sshll.u32 s13, $0x6  }
0xb: {  	_ =	strace $0x8000004A;
	s10 =	ssub.s32 $0x2, s8;
	s12 =	sshll.u32 s8, $0x4  }
0xc: {  	s8 =	smul.u32 $0x188000, s8;
	s9 =	sshrl.u32 s3, $0x3;
	s11 =	sshrl.u32 s10, $0x1  }
0xd: {  	s21 =	sor.u32 s13, s12;
	s22 =	sadd.s32 s3, s1;
	s13 =	sor.u32 $0x1C05, s24  }
0xe: {  	s12 =	simm.s32 $0x700;
	s0 =	sadd.s32 s9, s0;
	s20 =	ssub.s32 s10, s11  }
0xf: {  	s3 =	sadd.s32 s3, s8;
	s10 =	smul.u32 $0xC400, s21;
	s24 =	sshrl.u32 s22, $0x3  }
0x10: {  	s21 =	simm.s32 $0x2;
	s22 =	simm.s32 $0x3;
	s8 =	simm.s32 $0x680  }
0x11: {  	s11 =	simm.s32 $0x380;
	s9 =	simm.s32 $0x780;
	[dreg:$0x6] =	wrdreg s13  }
0x12: {  	s0 =	sadd.s32 $0x94200, s0;
	s25 =	sshrl.u32 s3, $0x3;
	[dreg:$0x9] =	wrdreg s24  }
0x13: {  	s26 =	smax.u32 s20, $0x1;
	s20 =	simm.s32 $0x1400;
	[dreg:$0x5] =	wrdreg s0  }
0x14: {  	v0 =	vimm.s32 $0x0;
	vm0 =	vcmask $0x300;
	s0 =	sadd.s32 s2, s25;
	[dreg:$0x8] =	wrdreg s26;
	s25 =	simm.s32 $0x4  }
0x15: {  	v0 =	vsel vm0, $0x3, v0;
	s2 =	simm.s32 $0x300;
	[dreg:$0x7] =	wrdreg s0;
	s0 =	simm.s32 $0x600  }
.LBB2_1:
0x16: {  	[dreg:$0x4] =	wrdreg s23  }
0x17: {  	s3 =	rddreg [dreg:$0x5]  }
0x18: {  	[spmem:s24], [sflag:s13] =	dma.local [hbm:s3], $0x3100  }
0x19: {  	_ =	swait.ge [sflag:s14], $0x3100  }
0x1a: {  	[sflag:s14] =	ssyncset.done $0x0  }
0x1b: {  	[sflag:s14] =	ssyncadd.s32 $0xFFFFCF00  }
0x1c: {  	s13 =	simm.s32 $0x0;
	[bflag:$0x0] =	sbarrier.arrive $0xFFFF  }
.LBB2_2:
0x1d: {  	s3 =	sshll.u32 s13, $0xA  }
0x1e: {  	s3 =	sadd.s32 s10, s3  }
0x1f: {  	s3 =	sshrl.u32 s3, $0x3  }
0x20: {  	s24 =	simm.s32 $0x0;
	s23 =	sadd.s32 s4, s3  }
0x21: {  	[tilespmem:s24], [sflag:$0x5] =	stream.linear.gather [hbm4b:s23+s24], $0x400, $0x38;
	[tilespmem:$0x1A400] =	vst v63  }
0x22: {  	_ =	swait.ge [sflag:s14], $0x400  }
0x23: {  	[sflag:s14] =	ssyncset.done $0x0  }
0x24: {  	v1 =	vmov s24;
	s26 =	sadd.s32 s5, s3;
	s23 =	simm.s32 $0x1;
	[sflag:s14] =	ssyncadd.s32 $0xFFFFFC00  }
0x25: {  	v1 =	vshrl.u32 v1, $0x3;
	[tilespmem:s15], [sflag:$0x5] =	stream.linear.gather [hbm4b:s26+s24], $0x400, $0x38;
	[tilespmem:$0x1A400] =	vst v63  }
0x26: {  	v1 =	vshll.u32 v1, v0;
	v2 =	vmov s23;
	s23 =	simm.s32 $0x3;
	_ =	swait.ge [sflag:s14], $0x400  }
0x27: {  	v1 =	vbroadcast v1, $0x0;
	v4 =	vmov s23;
	s23 =	simm.s32 $0x5;
	[sflag:s14] =	ssyncset.done $0x0  }
0x28: {  	s3 =	sadd.s32 s6, s3;
	v2 =	vshrl.u32 v2, $0x3;
	v6 =	vmov s23;
	v4 =	vshrl.u32 v4, $0x3;
	s26 =	simm.s32 $0x2;
	[sflag:s14] =	ssyncadd.s32 $0xFFFFFC00  }
0x29: {  	v2 =	vshll.u32 v2, v0;
	v6 =	vshrl.u32 v6, $0x3;
	v4 =	vshll.u32 v4, v0;
	[tilespmem:s16], [sflag:$0x5] =	stream.linear.gather [hbm4b:s3+s24], $0x400, $0x38;
	[tilespmem:$0x1A400] =	vst v63  }
0x2a: {  	v2 =	vadd.s32 $0x1, v2;
	v3 =	vmov s26;
	v6 =	vshll.u32 v6, v0;
	_ =	swait.ge [sflag:s14], $0x400  }
0x2b: {  	s26 =	simm.s32 $0x4;
	v2 =	vbroadcast v2, $0x0;
	v4 =	vadd.s32 $0x3, v4;
	v3 =	vshrl.u32 v3, $0x3;
	[sflag:s14] =	ssyncset.done $0x0  }
0x2c: {  	v5 =	vmov s26;
	s26 =	simm.s32 $0x6;
	v4 =	vbroadcast v4, $0x0;
	v3 =	vshll.u32 v3, v0;
	[sflag:s14] =	ssyncadd.s32 $0xFFFFFC00  }
0x2d: {  	v6 =	vadd.s32 $0x5, v6;
	v5 =	vshrl.u32 v5, $0x3;
	v3 =	vadd.s32 $0x2, v3;
	[tilespmem:s18], [sflag:$0x1] =	stream.indirect.gather [hbm4b:s7+s17], $0x10, s24, s17, $0xb8;
	[tilespmem:$0x1A400] =	vst v63  }
0x2e: {  	s23 =	simm.s32 $0x7;
	v7 =	vmov s26;
	v5 =	vshll.u32 v5, v0;
	v8 =	vbroadcast v3, $0x0;
	_ =	swait.ge [sflag:s19], $0x800  }
0x2f: {  	v7 =	vshrl.u32 v7, $0x3;
	v3 =	vadd.s32 $0x4, v5;
	v5 =	vmov s23;
	[sflag:s19] =	ssyncset.done $0x0  }
0x30: {  	v7 =	vshll.u32 v7, v0;
	v9 =	vbroadcast v3, $0x0;
	v3 =	vshrl.u32 v5, $0x3;
	[sflag:s19] =	ssyncadd.s32 $0xFFFFF800  }
0x31: {  	v5 =	vadd.s32 $0x6, v7;
	v7 =	vbroadcast v6, $0x0;
	v3 =	vshll.u32 v3, v0;
	[tilespmem:s20], [sflag:$0x2] =	stream.indirect.gather [hbm4b:s7+s17], $0x10, s17, s17, $0xb8;
	[tilespmem:$0x1A400] =	vst v63  }
0x32: {  	v5 =	vbroadcast v5, $0x0;
	v6 =	vadd.s32 $0x7, v3;
	v1 =	vld.idx.msk [tilespmem:v1+s16+$0x0], $0xffff  }
0x33: {  	s26 =	simm.s32 $0x9;
	v10 =	vbroadcast v6, $0x0;
	v3 =	vld.idx.msk [tilespmem:v2+s16+$0x0], $0xffff  }
0x34: {  	v11 =	vmov s26;
	s26 =	simm.s32 $0xC;
	s24 =	simm.s32 $0x8;
	v2 =	vld.idx.msk [tilespmem:v8+s16+$0x0], $0xffff  }
0x35: {  	s23 =	simm.s32 $0xA;
	v14 =	vmov s26;
	v6 =	vmov s24;
	v4 =	vld.idx.msk [tilespmem:v4+s16+$0x0], $0xffff  }
0x36: {  	s26 =	simm.s32 $0xE;
	v11 =	vshrl.u32 v11, $0x3;
	v12 =	vmov s23;
	s24 =	simm.s32 $0xB;
	v8 =	vshrl.u32 v6, $0x3;
	v6 =	vld.idx.msk [tilespmem:v9+s16+$0x0], $0xffff  }
0x37: {  	v15 =	vmov s26;
	v14 =	vshrl.u32 v14, $0x3;
	v13 =	vmov s24;
	s24 =	simm.s32 $0xD;
	v7 =	vld.idx.msk [tilespmem:v7+s16+$0x0], $0xffff  }
0x38: {  	v11 =	vshll.u32 v11, v0;
	v12 =	vshrl.u32 v12, $0x3;
	v9 =	vmov s24;
	v5 =	vld.idx.msk [tilespmem:v5+s16+$0x0], $0xffff  }
0x39: {  	s3 =	simm.s32 $0xC40;
	v15 =	vshrl.u32 v15, $0x3;
	v14 =	vshll.u32 v14, v0;
	v16 =	vshrl.u32 v9, $0x3;
	v9 =	vld.idx.msk [tilespmem:v10+s16+$0x0], $0xffff  }
0x3a: {  	v11 =	vadd.s32 $0x1, v11;
	v17 =	vshll.u32 v12, v0;
	v22 =	vshll.u32 v15, v0;
	v10 =	vld [tilespmem:s3+$0x30]  }
0x3b: {  	v19 =	vadd.s32 $0x4, v14;
	v13 =	vshrl.u32 v13, $0x3;
	v12 =	vld [tilespmem:s3+$0xFFFFFFC0];
	v8 =	vshll.u32 v8, v0  }
0x3c: {  	v17 =	vadd.s32 $0x2, v17;
	v18 =	vshll.u32 v13, v0;
	v13 =	vld [tilespmem:s3+$0xFFFFFFD0];
	v8 =	vbroadcast v8, $0x0  }
0x3d: {  	v15 =	vbroadcast v17, $0x0;
	v21 =	vshll.u32 v16, v0;
	v16 =	vbroadcast v11, $0x0;
	v11 =	vld [tilespmem:s3+$0xFFFFFFE0]  }
0x3e: {  	s23 =	simm.s32 $0x10;
	v17 =	vadd.s32 $0x6, v22;
	v20 =	vadd.s32 $0x3, v18;
	s24 =	simm.s32 $0xF;
	v14 =	vld [tilespmem:s3+$0xFFFFFFF0];
	v18 =	vadd.s32 $0x5, v21  }
.LBB2_3:
0x3f: {  	p0 =	slt.u32 s23, $0x78;
	v20 =	vbroadcast v20, $0x0;
	v21 =	vmov s24;
	v22 =	vld [tilespmem:s3+$0x0];
	v9 =	vmul.f32 v10, v9  }
0x40: {  	v10 =	vbroadcast v19, $0x0;
	v19 =	vshrl.u32 v21, $0x3;
	v12 =	vmul.f32 v12, v1;
	v21 =	vld [tilespmem:s3+$0x10]  }
0x41: {  	v18 =	vbroadcast v18, $0x0;
	v19 =	vshll.u32 v19, v0;
	v13 =	vmul.f32 v13, v3;
	v23 =	vld [tilespmem:s3+$0x20];
	[tilespmem:s3+$0x30] =	vst v9  }
0x42: {  	v1 =	vld.idx.msk [tilespmem:v8+s16+$0x0], $0xffff;
	v8 =	vbroadcast v17, $0x0;
	v9 =	vadd.s32 $0x7, v19;
	[tilespmem:s3+$0xFFFFFFC0] =	vst v12;
	v11 =	vmul.f32 v11, v2  }
0x43: {  	v2 =	vmov s23;
	v3 =	vld.idx.msk [tilespmem:v16+s16+$0x0], $0xffff;
	v9 =	vbroadcast v9, $0x0;
	[tilespmem:s3+$0xFFFFFFD0] =	vst v13;
	v12 =	vmul.f32 v14, v4  }
0x44: {  	s24 =	sadd.s32 $0x1, s23;
	s26 =	sadd.s32 $0x2, s23;
	v13 =	vshrl.u32 v2, $0x3;
	v2 =	vld.idx.msk [tilespmem:v15+s16+$0x0], $0xffff;
	[tilespmem:s3+$0xFFFFFFE0] =	vst v11;
	v11 =	vmul.f32 v22, v6  }
0x45: {  	v14 =	vmov s24;
	s24 =	sadd.s32 $0x3, s23;
	v15 =	vmov s26;
	s26 =	sadd.s32 $0x4, s23;
	v4 =	vld.idx.msk [tilespmem:v20+s16+$0x0], $0xffff;
	[tilespmem:s3+$0xFFFFFFF0] =	vst v12;
	v12 =	vmul.f32 v21, v7  }
0x46: {  	v16 =	vmov s24;
	s24 =	sadd.s32 $0x5, s23;
	v17 =	vmov s26;
	s26 =	sadd.s32 $0x6, s23;
	v6 =	vld.idx.msk [tilespmem:v10+s16+$0x0], $0xffff;
	[tilespmem:s3+$0x0] =	vst v11;
	v10 =	vmul.f32 v23, v5  }
0x47: {  	v11 =	vshll.u32 v13, v0;
	v13 =	vmov s24;
	v19 =	vmov s26;
	v7 =	vld.idx.msk [tilespmem:v18+s16+$0x0], $0xffff;
	[tilespmem:s3+$0x10] =	vst v12  }
0x48: {  	v12 =	vshrl.u32 v14, $0x3;
	v14 =	vshrl.u32 v15, $0x3;
	v15 =	vshrl.u32 v16, $0x3;
	v5 =	vld.idx.msk [tilespmem:v8+s16+$0x0], $0xffff;
	[tilespmem:s3+$0x20] =	vst v10  }
0x49: {  	v16 =	vshrl.u32 v17, $0x3;
	v13 =	vshrl.u32 v13, $0x3;
	v17 =	vshrl.u32 v19, $0x3;
	s3 =	sadd.s32 $0x80, s3;
	v9 =	vld.idx.msk [tilespmem:v9+s16+$0x0], $0xffff  }
.Ltmp0:
0x4a: {  	v8 =	vbroadcast v11, $0x0;
	v11 =	vshll.u32 v12, v0;
	v14 =	vshll.u32 v14, v0;
	v10 =	vld [tilespmem:s3+$0x30];
	(pc) =	sbr.rel @p0 .LBB2_3-.Ltmp0, $4  }
0x4b: {  	v15 =	vshll.u32 v15, v0;
	v18 =	vshll.u32 v16, v0;
	v21 =	vshll.u32 v13, v0;
	v12 =	vld [tilespmem:s3+$0xFFFFFFC0]  }
0x4c: {  	v17 =	vshll.u32 v17, v0;
	v11 =	vadd.s32 $0x1, v11;
	v14 =	vadd.s32 $0x2, v14;
	v13 =	vld [tilespmem:s3+$0xFFFFFFD0]  }
0x4d: {  	v20 =	vadd.s32 $0x3, v15;
	v19 =	vadd.s32 $0x4, v18;
	v16 =	vbroadcast v11, $0x0;
	v11 =	vld [tilespmem:s3+$0xFFFFFFE0]  }
0x4e: {  	s24 =	sadd.s32 $0x7, s23;
	s23 =	sadd.s32 $0x8, s23;
	v18 =	vadd.s32 $0x5, v21;
	v17 =	vadd.s32 $0x6, v17;
	v15 =	vbroadcast v14, $0x0;
	v14 =	vld [tilespmem:s3+$0xFFFFFFF0]  }
0x4f: {  	_ = 	snop  }
0x50: {  	v22 =	vld [tilespmem:s3+$0x0]  }
0x51: {  	v23 =	vld [tilespmem:s3+$0x10]  }
0x52: {  	v24 =	vld [tilespmem:s3+$0x20]  }
0x53: {  	v20 =	vbroadcast v20, $0x0;
	v8 =	vld.idx.msk [tilespmem:v8+s16+$0x0], $0xffff  }
0x54: {  	v21 =	vmov s24;
	v19 =	vbroadcast v19, $0x0;
	v16 =	vld.idx.msk [tilespmem:v16+s16+$0x0], $0xffff;
	v1 =	vmul.f32 v12, v1  }
0x55: {  	v18 =	vbroadcast v18, $0x0;
	s23 =	sadd.s32 $0x80, s3;
	v21 =	vshrl.u32 v21, $0x3;
	v15 =	vld.idx.msk [tilespmem:v15+s16+$0x0], $0xffff;
	v3 =	vmul.f32 v13, v3  }
0x56: {  	v17 =	vbroadcast v17, $0x0;
	v21 =	vshll.u32 v21, v0;
	[tilespmem:s3+$0xFFFFFFC0] =	vst v1;
	v1 =	vmul.f32 v11, v2;
	v2 =	vld [tilespmem:s23+$0x30]  }
0x57: {  	v21 =	vadd.s32 $0x7, v21;
	[tilespmem:s3+$0xFFFFFFD0] =	vst v3;
	v3 =	vmul.f32 v14, v4;
	v4 =	vld [tilespmem:s23+$0xFFFFFFC0]  }
0x58: {  	v21 =	vbroadcast v21, $0x0;
	[tilespmem:s3+$0xFFFFFFE0] =	vst v1;
	v1 =	vmul.f32 v22, v6;
	v6 =	vld [tilespmem:s23+$0xFFFFFFD0]  }
0x59: {  	v20 =	vld.idx.msk [tilespmem:v20+s16+$0x0], $0xffff  }
0x5a: {  	v9 =	vmul.f32 v10, v9;
	v19 =	vld.idx.msk [tilespmem:v19+s16+$0x0], $0xffff  }
0x5b: {  	v10 =	vld.idx.msk [tilespmem:v18+s16+$0x0], $0xffff  }
0x5c: {  	[tilespmem:s3+$0x30] =	vst v9;
	v12 =	vld.idx.msk [tilespmem:v17+s16+$0x0], $0xffff  }
0x5d: {  	[tilespmem:s3+$0xFFFFFFF0] =	vst v3;
	v3 =	vmul.f32 v23, v7;
	v7 =	vld [tilespmem:s23+$0xFFFFFFE0]  }
0x5e: {  	[tilespmem:s3+$0x0] =	vst v1;
	v1 =	vmul.f32 v24, v5;
	v9 =	vld.idx.msk [tilespmem:v21+s16+$0x0], $0xffff  }
0x5f: {  	[tilespmem:s3+$0x10] =	vst v3;
	v3 =	vld [tilespmem:s23+$0x0]  }
0x60: {  	v5 =	vld [tilespmem:s23+$0xFFFFFFF0];
	[tilespmem:s3+$0x20] =	vst v1;
	v1 =	vmul.f32 v4, v8  }
0x61: {  	v8 =	vld [tilespmem:s23+$0x20];
	v6 =	vmul.f32 v6, v16  }
0x62: {  	v4 =	vld [tilespmem:s23+$0x10];
	[tilespmem:s23+$0xFFFFFFC0] =	vst v1;
	v1 =	vmul.f32 v7, v15  }
0x63: {  	[tilespmem:s23+$0xFFFFFFD0] =	vst v6;
	v2 =	vmul.f32 v2, v9  }
0x64: {  	[tilespmem:s23+$0xFFFFFFE0] =	vst v1;
	v1 =	vmul.f32 v3, v19  }
0x65: {  	s24 =	simm.s32 $0x80;
	s26 =	simm.s32 $0x81;
	[tilespmem:s23+$0x30] =	vst v2;
	v2 =	vmul.f32 v5, v20  }
0x66: {  	v3 =	vmov s24;
	s24 =	simm.s32 $0x82;
	[tilespmem:s23+$0x0] =	vst v1;
	v1 =	vmul.f32 v8, v12;
	v5 =	vmov s26;
	s26 =	simm.s32 $0x83  }
0x67: {  	v6 =	vmov s26;
	s26 =	simm.s32 $0x85;
	[tilespmem:s23+$0xFFFFFFF0] =	vst v2;
	v2 =	vmul.f32 v4, v10;
	v4 =	vmov s24;
	s24 =	simm.s32 $0x84  }
0x68: {  	[tilespmem:s23+$0x20] =	vst v1;
	v8 =	vmov s26;
	v7 =	vmov s24  }
0x69: {  	s26 =	simm.s32 $0x86;
	v1 =	vshrl.u32 v4, $0x3;
	v4 =	vshrl.u32 v6, $0x3;
	[tilespmem:s23+$0x10] =	vst v2;
	v2 =	vshrl.u32 v3, $0x3  }
0x6a: {  	v3 =	vshrl.u32 v5, $0x3;
	v5 =	vmov s26;
	v6 =	vshrl.u32 v7, $0x3;
	[spmem:s1] =	stream.indirect.scatter.add.f32 [tilespmem:s18], [sflag:$0x3], $0x10, s15, s17, $0xb8;
	[tilespmem:$0x1A400] =	vst v63  }
0x6b: {  	v7 =	vshrl.u32 v8, $0x3;
	v2 =	vshll.u32 v2, v0;
	v3 =	vshll.u32 v3, v0;
	_ =	swait.ge [sflag:s21], $0x800  }
0x6c: {  	v1 =	vshll.u32 v1, v0;
	v2 =	vbroadcast v2, $0x0;
	v3 =	vadd.s32 $0x1, v3;
	[sflag:s21] =	ssyncset.done $0x0  }
0x6d: {  	s24 =	simm.s32 $0x87;
	v4 =	vshll.u32 v4, v0;
	v1 =	vadd.s32 $0x2, v1;
	v3 =	vbroadcast v3, $0x0;
	[sflag:s21] =	ssyncadd.s32 $0xFFFFF800  }
0x6e: {  	v8 =	vmov s24;
	v4 =	vadd.s32 $0x3, v4;
	v1 =	vbroadcast v1, $0x0;
	_ =	swait.ge [sflag:s22], $0x800  }
0x6f: {  	v5 =	vshrl.u32 v5, $0x3;
	v6 =	vshll.u32 v6, v0;
	v4 =	vbroadcast v4, $0x0;
	[sflag:s22] =	ssyncset.done $0x0  }
0x70: {  	s26 =	simm.s32 $0x100;
	v7 =	vshll.u32 v7, v0;
	v8 =	vshrl.u32 v8, $0x3;
	v6 =	vadd.s32 $0x4, v6;
	[sflag:s22] =	ssyncadd.s32 $0xFFFFF800  }
0x71: {  	v5 =	vshll.u32 v5, v0;
	v7 =	vadd.s32 $0x5, v7;
	v6 =	vbroadcast v6, $0x0;
	[tilespmem:s18], [sflag:$0x1] =	stream.indirect.gather [hbm4b:s7+s17], $0x10, s26, s17, $0xb8;
	[tilespmem:$0x1A400] =	vst v63  }
0x72: {  	s24 =	simm.s32 $0x89;
	v8 =	vshll.u32 v8, v0;
	v5 =	vadd.s32 $0x6, v5;
	v7 =	vbroadcast v7, $0x0;
	v11 =	vld.idx.msk [tilespmem:v2+s16+$0x0], $0xffff  }
0x73: {  	v10 =	vmov s24;
	s24 =	simm.s32 $0x8C;
	v5 =	vbroadcast v5, $0x0;
	v2 =	vadd.s32 $0x7, v8;
	v8 =	vld.idx.msk [tilespmem:v3+s16+$0x0], $0xffff  }
0x74: {  	v13 =	vmov s24;
	v17 =	vld.idx.msk [tilespmem:v1+s16+$0x0], $0xffff;
	v9 =	vbroadcast v2, $0x0  }
0x75: {  	s3 =	simm.s32 $0x1440;
	s24 =	simm.s32 $0x8E;
	v13 =	vshrl.u32 v13, $0x3;
	v1 =	vld.idx.msk [tilespmem:v4+s16+$0x0], $0xffff  }
0x76: {  	s23 =	simm.s32 $0x88;
	v10 =	vshrl.u32 v10, $0x3;
	v15 =	vmov s24;
	v13 =	vshll.u32 v13, v0;
	s26 =	simm.s32 $0x8A;
	v18 =	vld [tilespmem:s3+$0xFFFFFFC0]  }
0x77: {  	v20 =	vadd.s32 $0x4, v13;
	v3 =	vmov s23;
	s23 =	simm.s32 $0x8B;
	v12 =	vmov s26;
	s26 =	simm.s32 $0x8D;
	v2 =	vld.idx.msk [tilespmem:v6+s16+$0x0], $0xffff  }
0x78: {  	v4 =	vmov s23;
	v14 =	vmov s26;
	v6 =	vshrl.u32 v3, $0x3;
	v3 =	vld.idx.msk [tilespmem:v7+s16+$0x0], $0xffff  }
0x79: {  	v7 =	vshrl.u32 v12, $0x3;
	v12 =	vshrl.u32 v4, $0x3;
	v4 =	vld.idx.msk [tilespmem:v5+s16+$0x0], $0xffff;
	v5 =	vshll.u32 v6, v0  }
0x7a: {  	v6 =	vshrl.u32 v14, $0x3;
	v14 =	vshrl.u32 v15, $0x3;
	v7 =	vshll.u32 v7, v0;
	v15 =	vld.idx.msk [tilespmem:v9+s16+$0x0], $0xffff  }
0x7b: {  	v16 =	vshll.u32 v6, v0;
	v9 =	vshll.u32 v10, v0;
	v10 =	vshll.u32 v12, v0;
	v12 =	vld [tilespmem:s3+$0x30]  }
0x7c: {  	v19 =	vld [tilespmem:s3+$0xFFFFFFD0];
	v14 =	vshll.u32 v14, v0;
	v5 =	vbroadcast v5, $0x0;
	v6 =	vadd.s32 $0x1, v9  }
0x7d: {  	v61 =	vld [tilespmem:s3+$0xFFFFFFE0];
	v16 =	vadd.s32 $0x5, v16;
	v9 =	vadd.s32 $0x2, v7;
	v7 =	vbroadcast v6, $0x0  }
0x7e: {  	v13 =	vld [tilespmem:s3+$0xFFFFFFF0];
	s26 =	simm.s32 $0x8F;
	v62 =	vadd.s32 $0x6, v14;
	v10 =	vadd.s32 $0x3, v10;
	v6 =	vbroadcast v9, $0x0  }
0x7f: {  	v14 =	vmov s26;
	v63 =	vmul.f32 v18, v11;
	v10 =	vbroadcast v10, $0x0;
	v9 =	vld [tilespmem:s3+$0x0]  }
0x80: {  	v11 =	vld [tilespmem:s3+$0x10];
	v15 =	vmul.f32 v12, v15;
	v12 =	vbroadcast v20, $0x0;
	v20 =	vshrl.u32 v14, $0x3  }
0x81: {  	[tilespmem:s3+$0xFFFFFFC0] =	vst v63;
	v14 =	vbroadcast v16, $0x0;
	v16 =	vmul.f32 v19, v8;
	v8 =	vld [tilespmem:s3+$0x20];
	v18 =	vshll.u32 v20, v0  }
0x82: {  	s23 =	simm.s32 $0x8;
	v17 =	vmul.f32 v61, v17;
	v5 =	vld.idx.msk [tilespmem:v5+s16+$0x0], $0xffff;
	[tilespmem:s3+$0x30] =	vst v15;
	v15 =	vbroadcast v62, $0x0;
	v18 =	vadd.s32 $0x7, v18  }
.LBB2_5:
0x83: {  	s24 =	sadd.s32 $0x88, s23;
	s26 =	sadd.s32 $0x89, s23;
	v19 =	vld.idx.msk [tilespmem:v7+s16+$0x0], $0xffff;
	v7 =	vbroadcast v18, $0x0;
	[tilespmem:s3+$0xFFFFFFD0] =	vst v16;
	v13 =	vmul.f32 v13, v1  }
0x84: {  	v16 =	vmov s24;
	v18 =	vmov s26;
	s24 =	sadd.s32 $0x8A, s23;
	s26 =	sadd.s32 $0x8B, s23;
	v20 =	vld.idx.msk [tilespmem:v6+s16+$0x0], $0xffff;
	[tilespmem:s3+$0xFFFFFFE0] =	vst v17;
	v6 =	vmul.f32 v9, v2  }
0x85: {  	v9 =	vmov s24;
	v17 =	vmov s26;
	s24 =	sadd.s32 $0x8C, s23;
	s26 =	sadd.s32 $0x8D, s23;
	v1 =	vld.idx.msk [tilespmem:v10+s16+$0x0], $0xffff;
	[tilespmem:s3+$0xFFFFFFF0] =	vst v13;
	v10 =	vmul.f32 v11, v3  }
0x86: {  	v11 =	vmov s24;
	v13 =	vmov s26;
	s24 =	sadd.s32 $0x8E, s23;
	v2 =	vld.idx.msk [tilespmem:v12+s16+$0x0], $0xffff;
	[tilespmem:s3+$0x0] =	vst v6;
	v6 =	vmul.f32 v8, v4  }
0x87: {  	v8 =	vshrl.u32 v16, $0x3;
	v12 =	vshrl.u32 v18, $0x3;
	v16 =	vmov s24;
	v3 =	vld.idx.msk [tilespmem:v14+s16+$0x0], $0xffff;
	[tilespmem:s3+$0x10] =	vst v10  }
0x88: {  	v9 =	vshrl.u32 v9, $0x3;
	v10 =	vshrl.u32 v17, $0x3;
	v11 =	vshrl.u32 v11, $0x3;
	v4 =	vld.idx.msk [tilespmem:v15+s16+$0x0], $0xffff;
	[tilespmem:s3+$0x20] =	vst v6  }
0x89: {  	v6 =	vshll.u32 v8, v0;
	v8 =	vshrl.u32 v13, $0x3;
	v13 =	vshrl.u32 v16, $0x3;
	s3 =	sadd.s32 $0x80, s3;
	v14 =	vld.idx.msk [tilespmem:v7+s16+$0x0], $0xffff  }
0x8a: {  	v9 =	vshll.u32 v9, v0;
	v10 =	vshll.u32 v10, v0;
	v7 =	vshll.u32 v12, v0;
	v12 =	vld [tilespmem:s3+$0x30]  }
0x8b: {  	v11 =	vshll.u32 v11, v0;
	v8 =	vshll.u32 v8, v0;
	v13 =	vshll.u32 v13, v0;
	v15 =	vld [tilespmem:s3+$0xFFFFFFC0]  }
0x8c: {  	s24 =	sadd.s32 $0x8F, s23;
	s23 =	sadd.s32 $0x8, s23;
	v9 =	vadd.s32 $0x2, v9;
	v17 =	vbroadcast v6, $0x0;
	v6 =	vadd.s32 $0x1, v7;
	v16 =	vld [tilespmem:s3+$0xFFFFFFD0]  }
0x8d: {  	p0 =	slt.u32 s23, $0x78;
	v10 =	vadd.s32 $0x3, v10;
	v11 =	vadd.s32 $0x4, v11;
	v7 =	vbroadcast v6, $0x0;
	v21 =	vld [tilespmem:s3+$0xFFFFFFE0]  }
.Ltmp1:
0x8e: {  	v8 =	vadd.s32 $0x5, v8;
	v18 =	vadd.s32 $0x6, v13;
	v6 =	vbroadcast v9, $0x0;
	v13 =	vld [tilespmem:s3+$0xFFFFFFF0];
	(pc) =	sbr.rel @p0 .LBB2_5-.Ltmp1, $4  }
0x8f: {  	v22 =	vmov s24;
	v10 =	vbroadcast v10, $0x0;
	v9 =	vld [tilespmem:s3+$0x0];
	v23 =	vmul.f32 v12, v14  }
0x90: {  	v22 =	vshrl.u32 v22, $0x3;
	v12 =	vbroadcast v11, $0x0;
	v24 =	vmul.f32 v15, v5;
	v11 =	vld [tilespmem:s3+$0x10]  }
0x91: {  	v22 =	vshll.u32 v22, v0;
	v14 =	vbroadcast v8, $0x0;
	v16 =	vmul.f32 v16, v19;
	v8 =	vld [tilespmem:s3+$0x20];
	[tilespmem:s3+$0x30] =	vst v23  }
0x92: {  	v15 =	vbroadcast v18, $0x0;
	v18 =	vadd.s32 $0x7, v22;
	v5 =	vld.idx.msk [tilespmem:v17+s16+$0x0], $0xffff;
	[tilespmem:s3+$0xFFFFFFC0] =	vst v24;
	v17 =	vmul.f32 v21, v20  }
0x93: {  	_ =	sdelay $0x3  }
0x94: {  	v7 =	vld.idx.msk [tilespmem:v7+s16+$0x0], $0xffff  }
0x95: {  	v6 =	vld.idx.msk [tilespmem:v6+s16+$0x0], $0xffff  }
0x96: {  	v10 =	vld.idx.msk [tilespmem:v10+s16+$0x0], $0xffff  }
0x97: {  	v12 =	vld.idx.msk [tilespmem:v12+s16+$0x0], $0xffff  }
0x98: {  	v14 =	vld.idx.msk [tilespmem:v14+s16+$0x0], $0xffff  }
0x99: {  	s23 =	sadd.s32 $0x80, s3;
	v15 =	vld.idx.msk [tilespmem:v15+s16+$0x0], $0xffff  }
0x9a: {  	v18 =	vbroadcast v18, $0x0;
	v19 =	vld [tilespmem:s23+$0x30]  }
0x9b: {  	v1 =	vmul.f32 v13, v1;
	v13 =	vld [tilespmem:s23+$0xFFFFFFC0]  }
0x9c: {  	[tilespmem:s3+$0xFFFFFFD0] =	vst v16;
	v2 =	vmul.f32 v9, v2;
	v9 =	vld [tilespmem:s23+$0xFFFFFFD0]  }
0x9d: {  	[tilespmem:s3+$0xFFFFFFF0] =	vst v1;
	v1 =	vmul.f32 v11, v3;
	v3 =	vld [tilespmem:s23+$0xFFFFFFE0]  }
0x9e: {  	[tilespmem:s3+$0x0] =	vst v2;
	v2 =	vmul.f32 v8, v4;
	v4 =	vld [tilespmem:s23+$0xFFFFFFF0]  }
0x9f: {  	[tilespmem:s3+$0x10] =	vst v1;
	v1 =	vld [tilespmem:s23+$0x0]  }
0xa0: {  	[tilespmem:s3+$0x20] =	vst v2;
	v18 =	vld.idx.msk [tilespmem:v18+s16+$0x0], $0xffff;
	v2 =	vmul.f32 v13, v5  }
0xa1: {  	[tilespmem:s3+$0xFFFFFFE0] =	vst v17;
	v5 =	vld [tilespmem:s23+$0x10];
	v7 =	vmul.f32 v9, v7  }
0xa2: {  	v9 =	vld [tilespmem:s23+$0x20];
	[tilespmem:s23+$0xFFFFFFC0] =	vst v2;
	v2 =	vmul.f32 v3, v6  }
0xa3: {  	[tilespmem:s23+$0xFFFFFFD0] =	vst v7;
	v3 =	vmul.f32 v4, v10  }
0xa4: {  	v1 =	vmul.f32 v1, v12;
	[tilespmem:s23+$0xFFFFFFE0] =	vst v2  }
0xa5: {  	[tilespmem:s23+$0xFFFFFFF0] =	vst v3;
	v8 =	vmul.f32 v19, v18  }
0xa6: {  	s26 =	simm.s32 $0x100;
	s24 =	simm.s32 $0x101;
	v3 =	vmul.f32 v5, v14;
	[tilespmem:s23+$0x0] =	vst v1  }
0xa7: {  	v4 =	vmov s24;
	s24 =	simm.s32 $0x102;
	v2 =	vmov s26;
	v1 =	vmul.f32 v9, v15;
	[tilespmem:s23+$0x30] =	vst v8  }
0xa8: {  	s26 =	simm.s32 $0x103;
	v5 =	vmov s24;
	s24 =	simm.s32 $0x104;
	v2 =	vshrl.u32 v2, $0x3;
	[tilespmem:s23+$0x10] =	vst v3  }
0xa9: {  	v6 =	vmov s26;
	s26 =	simm.s32 $0x105;
	v7 =	vmov s24;
	v2 =	vshll.u32 v2, v0;
	[tilespmem:s23+$0x20] =	vst v1;
	s23 =	simm.s32 $0x480  }
0xaa: {  	v8 =	vmov s26;
	v3 =	vshrl.u32 v4, $0x3;
	v1 =	vshrl.u32 v5, $0x3;
	[spmem:s1] =	stream.indirect.scatter.add.f32 [tilespmem:s20], [sflag:$0x4], $0x10, s23, s17, $0xb8;
	[tilespmem:$0x1A400] =	vst v63  }
0xab: {  	v5 =	vshrl.u32 v6, $0x3;
	v6 =	vshrl.u32 v7, $0x3;
	v3 =	vshll.u32 v3, v0;
	_ =	swait.ge [sflag:s19], $0x800  }
0xac: {  	v2 =	vbroadcast v2, $0x0;
	v1 =	vshll.u32 v1, v0;
	v3 =	vadd.s32 $0x1, v3;
	[sflag:s19] =	ssyncset.done $0x0  }
0xad: {  	s26 =	simm.s32 $0x106;
	v5 =	vshll.u32 v5, v0;
	v1 =	vadd.s32 $0x2, v1;
	v3 =	vbroadcast v3, $0x0;
	[sflag:s19] =	ssyncadd.s32 $0xFFFFF800  }
0xae: {  	v4 =	vmov s26;
	v5 =	vadd.s32 $0x3, v5;
	v1 =	vbroadcast v1, $0x0;
	_ =	swait.ge [sflag:s25], $0x800  }
0xaf: {  	s24 =	simm.s32 $0x107;
	v7 =	vshrl.u32 v8, $0x3;
	v6 =	vshll.u32 v6, v0;
	v5 =	vbroadcast v5, $0x0;
	[sflag:s25] =	ssyncset.done $0x0  }
0xb0: {  	v8 =	vmov s24;
	s26 =	simm.s32 $0x180;
	v7 =	vshll.u32 v7, v0;
	v6 =	vadd.s32 $0x4, v6;
	[sflag:s25] =	ssyncadd.s32 $0xFFFFF800  }
0xb1: {  	v8 =	vshrl.u32 v8, $0x3;
	v7 =	vadd.s32 $0x5, v7;
	v6 =	vbroadcast v6, $0x0;
	[tilespmem:s20], [sflag:$0x2] =	stream.indirect.gather [hbm4b:s7+s17], $0x10, s26, s17, $0xb8;
	[tilespmem:$0x1A400] =	vst v63  }
0xb2: {  	s24 =	simm.s32 $0x109;
	v8 =	vshll.u32 v8, v0;
	v7 =	vbroadcast v7, $0x0;
	v11 =	vld.idx.msk [tilespmem:v2+s16+$0x0], $0xffff  }
0xb3: {  	v4 =	vshrl.u32 v4, $0x3;
	v10 =	vmov s24;
	s24 =	simm.s32 $0x10C;
	v2 =	vadd.s32 $0x7, v8;
	v8 =	vld.idx.msk [tilespmem:v3+s16+$0x0], $0xffff  }
0xb4: {  	v4 =	vshll.u32 v4, v0;
	v13 =	vmov s24;
	s24 =	simm.s32 $0x10E;
	v17 =	vld.idx.msk [tilespmem:v1+s16+$0x0], $0xffff;
	v9 =	vbroadcast v2, $0x0  }
0xb5: {  	s3 =	simm.s32 $0xC40;
	s23 =	simm.s32 $0x108;
	v10 =	vshrl.u32 v10, $0x3;
	v4 =	vadd.s32 $0x6, v4;
	v15 =	vmov s24;
	s26 =	simm.s32 $0x10A;
	v1 =	vld.idx.msk [tilespmem:v5+s16+$0x0], $0xffff  }
0xb6: {  	v4 =	vbroadcast v4, $0x0;
	v3 =	vmov s23;
	s23 =	simm.s32 $0x10B;
	v12 =	vmov s26;
	s26 =	simm.s32 $0x10D;
	v16 =	vld [tilespmem:s3+$0x30]  }
0xb7: {  	v5 =	vmov s23;
	v14 =	vmov s26;
	v2 =	vld.idx.msk [tilespmem:v6+s16+$0x0], $0xffff;
	v6 =	vshrl.u32 v3, $0x3  }
0xb8: {  	v3 =	vld.idx.msk [tilespmem:v7+s16+$0x0], $0xffff;
	v7 =	vshrl.u32 v12, $0x3;
	v12 =	vshrl.u32 v13, $0x3;
	v5 =	vshrl.u32 v5, $0x3  }
0xb9: {  	v19 =	vld [tilespmem:s3+$0xFFFFFFD0];
	v6 =	vshll.u32 v6, v0;
	v13 =	vshrl.u32 v14, $0x3;
	v14 =	vshrl.u32 v15, $0x3  }
0xba: {  	v7 =	vshll.u32 v7, v0;
	v5 =	vshll.u32 v5, v0;
	v15 =	vld.idx.msk [tilespmem:v9+s16+$0x0], $0xffff;
	v9 =	vshll.u32 v10, v0  }
0xbb: {  	v10 =	vshll.u32 v12, v0;
	v12 =	vshll.u32 v13, v0;
	v13 =	vshll.u32 v14, v0;
	v14 =	vld [tilespmem:s3+$0xFFFFFFC0]  }
0xbc: {  	v21 =	vld [tilespmem:s3+$0xFFFFFFE0];
	v18 =	vbroadcast v6, $0x0;
	v5 =	vadd.s32 $0x3, v5;
	v6 =	vadd.s32 $0x1, v9  }
0xbd: {  	v4 =	vld.idx.msk [tilespmem:v4+s16+$0x0], $0xffff;
	v9 =	vadd.s32 $0x2, v7;
	v20 =	vadd.s32 $0x4, v10;
	v7 =	vbroadcast v6, $0x0  }
0xbe: {  	s26 =	simm.s32 $0x10F;
	v22 =	vadd.s32 $0x5, v12;
	v23 =	vadd.s32 $0x6, v13;
	v13 =	vld [tilespmem:s3+$0xFFFFFFF0];
	v6 =	vbroadcast v9, $0x0  }
0xbf: {  	v10 =	vbroadcast v5, $0x0;
	v5 =	vmov s26;
	v9 =	vld [tilespmem:s3+$0x0];
	v15 =	vmul.f32 v16, v15  }
0xc0: {  	v12 =	vbroadcast v20, $0x0;
	v5 =	vshrl.u32 v5, $0x3;
	v20 =	vmul.f32 v14, v11;
	v11 =	vld [tilespmem:s3+$0x10]  }
0xc1: {  	v63 =	vshll.u32 v5, v0;
	v14 =	vbroadcast v22, $0x0;
	v16 =	vmul.f32 v19, v8;
	v8 =	vld [tilespmem:s3+$0x20];
	[tilespmem:s3+$0x30] =	vst v15  }
0xc2: {  	s23 =	simm.s32 $0x8;
	v17 =	vmul.f32 v21, v17;
	v5 =	vld.idx.msk [tilespmem:v18+s16+$0x0], $0xffff;
	v18 =	vadd.s32 $0x7, v63;
	v15 =	vbroadcast v23, $0x0;
	[tilespmem:s3+$0xFFFFFFC0] =	vst v20  }
.LBB2_7:
0xc3: {  	s24 =	sadd.s32 $0x108, s23;
	s26 =	sadd.s32 $0x109, s23;
	v19 =	vld.idx.msk [tilespmem:v7+s16+$0x0], $0xffff;
	v7 =	vbroadcast v18, $0x0;
	[tilespmem:s3+$0xFFFFFFD0] =	vst v16;
	v13 =	vmul.f32 v13, v1  }
0xc4: {  	v16 =	vmov s24;
	v18 =	vmov s26;
	s24 =	sadd.s32 $0x10A, s23;
	s26 =	sadd.s32 $0x10B, s23;
	v20 =	vld.idx.msk [tilespmem:v6+s16+$0x0], $0xffff;
	[tilespmem:s3+$0xFFFFFFE0] =	vst v17;
	v6 =	vmul.f32 v9, v2  }
0xc5: {  	v9 =	vmov s24;
	v17 =	vmov s26;
	s24 =	sadd.s32 $0x10C, s23;
	s26 =	sadd.s32 $0x10D, s23;
	v1 =	vld.idx.msk [tilespmem:v10+s16+$0x0], $0xffff;
	[tilespmem:s3+$0xFFFFFFF0] =	vst v13;
	v10 =	vmul.f32 v11, v3  }
0xc6: {  	v11 =	vmov s24;
	v13 =	vmov s26;
	s24 =	sadd.s32 $0x10E, s23;
	v2 =	vld.idx.msk [tilespmem:v12+s16+$0x0], $0xffff;
	[tilespmem:s3+$0x0] =	vst v6;
	v6 =	vmul.f32 v8, v4  }
0xc7: {  	v8 =	vshrl.u32 v16, $0x3;
	v12 =	vshrl.u32 v18, $0x3;
	v16 =	vmov s24;
	v3 =	vld.idx.msk [tilespmem:v14+s16+$0x0], $0xffff;
	[tilespmem:s3+$0x10] =	vst v10  }
0xc8: {  	v9 =	vshrl.u32 v9, $0x3;
	v10 =	vshrl.u32 v17, $0x3;
	v11 =	vshrl.u32 v11, $0x3;
	v4 =	vld.idx.msk [tilespmem:v15+s16+$0x0], $0xffff;
	[tilespmem:s3+$0x20] =	vst v6  }
0xc9: {  	v6 =	vshll.u32 v8, v0;
	v8 =	vshrl.u32 v13, $0x3;
	v13 =	vshrl.u32 v16, $0x3;
	s3 =	sadd.s32 $0x80, s3;
	v14 =	vld.idx.msk [tilespmem:v7+s16+$0x0], $0xffff  }
0xca: {  	v9 =	vshll.u32 v9, v0;
	v10 =	vshll.u32 v10, v0;
	v7 =	vshll.u32 v12, v0;
	v12 =	vld [tilespmem:s3+$0x30]  }
0xcb: {  	v11 =	vshll.u32 v11, v0;
	v8 =	vshll.u32 v8, v0;
	v13 =	vshll.u32 v13, v0;
	v15 =	vld [tilespmem:s3+$0xFFFFFFC0]  }
0xcc: {  	s24 =	sadd.s32 $0x10F, s23;
	s23 =	sadd.s32 $0x8, s23;
	v9 =	vadd.s32 $0x2, v9;
	v17 =	vbroadcast v6, $0x0;
	v6 =	vadd.s32 $0x1, v7;
	v16 =	vld [tilespmem:s3+$0xFFFFFFD0]  }
0xcd: {  	p0 =	slt.u32 s23, $0x78;
	v10 =	vadd.s32 $0x3, v10;
	v11 =	vadd.s32 $0x4, v11;
	v7 =	vbroadcast v6, $0x0;
	v21 =	vld [tilespmem:s3+$0xFFFFFFE0]  }
.Ltmp2:
0xce: {  	v8 =	vadd.s32 $0x5, v8;
	v18 =	vadd.s32 $0x6, v13;
	v6 =	vbroadcast v9, $0x0;
	v13 =	vld [tilespmem:s3+$0xFFFFFFF0];
	(pc) =	sbr.rel @p0 .LBB2_7-.Ltmp2, $4  }
0xcf: {  	v22 =	vmov s24;
	v10 =	vbroadcast v10, $0x0;
	v9 =	vld [tilespmem:s3+$0x0];
	v23 =	vmul.f32 v12, v14  }
0xd0: {  	v22 =	vshrl.u32 v22, $0x3;
	v12 =	vbroadcast v11, $0x0;
	v24 =	vmul.f32 v15, v5;
	v11 =	vld [tilespmem:s3+$0x10]  }
0xd1: {  	v22 =	vshll.u32 v22, v0;
	v14 =	vbroadcast v8, $0x0;
	v16 =	vmul.f32 v16, v19;
	v8 =	vld [tilespmem:s3+$0x20];
	[tilespmem:s3+$0x30] =	vst v23  }
0xd2: {  	v15 =	vbroadcast v18, $0x0;
	v18 =	vadd.s32 $0x7, v22;
	v5 =	vld.idx.msk [tilespmem:v17+s16+$0x0], $0xffff;
	[tilespmem:s3+$0xFFFFFFC0] =	vst v24;
	v17 =	vmul.f32 v21, v20  }
0xd3: {  	_ =	sdelay $0x3  }
0xd4: {  	v7 =	vld.idx.msk [tilespmem:v7+s16+$0x0], $0xffff  }
0xd5: {  	v6 =	vld.idx.msk [tilespmem:v6+s16+$0x0], $0xffff  }
0xd6: {  	v10 =	vld.idx.msk [tilespmem:v10+s16+$0x0], $0xffff  }
0xd7: {  	v12 =	vld.idx.msk [tilespmem:v12+s16+$0x0], $0xffff  }
0xd8: {  	v14 =	vld.idx.msk [tilespmem:v14+s16+$0x0], $0xffff  }
0xd9: {  	s23 =	sadd.s32 $0x80, s3;
	v15 =	vld.idx.msk [tilespmem:v15+s16+$0x0], $0xffff  }
0xda: {  	v18 =	vbroadcast v18, $0x0;
	v19 =	vld [tilespmem:s23+$0x30]  }
0xdb: {  	v1 =	vmul.f32 v13, v1;
	v13 =	vld [tilespmem:s23+$0xFFFFFFC0]  }
0xdc: {  	[tilespmem:s3+$0xFFFFFFD0] =	vst v16;
	v2 =	vmul.f32 v9, v2;
	v9 =	vld [tilespmem:s23+$0xFFFFFFD0]  }
0xdd: {  	[tilespmem:s3+$0xFFFFFFF0] =	vst v1;
	v1 =	vmul.f32 v11, v3;
	v3 =	vld [tilespmem:s23+$0xFFFFFFE0]  }
0xde: {  	[tilespmem:s3+$0x0] =	vst v2;
	v2 =	vmul.f32 v8, v4;
	v4 =	vld [tilespmem:s23+$0xFFFFFFF0]  }
0xdf: {  	[tilespmem:s3+$0x10] =	vst v1;
	v1 =	vld [tilespmem:s23+$0x0]  }
0xe0: {  	[tilespmem:s3+$0x20] =	vst v2;
	v18 =	vld.idx.msk [tilespmem:v18+s16+$0x0], $0xffff;
	v2 =	vmul.f32 v13, v5  }
0xe1: {  	[tilespmem:s3+$0xFFFFFFE0] =	vst v17;
	v5 =	vld [tilespmem:s23+$0x10];
	v7 =	vmul.f32 v9, v7  }
0xe2: {  	v9 =	vld [tilespmem:s23+$0x20];
	[tilespmem:s23+$0xFFFFFFC0] =	vst v2;
	v2 =	vmul.f32 v3, v6  }
0xe3: {  	[tilespmem:s23+$0xFFFFFFD0] =	vst v7;
	v3 =	vmul.f32 v4, v10  }
0xe4: {  	v1 =	vmul.f32 v1, v12;
	[tilespmem:s23+$0xFFFFFFE0] =	vst v2  }
0xe5: {  	[tilespmem:s23+$0xFFFFFFF0] =	vst v3;
	v8 =	vmul.f32 v19, v18  }
0xe6: {  	s24 =	simm.s32 $0x181;
	v3 =	vmul.f32 v5, v14;
	[tilespmem:s23+$0x0] =	vst v1  }
0xe7: {  	s26 =	simm.s32 $0x180;
	v4 =	vmov s24;
	s24 =	simm.s32 $0x182;
	v1 =	vmul.f32 v9, v15;
	[tilespmem:s23+$0x30] =	vst v8  }
0xe8: {  	v2 =	vmov s26;
	s26 =	simm.s32 $0x183;
	v5 =	vmov s24;
	s24 =	simm.s32 $0x184;
	[tilespmem:s23+$0x10] =	vst v3  }
0xe9: {  	v6 =	vmov s26;
	s26 =	simm.s32 $0x185;
	v2 =	vshrl.u32 v2, $0x3;
	v7 =	vmov s24;
	[tilespmem:s23+$0x20] =	vst v1  }
0xea: {  	v2 =	vshll.u32 v2, v0;
	v8 =	vmov s26;
	v3 =	vshrl.u32 v4, $0x3;
	[spmem:s1] =	stream.indirect.scatter.add.f32 [tilespmem:s18], [sflag:$0x3], $0x10, s28, s17, $0xb8;
	[tilespmem:$0x1A400] =	vst v63  }
0xeb: {  	v1 =	vshrl.u32 v5, $0x3;
	v5 =	vshrl.u32 v6, $0x3;
	v3 =	vshll.u32 v3, v0;
	_ =	swait.ge [sflag:s21], $0x800  }
0xec: {  	v2 =	vbroadcast v2, $0x0;
	v1 =	vshll.u32 v1, v0;
	v3 =	vadd.s32 $0x1, v3;
	[sflag:s21] =	ssyncset.done $0x0  }
0xed: {  	v5 =	vshll.u32 v5, v0;
	v1 =	vadd.s32 $0x2, v1;
	v3 =	vbroadcast v3, $0x0;
	[sflag:s21] =	ssyncadd.s32 $0xFFFFF800  }
0xee: {  	v6 =	vshrl.u32 v7, $0x3;
	v5 =	vadd.s32 $0x3, v5;
	v1 =	vbroadcast v1, $0x0;
	_ =	swait.ge [sflag:s22], $0x800  }
0xef: {  	s26 =	simm.s32 $0x187;
	v7 =	vshrl.u32 v8, $0x3;
	v6 =	vshll.u32 v6, v0;
	v5 =	vbroadcast v5, $0x0;
	[sflag:s22] =	ssyncset.done $0x0  }
0xf0: {  	s24 =	simm.s32 $0x186;
	v8 =	vmov s26;
	v7 =	vshll.u32 v7, v0;
	v6 =	vadd.s32 $0x4, v6;
	[sflag:s22] =	ssyncadd.s32 $0xFFFFF800  }
0xf1: {  	v8 =	vshrl.u32 v8, $0x3;
	v7 =	vadd.s32 $0x5, v7;
	v6 =	vbroadcast v6, $0x0;
	[tilespmem:s18], [sflag:$0x1] =	stream.indirect.gather [hbm4b:s7+s17], $0x10, s29, s17, $0xb8;
	[tilespmem:$0x1A400] =	vst v63  }
0xf2: {  	v4 =	vmov s24;
	s24 =	simm.s32 $0x189;
	v8 =	vshll.u32 v8, v0;
	v7 =	vbroadcast v7, $0x0;
	v11 =	vld.idx.msk [tilespmem:v2+s16+$0x0], $0xffff  }
0xf3: {  	v4 =	vshrl.u32 v4, $0x3;
	s26 =	simm.s32 $0x18A;
	v10 =	vmov s24;
	v2 =	vadd.s32 $0x7, v8;
	v8 =	vld.idx.msk [tilespmem:v3+s16+$0x0], $0xffff  }
0xf4: {  	s3 =	simm.s32 $0x1440;
	s24 =	simm.s32 $0x18C;
	v4 =	vshll.u32 v4, v0;
	v12 =	vmov s26;
	v17 =	vld.idx.msk [tilespmem:v1+s16+$0x0], $0xffff;
	v9 =	vbroadcast v2, $0x0  }
0xf5: {  	s23 =	simm.s32 $0x188;
	s26 =	simm.s32 $0x18D;
	v13 =	vmov s24;
	s24 =	simm.s32 $0x18E;
	v10 =	vshrl.u32 v10, $0x3;
	v4 =	vadd.s32 $0x6, v4;
	v1 =	vld.idx.msk [tilespmem:v5+s16+$0x0], $0xffff  }
0xf6: {  	v14 =	vmov s26;
	v15 =	vmov s24;
	v3 =	vmov s23;
	s23 =	simm.s32 $0x18B;
	v16 =	vld [tilespmem:s3+$0x30]  }
0xf7: {  	v4 =	vbroadcast v4, $0x0;
	v5 =	vmov s23;
	v2 =	vld.idx.msk [tilespmem:v6+s16+$0x0], $0xffff;
	v6 =	vshrl.u32 v3, $0x3  }
0xf8: {  	v3 =	vld.idx.msk [tilespmem:v7+s16+$0x0], $0xffff;
	v7 =	vshrl.u32 v12, $0x3;
	v12 =	vshrl.u32 v13, $0x3;
	v13 =	vshrl.u32 v14, $0x3  }
0xf9: {  	v19 =	vld [tilespmem:s3+$0xFFFFFFD0];
	v14 =	vshrl.u32 v15, $0x3;
	v5 =	vshrl.u32 v5, $0x3;
	v6 =	vshll.u32 v6, v0  }
0xfa: {  	v7 =	vshll.u32 v7, v0;
	v5 =	vshll.u32 v5, v0;
	v15 =	vld.idx.msk [tilespmem:v9+s16+$0x0], $0xffff;
	v9 =	vshll.u32 v10, v0  }
0xfb: {  	v10 =	vshll.u32 v12, v0;
	v12 =	vshll.u32 v13, v0;
	v13 =	vshll.u32 v14, v0;
	v14 =	vld [tilespmem:s3+$0xFFFFFFC0]  }
0xfc: {  	v21 =	vld [tilespmem:s3+$0xFFFFFFE0];
	v18 =	vbroadcast v6, $0x0;
	v5 =	vadd.s32 $0x3, v5;
	v6 =	vadd.s32 $0x1, v9  }
0xfd: {  	v4 =	vld.idx.msk [tilespmem:v4+s16+$0x0], $0xffff;
	v9 =	vadd.s32 $0x2, v7;
	v20 =	vadd.s32 $0x4, v10;
	v7 =	vbroadcast v6, $0x0  }
0xfe: {  	s26 =	simm.s32 $0x18F;
	v22 =	vadd.s32 $0x5, v12;
	v23 =	vadd.s32 $0x6, v13;
	v13 =	vld [tilespmem:s3+$0xFFFFFFF0];
	v6 =	vbroadcast v9, $0x0  }
0xff: {  	v10 =	vbroadcast v5, $0x0;
	v5 =	vmov s26;
	v9 =	vld [tilespmem:s3+$0x0];
	v15 =	vmul.f32 v16, v15  }
0x100: {  	v12 =	vbroadcast v20, $0x0;
	v5 =	vshrl.u32 v5, $0x3;
	v20 =	vmul.f32 v14, v11;
	v11 =	vld [tilespmem:s3+$0x10]  }
0x101: {  	v63 =	vshll.u32 v5, v0;
	v14 =	vbroadcast v22, $0x0;
	v16 =	vmul.f32 v19, v8;
	v8 =	vld [tilespmem:s3+$0x20];
	[tilespmem:s3+$0x30] =	vst v15  }
0x102: {  	s23 =	simm.s32 $0x8;
	v17 =	vmul.f32 v21, v17;
	v5 =	vld.idx.msk [tilespmem:v18+s16+$0x0], $0xffff;
	v18 =	vadd.s32 $0x7, v63;
	v15 =	vbroadcast v23, $0x0;
	[tilespmem:s3+$0xFFFFFFC0] =	vst v20  }
.LBB2_9:
0x103: {  	s24 =	sadd.s32 $0x188, s23;
	s26 =	sadd.s32 $0x189, s23;
	v19 =	vld.idx.msk [tilespmem:v7+s16+$0x0], $0xffff;
	v7 =	vbroadcast v18, $0x0;
	[tilespmem:s3+$0xFFFFFFD0] =	vst v16;
	v13 =	vmul.f32 v13, v1  }
0x104: {  	v16 =	vmov s24;
	v18 =	vmov s26;
	s24 =	sadd.s32 $0x18A, s23;
	s26 =	sadd.s32 $0x18B, s23;
	v20 =	vld.idx.msk [tilespmem:v6+s16+$0x0], $0xffff;
	[tilespmem:s3+$0xFFFFFFE0] =	vst v17;
	v6 =	vmul.f32 v9, v2  }
0x105: {  	v9 =	vmov s24;
	v17 =	vmov s26;
	s24 =	sadd.s32 $0x18C, s23;
	s26 =	sadd.s32 $0x18D, s23;
	v1 =	vld.idx.msk [tilespmem:v10+s16+$0x0], $0xffff;
	[tilespmem:s3+$0xFFFFFFF0] =	vst v13;
	v10 =	vmul.f32 v11, v3  }
0x106: {  	v11 =	vmov s24;
	v13 =	vmov s26;
	s24 =	sadd.s32 $0x18E, s23;
	v2 =	vld.idx.msk [tilespmem:v12+s16+$0x0], $0xffff;
	[tilespmem:s3+$0x0] =	vst v6;
	v6 =	vmul.f32 v8, v4  }
0x107: {  	v8 =	vshrl.u32 v16, $0x3;
	v12 =	vshrl.u32 v18, $0x3;
	v16 =	vmov s24;
	v3 =	vld.idx.msk [tilespmem:v14+s16+$0x0], $0xffff;
	[tilespmem:s3+$0x10] =	vst v10  }
0x108: {  	v9 =	vshrl.u32 v9, $0x3;
	v10 =	vshrl.u32 v17, $0x3;
	v11 =	vshrl.u32 v11, $0x3;
	v4 =	vld.idx.msk [tilespmem:v15+s16+$0x0], $0xffff;
	[tilespmem:s3+$0x20] =	vst v6  }
0x109: {  	v6 =	vshll.u32 v8, v0;
	v8 =	vshrl.u32 v13, $0x3;
	v13 =	vshrl.u32 v16, $0x3;
	s3 =	sadd.s32 $0x80, s3;
	v14 =	vld.idx.msk [tilespmem:v7+s16+$0x0], $0xffff  }
0x10a: {  	v9 =	vshll.u32 v9, v0;
	v10 =	vshll.u32 v10, v0;
	v7 =	vshll.u32 v12, v0;
	v12 =	vld [tilespmem:s3+$0x30]  }
0x10b: {  	v11 =	vshll.u32 v11, v0;
	v8 =	vshll.u32 v8, v0;
	v13 =	vshll.u32 v13, v0;
	v15 =	vld [tilespmem:s3+$0xFFFFFFC0]  }
0x10c: {  	s24 =	sadd.s32 $0x18F, s23;
	s23 =	sadd.s32 $0x8, s23;
	v9 =	vadd.s32 $0x2, v9;
	v17 =	vbroadcast v6, $0x0;
	v6 =	vadd.s32 $0x1, v7;
	v16 =	vld [tilespmem:s3+$0xFFFFFFD0]  }
0x10d: {  	p0 =	slt.u32 s23, $0x78;
	v10 =	vadd.s32 $0x3, v10;
	v11 =	vadd.s32 $0x4, v11;
	v7 =	vbroadcast v6, $0x0;
	v21 =	vld [tilespmem:s3+$0xFFFFFFE0]  }
.Ltmp3:
0x10e: {  	v8 =	vadd.s32 $0x5, v8;
	v18 =	vadd.s32 $0x6, v13;
	v6 =	vbroadcast v9, $0x0;
	v13 =	vld [tilespmem:s3+$0xFFFFFFF0];
	(pc) =	sbr.rel @p0 .LBB2_9-.Ltmp3, $4  }
0x10f: {  	v22 =	vmov s24;
	v10 =	vbroadcast v10, $0x0;
	v9 =	vld [tilespmem:s3+$0x0];
	v23 =	vmul.f32 v12, v14  }
0x110: {  	v22 =	vshrl.u32 v22, $0x3;
	v12 =	vbroadcast v11, $0x0;
	v24 =	vmul.f32 v15, v5;
	v11 =	vld [tilespmem:s3+$0x10]  }
0x111: {  	v22 =	vshll.u32 v22, v0;
	v14 =	vbroadcast v8, $0x0;
	v16 =	vmul.f32 v16, v19;
	v8 =	vld [tilespmem:s3+$0x20];
	[tilespmem:s3+$0x30] =	vst v23  }
0x112: {  	v15 =	vbroadcast v18, $0x0;
	v18 =	vadd.s32 $0x7, v22;
	v5 =	vld.idx.msk [tilespmem:v17+s16+$0x0], $0xffff;
	[tilespmem:s3+$0xFFFFFFC0] =	vst v24;
	v17 =	vmul.f32 v21, v20  }
0x113: {  	_ =	sdelay $0x3  }
0x114: {  	v7 =	vld.idx.msk [tilespmem:v7+s16+$0x0], $0xffff  }
0x115: {  	v6 =	vld.idx.msk [tilespmem:v6+s16+$0x0], $0xffff  }
0x116: {  	v10 =	vld.idx.msk [tilespmem:v10+s16+$0x0], $0xffff  }
0x117: {  	v12 =	vld.idx.msk [tilespmem:v12+s16+$0x0], $0xffff  }
0x118: {  	v14 =	vld.idx.msk [tilespmem:v14+s16+$0x0], $0xffff  }
0x119: {  	s23 =	sadd.s32 $0x80, s3;
	v15 =	vld.idx.msk [tilespmem:v15+s16+$0x0], $0xffff  }
0x11a: {  	v18 =	vbroadcast v18, $0x0;
	v19 =	vld [tilespmem:s23+$0x30]  }
0x11b: {  	v1 =	vmul.f32 v13, v1;
	v13 =	vld [tilespmem:s23+$0xFFFFFFC0]  }
0x11c: {  	[tilespmem:s3+$0xFFFFFFD0] =	vst v16;
	v2 =	vmul.f32 v9, v2;
	v9 =	vld [tilespmem:s23+$0xFFFFFFD0]  }
0x11d: {  	[tilespmem:s3+$0xFFFFFFF0] =	vst v1;
	v1 =	vmul.f32 v11, v3;
	v3 =	vld [tilespmem:s23+$0xFFFFFFE0]  }
0x11e: {  	[tilespmem:s3+$0x0] =	vst v2;
	v2 =	vmul.f32 v8, v4;
	v4 =	vld [tilespmem:s23+$0xFFFFFFF0]  }
0x11f: {  	[tilespmem:s3+$0x10] =	vst v1;
	v1 =	vld [tilespmem:s23+$0x0]  }
0x120: {  	[tilespmem:s3+$0x20] =	vst v2;
	v18 =	vld.idx.msk [tilespmem:v18+s16+$0x0], $0xffff;
	v2 =	vmul.f32 v13, v5  }
0x121: {  	[tilespmem:s3+$0xFFFFFFE0] =	vst v17;
	v5 =	vld [tilespmem:s23+$0x10];
	v7 =	vmul.f32 v9, v7  }
0x122: {  	v9 =	vld [tilespmem:s23+$0x20];
	[tilespmem:s23+$0xFFFFFFC0] =	vst v2;
	v2 =	vmul.f32 v3, v6  }
0x123: {  	[tilespmem:s23+$0xFFFFFFD0] =	vst v7;
	v3 =	vmul.f32 v4, v10  }
0x124: {  	v1 =	vmul.f32 v1, v12;
	[tilespmem:s23+$0xFFFFFFE0] =	vst v2  }
0x125: {  	[tilespmem:s23+$0xFFFFFFF0] =	vst v3;
	v8 =	vmul.f32 v19, v18  }
0x126: {  	s24 =	simm.s32 $0x201;
	v3 =	vmul.f32 v5, v14;
	[tilespmem:s23+$0x0] =	vst v1  }
0x127: {  	s26 =	simm.s32 $0x200;
	v4 =	vmov s24;
	s24 =	simm.s32 $0x202;
	v1 =	vmul.f32 v9, v15;
	[tilespmem:s23+$0x30] =	vst v8  }
0x128: {  	v2 =	vmov s26;
	s26 =	simm.s32 $0x203;
	v5 =	vmov s24;
	s24 =	simm.s32 $0x204;
	[tilespmem:s23+$0x10] =	vst v3  }
0x129: {  	v6 =	vmov s26;
	s26 =	simm.s32 $0x205;
	v2 =	vshrl.u32 v2, $0x3;
	v7 =	vmov s24;
	[tilespmem:s23+$0x20] =	vst v1  }
0x12a: {  	v2 =	vshll.u32 v2, v0;
	v8 =	vmov s26;
	v3 =	vshrl.u32 v4, $0x3;
	[spmem:s1] =	stream.indirect.scatter.add.f32 [tilespmem:s20], [sflag:$0x4], $0x10, s30, s17, $0xb8;
	[tilespmem:$0x1A400] =	vst v63  }
0x12b: {  	v1 =	vshrl.u32 v5, $0x3;
	v5 =	vshrl.u32 v6, $0x3;
	v3 =	vshll.u32 v3, v0;
	_ =	swait.ge [sflag:s19], $0x800  }
0x12c: {  	v2 =	vbroadcast v2, $0x0;
	v1 =	vshll.u32 v1, v0;
	v3 =	vadd.s32 $0x1, v3;
	[sflag:s19] =	ssyncset.done $0x0  }
0x12d: {  	v5 =	vshll.u32 v5, v0;
	v1 =	vadd.s32 $0x2, v1;
	v3 =	vbroadcast v3, $0x0;
	[sflag:s19] =	ssyncadd.s32 $0xFFFFF800  }
0x12e: {  	v6 =	vshrl.u32 v7, $0x3;
	v5 =	vadd.s32 $0x3, v5;
	v1 =	vbroadcast v1, $0x0;
	_ =	swait.ge [sflag:s25], $0x800  }
0x12f: {  	s26 =	simm.s32 $0x207;
	v7 =	vshrl.u32 v8, $0x3;
	v6 =	vshll.u32 v6, v0;
	v5 =	vbroadcast v5, $0x0;
	[sflag:s25] =	ssyncset.done $0x0  }
0x130: {  	s24 =	simm.s32 $0x206;
	v8 =	vmov s26;
	v7 =	vshll.u32 v7, v0;
	v6 =	vadd.s32 $0x4, v6;
	[sflag:s25] =	ssyncadd.s32 $0xFFFFF800  }
0x131: {  	v8 =	vshrl.u32 v8, $0x3;
	v7 =	vadd.s32 $0x5, v7;
	v6 =	vbroadcast v6, $0x0;
	[tilespmem:s20], [sflag:$0x2] =	stream.indirect.gather [hbm4b:s7+s17], $0x10, s31, s17, $0xb8;
	[tilespmem:$0x1A400] =	vst v63  }
0x132: {  	v4 =	vmov s24;
	s24 =	simm.s32 $0x209;
	v8 =	vshll.u32 v8, v0;
	v7 =	vbroadcast v7, $0x0;
	v11 =	vld.idx.msk [tilespmem:v2+s16+$0x0], $0xffff  }
0x133: {  	v4 =	vshrl.u32 v4, $0x3;
	s26 =	simm.s32 $0x20A;
	v10 =	vmov s24;
	v2 =	vadd.s32 $0x7, v8;
	v8 =	vld.idx.msk [tilespmem:v3+s16+$0x0], $0xffff  }
0x134: {  	s3 =	simm.s32 $0xC40;
	s24 =	simm.s32 $0x20C;
	v4 =	vshll.u32 v4, v0;
	v12 =	vmov s26;
	v17 =	vld.idx.msk [tilespmem:v1+s16+$0x0], $0xffff;
	v9 =	vbroadcast v2, $0x0  }
0x135: {  	s23 =	simm.s32 $0x208;
	s26 =	simm.s32 $0x20D;
	v13 =	vmov s24;
	s24 =	simm.s32 $0x20E;
	v10 =	vshrl.u32 v10, $0x3;
	v4 =	vadd.s32 $0x6, v4;
	v1 =	vld.idx.msk [tilespmem:v5+s16+$0x0], $0xffff  }
0x136: {  	v14 =	vmov s26;
	v15 =	vmov s24;
	v3 =	vmov s23;
	s23 =	simm.s32 $0x20B;
	v16 =	vld [tilespmem:s3+$0x30]  }
0x137: {  	v4 =	vbroadcast v4, $0x0;
	v5 =	vmov s23;
	v2 =	vld.idx.msk [tilespmem:v6+s16+$0x0], $0xffff;
	v6 =	vshrl.u32 v3, $0x3  }
0x138: {  	v3 =	vld.idx.msk [tilespmem:v7+s16+$0x0], $0xffff;
	v7 =	vshrl.u32 v12, $0x3;
	v12 =	vshrl.u32 v13, $0x3;
	v13 =	vshrl.u32 v14, $0x3  }
0x139: {  	v19 =	vld [tilespmem:s3+$0xFFFFFFD0];
	v14 =	vshrl.u32 v15, $0x3;
	v5 =	vshrl.u32 v5, $0x3;
	v6 =	vshll.u32 v6, v0  }
0x13a: {  	v7 =	vshll.u32 v7, v0;
	v5 =	vshll.u32 v5, v0;
	v15 =	vld.idx.msk [tilespmem:v9+s16+$0x0], $0xffff;
	v9 =	vshll.u32 v10, v0  }
0x13b: {  	v10 =	vshll.u32 v12, v0;
	v12 =	vshll.u32 v13, v0;
	v13 =	vshll.u32 v14, v0;
	v14 =	vld [tilespmem:s3+$0xFFFFFFC0]  }
0x13c: {  	v21 =	vld [tilespmem:s3+$0xFFFFFFE0];
	v18 =	vbroadcast v6, $0x0;
	v5 =	vadd.s32 $0x3, v5;
	v6 =	vadd.s32 $0x1, v9  }
0x13d: {  	v4 =	vld.idx.msk [tilespmem:v4+s16+$0x0], $0xffff;
	v9 =	vadd.s32 $0x2, v7;
	v20 =	vadd.s32 $0x4, v10;
	v7 =	vbroadcast v6, $0x0  }
0x13e: {  	s26 =	simm.s32 $0x20F;
	v22 =	vadd.s32 $0x5, v12;
	v23 =	vadd.s32 $0x6, v13;
	v13 =	vld [tilespmem:s3+$0xFFFFFFF0];
	v6 =	vbroadcast v9, $0x0  }
0x13f: {  	v10 =	vbroadcast v5, $0x0;
	v5 =	vmov s26;
	v9 =	vld [tilespmem:s3+$0x0];
	v15 =	vmul.f32 v16, v15  }
0x140: {  	v12 =	vbroadcast v20, $0x0;
	v5 =	vshrl.u32 v5, $0x3;
	v20 =	vmul.f32 v14, v11;
	v11 =	vld [tilespmem:s3+$0x10]  }
0x141: {  	v63 =	vshll.u32 v5, v0;
	v14 =	vbroadcast v22, $0x0;
	v16 =	vmul.f32 v19, v8;
	v8 =	vld [tilespmem:s3+$0x20];
	[tilespmem:s3+$0x30] =	vst v15  }
0x142: {  	s23 =	simm.s32 $0x8;
	v17 =	vmul.f32 v21, v17;
	v5 =	vld.idx.msk [tilespmem:v18+s16+$0x0], $0xffff;
	v18 =	vadd.s32 $0x7, v63;
	v15 =	vbroadcast v23, $0x0;
	[tilespmem:s3+$0xFFFFFFC0] =	vst v20  }
.LBB2_11:
0x143: {  	s24 =	sadd.s32 $0x208, s23;
	s26 =	sadd.s32 $0x209, s23;
	v19 =	vld.idx.msk [tilespmem:v7+s16+$0x0], $0xffff;
	v7 =	vbroadcast v18, $0x0;
	[tilespmem:s3+$0xFFFFFFD0] =	vst v16;
	v13 =	vmul.f32 v13, v1  }
0x144: {  	v16 =	vmov s24;
	v18 =	vmov s26;
	s24 =	sadd.s32 $0x20A, s23;
	s26 =	sadd.s32 $0x20B, s23;
	v20 =	vld.idx.msk [tilespmem:v6+s16+$0x0], $0xffff;
	[tilespmem:s3+$0xFFFFFFE0] =	vst v17;
	v6 =	vmul.f32 v9, v2  }
0x145: {  	v9 =	vmov s24;
	v17 =	vmov s26;
	s24 =	sadd.s32 $0x20C, s23;
	s26 =	sadd.s32 $0x20D, s23;
	v1 =	vld.idx.msk [tilespmem:v10+s16+$0x0], $0xffff;
	[tilespmem:s3+$0xFFFFFFF0] =	vst v13;
	v10 =	vmul.f32 v11, v3  }
0x146: {  	v11 =	vmov s24;
	v13 =	vmov s26;
	s24 =	sadd.s32 $0x20E, s23;
	v2 =	vld.idx.msk [tilespmem:v12+s16+$0x0], $0xffff;
	[tilespmem:s3+$0x0] =	vst v6;
	v6 =	vmul.f32 v8, v4  }
0x147: {  	v8 =	vshrl.u32 v16, $0x3;
	v12 =	vshrl.u32 v18, $0x3;
	v16 =	vmov s24;
	v3 =	vld.idx.msk [tilespmem:v14+s16+$0x0], $0xffff;
	[tilespmem:s3+$0x10] =	vst v10  }
0x148: {  	v9 =	vshrl.u32 v9, $0x3;
	v10 =	vshrl.u32 v17, $0x3;
	v11 =	vshrl.u32 v11, $0x3;
	v4 =	vld.idx.msk [tilespmem:v15+s16+$0x0], $0xffff;
	[tilespmem:s3+$0x20] =	vst v6  }
0x149: {  	v6 =	vshll.u32 v8, v0;
	v8 =	vshrl.u32 v13, $0x3;
	v13 =	vshrl.u32 v16, $0x3;
	s3 =	sadd.s32 $0x80, s3;
	v14 =	vld.idx.msk [tilespmem:v7+s16+$0x0], $0xffff  }
0x14a: {  	v9 =	vshll.u32 v9, v0;
	v10 =	vshll.u32 v10, v0;
	v7 =	vshll.u32 v12, v0;
	v12 =	vld [tilespmem:s3+$0x30]  }
0x14b: {  	v11 =	vshll.u32 v11, v0;
	v8 =	vshll.u32 v8, v0;
	v13 =	vshll.u32 v13, v0;
	v15 =	vld [tilespmem:s3+$0xFFFFFFC0]  }
0x14c: {  	s24 =	sadd.s32 $0x20F, s23;
	s23 =	sadd.s32 $0x8, s23;
	v9 =	vadd.s32 $0x2, v9;
	v17 =	vbroadcast v6, $0x0;
	v6 =	vadd.s32 $0x1, v7;
	v16 =	vld [tilespmem:s3+$0xFFFFFFD0]  }
0x14d: {  	p0 =	slt.u32 s23, $0x78;
	v10 =	vadd.s32 $0x3, v10;
	v11 =	vadd.s32 $0x4, v11;
	v7 =	vbroadcast v6, $0x0;
	v21 =	vld [tilespmem:s3+$0xFFFFFFE0]  }
.Ltmp4:
0x14e: {  	v8 =	vadd.s32 $0x5, v8;
	v18 =	vadd.s32 $0x6, v13;
	v6 =	vbroadcast v9, $0x0;
	v13 =	vld [tilespmem:s3+$0xFFFFFFF0];
	(pc) =	sbr.rel @p0 .LBB2_11-.Ltmp4, $4  }
0x14f: {  	v22 =	vmov s24;
	v10 =	vbroadcast v10, $0x0;
	v9 =	vld [tilespmem:s3+$0x0];
	v23 =	vmul.f32 v12, v14  }
0x150: {  	v22 =	vshrl.u32 v22, $0x3;
	v12 =	vbroadcast v11, $0x0;
	v24 =	vmul.f32 v15, v5;
	v11 =	vld [tilespmem:s3+$0x10]  }
0x151: {  	v22 =	vshll.u32 v22, v0;
	v14 =	vbroadcast v8, $0x0;
	v16 =	vmul.f32 v16, v19;
	v8 =	vld [tilespmem:s3+$0x20];
	[tilespmem:s3+$0x30] =	vst v23  }
0x152: {  	v15 =	vbroadcast v18, $0x0;
	v18 =	vadd.s32 $0x7, v22;
	v5 =	vld.idx.msk [tilespmem:v17+s16+$0x0], $0xffff;
	[tilespmem:s3+$0xFFFFFFC0] =	vst v24;
	v17 =	vmul.f32 v21, v20  }
0x153: {  	_ =	sdelay $0x3  }
0x154: {  	v7 =	vld.idx.msk [tilespmem:v7+s16+$0x0], $0xffff  }
0x155: {  	v6 =	vld.idx.msk [tilespmem:v6+s16+$0x0], $0xffff  }
0x156: {  	v10 =	vld.idx.msk [tilespmem:v10+s16+$0x0], $0xffff  }
0x157: {  	v12 =	vld.idx.msk [tilespmem:v12+s16+$0x0], $0xffff  }
0x158: {  	v14 =	vld.idx.msk [tilespmem:v14+s16+$0x0], $0xffff  }
0x159: {  	s23 =	sadd.s32 $0x80, s3;
	v15 =	vld.idx.msk [tilespmem:v15+s16+$0x0], $0xffff  }
0x15a: {  	v18 =	vbroadcast v18, $0x0;
	v19 =	vld [tilespmem:s23+$0x30]  }
0x15b: {  	v1 =	vmul.f32 v13, v1;
	v13 =	vld [tilespmem:s23+$0xFFFFFFC0]  }
0x15c: {  	[tilespmem:s3+$0xFFFFFFD0] =	vst v16;
	v2 =	vmul.f32 v9, v2;
	v9 =	vld [tilespmem:s23+$0xFFFFFFD0]  }
0x15d: {  	[tilespmem:s3+$0xFFFFFFF0] =	vst v1;
	v1 =	vmul.f32 v11, v3;
	v3 =	vld [tilespmem:s23+$0xFFFFFFE0]  }
0x15e: {  	[tilespmem:s3+$0x0] =	vst v2;
	v2 =	vmul.f32 v8, v4;
	v4 =	vld [tilespmem:s23+$0xFFFFFFF0]  }
0x15f: {  	[tilespmem:s3+$0x10] =	vst v1;
	v1 =	vld [tilespmem:s23+$0x0]  }
0x160: {  	[tilespmem:s3+$0x20] =	vst v2;
	v18 =	vld.idx.msk [tilespmem:v18+s16+$0x0], $0xffff;
	v2 =	vmul.f32 v13, v5  }
0x161: {  	[tilespmem:s3+$0xFFFFFFE0] =	vst v17;
	v5 =	vld [tilespmem:s23+$0x10];
	v7 =	vmul.f32 v9, v7  }
0x162: {  	v9 =	vld [tilespmem:s23+$0x20];
	[tilespmem:s23+$0xFFFFFFC0] =	vst v2;
	v2 =	vmul.f32 v3, v6  }
0x163: {  	[tilespmem:s23+$0xFFFFFFD0] =	vst v7;
	v3 =	vmul.f32 v4, v10  }
0x164: {  	v1 =	vmul.f32 v1, v12;
	[tilespmem:s23+$0xFFFFFFE0] =	vst v2  }
0x165: {  	[tilespmem:s23+$0xFFFFFFF0] =	vst v3;
	v8 =	vmul.f32 v19, v18  }
0x166: {  	s24 =	simm.s32 $0x281;
	v3 =	vmul.f32 v5, v14;
	[tilespmem:s23+$0x0] =	vst v1  }
0x167: {  	s26 =	simm.s32 $0x280;
	v4 =	vmov s24;
	s24 =	simm.s32 $0x282;
	v1 =	vmul.f32 v9, v15;
	[tilespmem:s23+$0x30] =	vst v8  }
0x168: {  	v2 =	vmov s26;
	s26 =	simm.s32 $0x283;
	v5 =	vmov s24;
	s24 =	simm.s32 $0x284;
	[tilespmem:s23+$0x10] =	vst v3  }
0x169: {  	v6 =	vmov s26;
	s26 =	simm.s32 $0x285;
	v2 =	vshrl.u32 v2, $0x3;
	v7 =	vmov s24;
	[tilespmem:s23+$0x20] =	vst v1  }
0x16a: {  	v2 =	vshll.u32 v2, v0;
	v8 =	vmov s26;
	v3 =	vshrl.u32 v4, $0x3;
	[spmem:s1] =	stream.indirect.scatter.add.f32 [tilespmem:s18], [sflag:$0x3], $0x10, s0, s17, $0xb8;
	[tilespmem:$0x1A400] =	vst v63  }
0x16b: {  	v1 =	vshrl.u32 v5, $0x3;
	v5 =	vshrl.u32 v6, $0x3;
	v3 =	vshll.u32 v3, v0;
	_ =	swait.ge [sflag:s21], $0x800  }
0x16c: {  	v2 =	vbroadcast v2, $0x0;
	v1 =	vshll.u32 v1, v0;
	v3 =	vadd.s32 $0x1, v3;
	[sflag:s21] =	ssyncset.done $0x0  }
0x16d: {  	v5 =	vshll.u32 v5, v0;
	v1 =	vadd.s32 $0x2, v1;
	v3 =	vbroadcast v3, $0x0;
	[sflag:s21] =	ssyncadd.s32 $0xFFFFF800  }
0x16e: {  	v6 =	vshrl.u32 v7, $0x3;
	v5 =	vadd.s32 $0x3, v5;
	v1 =	vbroadcast v1, $0x0;
	_ =	swait.ge [sflag:s22], $0x800  }
0x16f: {  	s26 =	simm.s32 $0x287;
	v7 =	vshrl.u32 v8, $0x3;
	v6 =	vshll.u32 v6, v0;
	v5 =	vbroadcast v5, $0x0;
	[sflag:s22] =	ssyncset.done $0x0  }
0x170: {  	s24 =	simm.s32 $0x286;
	v8 =	vmov s26;
	v7 =	vshll.u32 v7, v0;
	v6 =	vadd.s32 $0x4, v6;
	[sflag:s22] =	ssyncadd.s32 $0xFFFFF800  }
0x171: {  	v8 =	vshrl.u32 v8, $0x3;
	v7 =	vadd.s32 $0x5, v7;
	v6 =	vbroadcast v6, $0x0;
	[tilespmem:s18], [sflag:$0x1] =	stream.indirect.gather [hbm4b:s7+s17], $0x10, s2, s17, $0xb8;
	[tilespmem:$0x1A400] =	vst v63  }
0x172: {  	v4 =	vmov s24;
	s24 =	simm.s32 $0x289;
	v8 =	vshll.u32 v8, v0;
	v7 =	vbroadcast v7, $0x0;
	v11 =	vld.idx.msk [tilespmem:v2+s16+$0x0], $0xffff  }
0x173: {  	v4 =	vshrl.u32 v4, $0x3;
	s26 =	simm.s32 $0x28A;
	v10 =	vmov s24;
	v2 =	vadd.s32 $0x7, v8;
	v8 =	vld.idx.msk [tilespmem:v3+s16+$0x0], $0xffff  }
0x174: {  	s3 =	simm.s32 $0x1440;
	s24 =	simm.s32 $0x28C;
	v4 =	vshll.u32 v4, v0;
	v12 =	vmov s26;
	v17 =	vld.idx.msk [tilespmem:v1+s16+$0x0], $0xffff;
	v9 =	vbroadcast v2, $0x0  }
0x175: {  	s23 =	simm.s32 $0x288;
	s26 =	simm.s32 $0x28D;
	v13 =	vmov s24;
	s24 =	simm.s32 $0x28E;
	v10 =	vshrl.u32 v10, $0x3;
	v4 =	vadd.s32 $0x6, v4;
	v1 =	vld.idx.msk [tilespmem:v5+s16+$0x0], $0xffff  }
0x176: {  	v14 =	vmov s26;
	v15 =	vmov s24;
	v3 =	vmov s23;
	s23 =	simm.s32 $0x28B;
	v16 =	vld [tilespmem:s3+$0x30]  }
0x177: {  	v4 =	vbroadcast v4, $0x0;
	v5 =	vmov s23;
	v2 =	vld.idx.msk [tilespmem:v6+s16+$0x0], $0xffff;
	v6 =	vshrl.u32 v3, $0x3  }
0x178: {  	v3 =	vld.idx.msk [tilespmem:v7+s16+$0x0], $0xffff;
	v7 =	vshrl.u32 v12, $0x3;
	v12 =	vshrl.u32 v13, $0x3;
	v13 =	vshrl.u32 v14, $0x3  }
0x179: {  	v19 =	vld [tilespmem:s3+$0xFFFFFFD0];
	v14 =	vshrl.u32 v15, $0x3;
	v5 =	vshrl.u32 v5, $0x3;
	v6 =	vshll.u32 v6, v0  }
0x17a: {  	v7 =	vshll.u32 v7, v0;
	v5 =	vshll.u32 v5, v0;
	v15 =	vld.idx.msk [tilespmem:v9+s16+$0x0], $0xffff;
	v9 =	vshll.u32 v10, v0  }
0x17b: {  	v10 =	vshll.u32 v12, v0;
	v12 =	vshll.u32 v13, v0;
	v13 =	vshll.u32 v14, v0;
	v14 =	vld [tilespmem:s3+$0xFFFFFFC0]  }
0x17c: {  	v21 =	vld [tilespmem:s3+$0xFFFFFFE0];
	v18 =	vbroadcast v6, $0x0;
	v5 =	vadd.s32 $0x3, v5;
	v6 =	vadd.s32 $0x1, v9  }
0x17d: {  	v4 =	vld.idx.msk [tilespmem:v4+s16+$0x0], $0xffff;
	v9 =	vadd.s32 $0x2, v7;
	v20 =	vadd.s32 $0x4, v10;
	v7 =	vbroadcast v6, $0x0  }
0x17e: {  	s26 =	simm.s32 $0x28F;
	v22 =	vadd.s32 $0x5, v12;
	v23 =	vadd.s32 $0x6, v13;
	v13 =	vld [tilespmem:s3+$0xFFFFFFF0];
	v6 =	vbroadcast v9, $0x0  }
0x17f: {  	v10 =	vbroadcast v5, $0x0;
	v5 =	vmov s26;
	v9 =	vld [tilespmem:s3+$0x0];
	v15 =	vmul.f32 v16, v15  }
0x180: {  	v12 =	vbroadcast v20, $0x0;
	v5 =	vshrl.u32 v5, $0x3;
	v20 =	vmul.f32 v14, v11;
	v11 =	vld [tilespmem:s3+$0x10]  }
0x181: {  	v63 =	vshll.u32 v5, v0;
	v14 =	vbroadcast v22, $0x0;
	v16 =	vmul.f32 v19, v8;
	v8 =	vld [tilespmem:s3+$0x20];
	[tilespmem:s3+$0x30] =	vst v15  }
0x182: {  	s23 =	simm.s32 $0x8;
	v17 =	vmul.f32 v21, v17;
	v5 =	vld.idx.msk [tilespmem:v18+s16+$0x0], $0xffff;
	v18 =	vadd.s32 $0x7, v63;
	v15 =	vbroadcast v23, $0x0;
	[tilespmem:s3+$0xFFFFFFC0] =	vst v20  }
.LBB2_13:
0x183: {  	s24 =	sadd.s32 $0x288, s23;
	s26 =	sadd.s32 $0x289, s23;
	v19 =	vld.idx.msk [tilespmem:v7+s16+$0x0], $0xffff;
	v7 =	vbroadcast v18, $0x0;
	[tilespmem:s3+$0xFFFFFFD0] =	vst v16;
	v13 =	vmul.f32 v13, v1  }
0x184: {  	v16 =	vmov s24;
	v18 =	vmov s26;
	s24 =	sadd.s32 $0x28A, s23;
	s26 =	sadd.s32 $0x28B, s23;
	v20 =	vld.idx.msk [tilespmem:v6+s16+$0x0], $0xffff;
	[tilespmem:s3+$0xFFFFFFE0] =	vst v17;
	v6 =	vmul.f32 v9, v2  }
0x185: {  	v9 =	vmov s24;
	v17 =	vmov s26;
	s24 =	sadd.s32 $0x28C, s23;
	s26 =	sadd.s32 $0x28D, s23;
	v1 =	vld.idx.msk [tilespmem:v10+s16+$0x0], $0xffff;
	[tilespmem:s3+$0xFFFFFFF0] =	vst v13;
	v10 =	vmul.f32 v11, v3  }
0x186: {  	v11 =	vmov s24;
	v13 =	vmov s26;
	s24 =	sadd.s32 $0x28E, s23;
	v2 =	vld.idx.msk [tilespmem:v12+s16+$0x0], $0xffff;
	[tilespmem:s3+$0x0] =	vst v6;
	v6 =	vmul.f32 v8, v4  }
0x187: {  	v8 =	vshrl.u32 v16, $0x3;
	v12 =	vshrl.u32 v18, $0x3;
	v16 =	vmov s24;
	v3 =	vld.idx.msk [tilespmem:v14+s16+$0x0], $0xffff;
	[tilespmem:s3+$0x10] =	vst v10  }
0x188: {  	v9 =	vshrl.u32 v9, $0x3;
	v10 =	vshrl.u32 v17, $0x3;
	v11 =	vshrl.u32 v11, $0x3;
	v4 =	vld.idx.msk [tilespmem:v15+s16+$0x0], $0xffff;
	[tilespmem:s3+$0x20] =	vst v6  }
0x189: {  	v6 =	vshll.u32 v8, v0;
	v8 =	vshrl.u32 v13, $0x3;
	v13 =	vshrl.u32 v16, $0x3;
	s3 =	sadd.s32 $0x80, s3;
	v14 =	vld.idx.msk [tilespmem:v7+s16+$0x0], $0xffff  }
0x18a: {  	v9 =	vshll.u32 v9, v0;
	v10 =	vshll.u32 v10, v0;
	v7 =	vshll.u32 v12, v0;
	v12 =	vld [tilespmem:s3+$0x30]  }
0x18b: {  	v11 =	vshll.u32 v11, v0;
	v8 =	vshll.u32 v8, v0;
	v13 =	vshll.u32 v13, v0;
	v15 =	vld [tilespmem:s3+$0xFFFFFFC0]  }
0x18c: {  	s24 =	sadd.s32 $0x28F, s23;
	s23 =	sadd.s32 $0x8, s23;
	v9 =	vadd.s32 $0x2, v9;
	v17 =	vbroadcast v6, $0x0;
	v6 =	vadd.s32 $0x1, v7;
	v16 =	vld [tilespmem:s3+$0xFFFFFFD0]  }
0x18d: {  	p0 =	slt.u32 s23, $0x78;
	v10 =	vadd.s32 $0x3, v10;
	v11 =	vadd.s32 $0x4, v11;
	v7 =	vbroadcast v6, $0x0;
	v21 =	vld [tilespmem:s3+$0xFFFFFFE0]  }
.Ltmp5:
0x18e: {  	v8 =	vadd.s32 $0x5, v8;
	v18 =	vadd.s32 $0x6, v13;
	v6 =	vbroadcast v9, $0x0;
	v13 =	vld [tilespmem:s3+$0xFFFFFFF0];
	(pc) =	sbr.rel @p0 .LBB2_13-.Ltmp5, $4  }
0x18f: {  	v22 =	vmov s24;
	v10 =	vbroadcast v10, $0x0;
	v9 =	vld [tilespmem:s3+$0x0];
	v23 =	vmul.f32 v12, v14  }
0x190: {  	v22 =	vshrl.u32 v22, $0x3;
	v12 =	vbroadcast v11, $0x0;
	v24 =	vmul.f32 v15, v5;
	v11 =	vld [tilespmem:s3+$0x10]  }
0x191: {  	v22 =	vshll.u32 v22, v0;
	v14 =	vbroadcast v8, $0x0;
	v16 =	vmul.f32 v16, v19;
	v8 =	vld [tilespmem:s3+$0x20];
	[tilespmem:s3+$0x30] =	vst v23  }
0x192: {  	v15 =	vbroadcast v18, $0x0;
	v18 =	vadd.s32 $0x7, v22;
	v5 =	vld.idx.msk [tilespmem:v17+s16+$0x0], $0xffff;
	[tilespmem:s3+$0xFFFFFFC0] =	vst v24;
	v17 =	vmul.f32 v21, v20  }
0x193: {  	_ =	sdelay $0x3  }
0x194: {  	v7 =	vld.idx.msk [tilespmem:v7+s16+$0x0], $0xffff  }
0x195: {  	v6 =	vld.idx.msk [tilespmem:v6+s16+$0x0], $0xffff  }
0x196: {  	v10 =	vld.idx.msk [tilespmem:v10+s16+$0x0], $0xffff  }
0x197: {  	v12 =	vld.idx.msk [tilespmem:v12+s16+$0x0], $0xffff  }
0x198: {  	v14 =	vld.idx.msk [tilespmem:v14+s16+$0x0], $0xffff  }
0x199: {  	s23 =	sadd.s32 $0x80, s3;
	v15 =	vld.idx.msk [tilespmem:v15+s16+$0x0], $0xffff  }
0x19a: {  	v18 =	vbroadcast v18, $0x0;
	v19 =	vld [tilespmem:s23+$0x30]  }
0x19b: {  	v1 =	vmul.f32 v13, v1;
	v13 =	vld [tilespmem:s23+$0xFFFFFFC0]  }
0x19c: {  	[tilespmem:s3+$0xFFFFFFD0] =	vst v16;
	v2 =	vmul.f32 v9, v2;
	v9 =	vld [tilespmem:s23+$0xFFFFFFD0]  }
0x19d: {  	[tilespmem:s3+$0xFFFFFFF0] =	vst v1;
	v1 =	vmul.f32 v11, v3;
	v3 =	vld [tilespmem:s23+$0xFFFFFFE0]  }
0x19e: {  	[tilespmem:s3+$0x0] =	vst v2;
	v2 =	vmul.f32 v8, v4;
	v4 =	vld [tilespmem:s23+$0xFFFFFFF0]  }
0x19f: {  	[tilespmem:s3+$0x10] =	vst v1;
	v1 =	vld [tilespmem:s23+$0x0]  }
0x1a0: {  	[tilespmem:s3+$0x20] =	vst v2;
	v18 =	vld.idx.msk [tilespmem:v18+s16+$0x0], $0xffff;
	v2 =	vmul.f32 v13, v5  }
0x1a1: {  	[tilespmem:s3+$0xFFFFFFE0] =	vst v17;
	v5 =	vld [tilespmem:s23+$0x10];
	v7 =	vmul.f32 v9, v7  }
0x1a2: {  	v9 =	vld [tilespmem:s23+$0x20];
	[tilespmem:s23+$0xFFFFFFC0] =	vst v2;
	v2 =	vmul.f32 v3, v6  }
0x1a3: {  	[tilespmem:s23+$0xFFFFFFD0] =	vst v7;
	v3 =	vmul.f32 v4, v10  }
0x1a4: {  	v1 =	vmul.f32 v1, v12;
	[tilespmem:s23+$0xFFFFFFE0] =	vst v2  }
0x1a5: {  	[tilespmem:s23+$0xFFFFFFF0] =	vst v3;
	v8 =	vmul.f32 v19, v18  }
0x1a6: {  	s24 =	simm.s32 $0x301;
	v3 =	vmul.f32 v5, v14;
	[tilespmem:s23+$0x0] =	vst v1  }
0x1a7: {  	s26 =	simm.s32 $0x300;
	v4 =	vmov s24;
	s24 =	simm.s32 $0x302;
	v1 =	vmul.f32 v9, v15;
	[tilespmem:s23+$0x30] =	vst v8  }
0x1a8: {  	v2 =	vmov s26;
	s26 =	simm.s32 $0x303;
	v5 =	vmov s24;
	s24 =	simm.s32 $0x304;
	[tilespmem:s23+$0x10] =	vst v3  }
0x1a9: {  	v6 =	vmov s26;
	s26 =	simm.s32 $0x305;
	v2 =	vshrl.u32 v2, $0x3;
	v7 =	vmov s24;
	[tilespmem:s23+$0x20] =	vst v1  }
0x1aa: {  	v2 =	vshll.u32 v2, v0;
	v8 =	vmov s26;
	v3 =	vshrl.u32 v4, $0x3;
	[spmem:s1] =	stream.indirect.scatter.add.f32 [tilespmem:s20], [sflag:$0x4], $0x10, s8, s17, $0xb8;
	[tilespmem:$0x1A400] =	vst v63  }
0x1ab: {  	v1 =	vshrl.u32 v5, $0x3;
	v5 =	vshrl.u32 v6, $0x3;
	v3 =	vshll.u32 v3, v0;
	_ =	swait.ge [sflag:s19], $0x800  }
0x1ac: {  	v2 =	vbroadcast v2, $0x0;
	v1 =	vshll.u32 v1, v0;
	v3 =	vadd.s32 $0x1, v3;
	[sflag:s19] =	ssyncset.done $0x0  }
0x1ad: {  	v5 =	vshll.u32 v5, v0;
	v1 =	vadd.s32 $0x2, v1;
	v3 =	vbroadcast v3, $0x0;
	[sflag:s19] =	ssyncadd.s32 $0xFFFFF800  }
0x1ae: {  	v6 =	vshrl.u32 v7, $0x3;
	v5 =	vadd.s32 $0x3, v5;
	v1 =	vbroadcast v1, $0x0;
	_ =	swait.ge [sflag:s25], $0x800  }
0x1af: {  	s24 =	simm.s32 $0x306;
	v7 =	vshrl.u32 v8, $0x3;
	v6 =	vshll.u32 v6, v0;
	v5 =	vbroadcast v5, $0x0;
	[sflag:s25] =	ssyncset.done $0x0  }
0x1b0: {  	v4 =	vmov s24;
	s26 =	simm.s32 $0x307;
	v7 =	vshll.u32 v7, v0;
	v6 =	vadd.s32 $0x4, v6;
	[sflag:s25] =	ssyncadd.s32 $0xFFFFF800  }
0x1b1: {  	v8 =	vmov s26;
	v7 =	vadd.s32 $0x5, v7;
	v6 =	vbroadcast v6, $0x0;
	[tilespmem:s20], [sflag:$0x2] =	stream.indirect.gather [hbm4b:s7+s17], $0x10, s11, s17, $0xb8;
	[tilespmem:$0x1A400] =	vst v63  }
0x1b2: {  	s24 =	simm.s32 $0x309;
	v4 =	vshrl.u32 v4, $0x3;
	v8 =	vshrl.u32 v8, $0x3;
	v7 =	vbroadcast v7, $0x0;
	v9 =	vld.idx.msk [tilespmem:v2+s16+$0x0], $0xffff  }
0x1b3: {  	s26 =	simm.s32 $0x30A;
	v10 =	vmov s24;
	s24 =	simm.s32 $0x30C;
	v4 =	vshll.u32 v4, v0;
	v8 =	vshll.u32 v8, v0;
	v15 =	vld.idx.msk [tilespmem:v3+s16+$0x0], $0xffff  }
0x1b4: {  	s3 =	simm.s32 $0xC40;
	v11 =	vmov s26;
	v12 =	vmov s24;
	v2 =	vadd.s32 $0x7, v8;
	v17 =	vld.idx.msk [tilespmem:v1+s16+$0x0], $0xffff  }
0x1b5: {  	s23 =	simm.s32 $0x308;
	s26 =	simm.s32 $0x30D;
	s24 =	simm.s32 $0x30E;
	v10 =	vshrl.u32 v10, $0x3;
	v4 =	vadd.s32 $0x6, v4;
	v1 =	vld.idx.msk [tilespmem:v5+s16+$0x0], $0xffff;
	v8 =	vbroadcast v2, $0x0  }
0x1b6: {  	v13 =	vmov s26;
	v14 =	vmov s24;
	v3 =	vmov s23;
	s23 =	simm.s32 $0x30B;
	v16 =	vld [tilespmem:s3+$0x30]  }
0x1b7: {  	v4 =	vbroadcast v4, $0x0;
	v5 =	vmov s23;
	v2 =	vld.idx.msk [tilespmem:v6+s16+$0x0], $0xffff;
	v6 =	vshrl.u32 v3, $0x3  }
0x1b8: {  	v3 =	vld.idx.msk [tilespmem:v7+s16+$0x0], $0xffff;
	v7 =	vshrl.u32 v11, $0x3;
	v11 =	vshrl.u32 v12, $0x3;
	v12 =	vshrl.u32 v13, $0x3  }
0x1b9: {  	v18 =	vld [tilespmem:s3+$0xFFFFFFC0];
	v13 =	vshrl.u32 v14, $0x3;
	v5 =	vshrl.u32 v5, $0x3;
	v6 =	vshll.u32 v6, v0  }
0x1ba: {  	v20 =	vld [tilespmem:s3+$0xFFFFFFD0];
	v7 =	vshll.u32 v7, v0;
	v11 =	vshll.u32 v11, v0;
	v12 =	vshll.u32 v12, v0  }
0x1bb: {  	v13 =	vshll.u32 v13, v0;
	v5 =	vshll.u32 v5, v0;
	v14 =	vld.idx.msk [tilespmem:v8+s16+$0x0], $0xffff;
	v8 =	vshll.u32 v10, v0  }
0x1bc: {  	v21 =	vld [tilespmem:s3+$0xFFFFFFE0];
	v19 =	vbroadcast v6, $0x0;
	v7 =	vadd.s32 $0x2, v7;
	v6 =	vadd.s32 $0x1, v8  }
0x1bd: {  	v4 =	vld.idx.msk [tilespmem:v4+s16+$0x0], $0xffff;
	v22 =	vadd.s32 $0x5, v12;
	v23 =	vadd.s32 $0x6, v13;
	v10 =	vbroadcast v6, $0x0  }
0x1be: {  	s26 =	simm.s32 $0x30F;
	v5 =	vadd.s32 $0x3, v5;
	v7 =	vbroadcast v7, $0x0;
	v6 =	vadd.s32 $0x4, v11;
	v11 =	vld [tilespmem:s3+$0xFFFFFFF0]  }
0x1bf: {  	v12 =	vbroadcast v5, $0x0;
	v5 =	vmov s26;
	v25 =	vmul.f32 v18, v9;
	v8 =	vld [tilespmem:s3+$0x0]  }
0x1c0: {  	v9 =	vld [tilespmem:s3+$0x10];
	v5 =	vshrl.u32 v5, $0x3;
	v13 =	vbroadcast v6, $0x0;
	v24 =	vmul.f32 v16, v14  }
0x1c1: {  	v18 =	vshll.u32 v5, v0;
	[tilespmem:s3+$0xFFFFFFC0] =	vst v25;
	v6 =	vld [tilespmem:s3+$0x20];
	v14 =	vbroadcast v22, $0x0;
	v16 =	vmul.f32 v20, v15  }
0x1c2: {  	s23 =	simm.s32 $0x8;
	v17 =	vmul.f32 v21, v17;
	v18 =	vadd.s32 $0x7, v18;
	v5 =	vld.idx.msk [tilespmem:v19+s16+$0x0], $0xffff;
	v15 =	vbroadcast v23, $0x0;
	[tilespmem:s3+$0x30] =	vst v24  }
.LBB2_15:
0x1c3: {  	s24 =	sadd.s32 $0x308, s23;
	s26 =	sadd.s32 $0x309, s23;
	v19 =	vld.idx.msk [tilespmem:v10+s16+$0x0], $0xffff;
	v10 =	vbroadcast v18, $0x0;
	[tilespmem:s3+$0xFFFFFFD0] =	vst v16;
	v11 =	vmul.f32 v11, v1  }
0x1c4: {  	v16 =	vmov s24;
	v18 =	vmov s26;
	s24 =	sadd.s32 $0x30A, s23;
	s26 =	sadd.s32 $0x30B, s23;
	v20 =	vld.idx.msk [tilespmem:v7+s16+$0x0], $0xffff;
	[tilespmem:s3+$0xFFFFFFE0] =	vst v17;
	v7 =	vmul.f32 v8, v2  }
0x1c5: {  	v8 =	vmov s24;
	v17 =	vmov s26;
	s24 =	sadd.s32 $0x30C, s23;
	s26 =	sadd.s32 $0x30D, s23;
	v1 =	vld.idx.msk [tilespmem:v12+s16+$0x0], $0xffff;
	[tilespmem:s3+$0xFFFFFFF0] =	vst v11;
	v9 =	vmul.f32 v9, v3  }
0x1c6: {  	v11 =	vmov s24;
	v12 =	vmov s26;
	s24 =	sadd.s32 $0x30E, s23;
	v2 =	vld.idx.msk [tilespmem:v13+s16+$0x0], $0xffff;
	[tilespmem:s3+$0x0] =	vst v7;
	v6 =	vmul.f32 v6, v4  }
0x1c7: {  	v7 =	vshrl.u32 v16, $0x3;
	v13 =	vshrl.u32 v18, $0x3;
	v16 =	vmov s24;
	v3 =	vld.idx.msk [tilespmem:v14+s16+$0x0], $0xffff;
	[tilespmem:s3+$0x10] =	vst v9  }
0x1c8: {  	v8 =	vshrl.u32 v8, $0x3;
	v9 =	vshrl.u32 v17, $0x3;
	v11 =	vshrl.u32 v11, $0x3;
	v4 =	vld.idx.msk [tilespmem:v15+s16+$0x0], $0xffff;
	[tilespmem:s3+$0x20] =	vst v6  }
0x1c9: {  	v6 =	vshll.u32 v7, v0;
	v7 =	vshrl.u32 v12, $0x3;
	v12 =	vshrl.u32 v16, $0x3;
	s3 =	sadd.s32 $0x80, s3;
	v14 =	vld.idx.msk [tilespmem:v10+s16+$0x0], $0xffff  }
0x1ca: {  	v8 =	vshll.u32 v8, v0;
	v9 =	vshll.u32 v9, v0;
	v10 =	vshll.u32 v13, v0;
	v13 =	vld [tilespmem:s3+$0x30]  }
0x1cb: {  	v11 =	vshll.u32 v11, v0;
	v15 =	vshll.u32 v7, v0;
	v12 =	vshll.u32 v12, v0;
	v16 =	vld [tilespmem:s3+$0xFFFFFFC0]  }
0x1cc: {  	s24 =	sadd.s32 $0x30F, s23;
	s23 =	sadd.s32 $0x8, s23;
	v17 =	vbroadcast v6, $0x0;
	v7 =	vadd.s32 $0x2, v8;
	v6 =	vadd.s32 $0x1, v10;
	v18 =	vld [tilespmem:s3+$0xFFFFFFD0]  }
0x1cd: {  	p0 =	slt.u32 s23, $0x78;
	v10 =	vbroadcast v6, $0x0;
	v6 =	vadd.s32 $0x3, v9;
	v9 =	vadd.s32 $0x4, v11;
	v21 =	vld [tilespmem:s3+$0xFFFFFFE0]  }
.Ltmp6:
0x1ce: {  	v7 =	vbroadcast v7, $0x0;
	v15 =	vadd.s32 $0x5, v15;
	v22 =	vadd.s32 $0x6, v12;
	v11 =	vld [tilespmem:s3+$0xFFFFFFF0];
	(pc) =	sbr.rel @p0 .LBB2_15-.Ltmp6, $4  }
0x1cf: {  	v12 =	vbroadcast v6, $0x0;
	v6 =	vmov s24;
	v8 =	vld [tilespmem:s3+$0x0];
	v23 =	vmul.f32 v13, v14  }
0x1d0: {  	v6 =	vshrl.u32 v6, $0x3;
	v13 =	vbroadcast v9, $0x0;
	v24 =	vmul.f32 v16, v5;
	v9 =	vld [tilespmem:s3+$0x10]  }
0x1d1: {  	v25 =	vshll.u32 v6, v0;
	v14 =	vbroadcast v15, $0x0;
	v16 =	vmul.f32 v18, v19;
	v6 =	vld [tilespmem:s3+$0x20];
	[tilespmem:s3+$0x30] =	vst v23  }
0x1d2: {  	v15 =	vbroadcast v22, $0x0;
	v18 =	vadd.s32 $0x7, v25;
	v5 =	vld.idx.msk [tilespmem:v17+s16+$0x0], $0xffff;
	[tilespmem:s3+$0xFFFFFFC0] =	vst v24;
	v17 =	vmul.f32 v21, v20  }
0x1d3: {  	_ =	sdelay $0x3  }
0x1d4: {  	v10 =	vld.idx.msk [tilespmem:v10+s16+$0x0], $0xffff  }
0x1d5: {  	v7 =	vld.idx.msk [tilespmem:v7+s16+$0x0], $0xffff  }
0x1d6: {  	v12 =	vld.idx.msk [tilespmem:v12+s16+$0x0], $0xffff  }
0x1d7: {  	v13 =	vld.idx.msk [tilespmem:v13+s16+$0x0], $0xffff  }
0x1d8: {  	v14 =	vld.idx.msk [tilespmem:v14+s16+$0x0], $0xffff  }
0x1d9: {  	s23 =	sadd.s32 $0x80, s3;
	v15 =	vld.idx.msk [tilespmem:v15+s16+$0x0], $0xffff  }
0x1da: {  	v18 =	vbroadcast v18, $0x0;
	v19 =	vld [tilespmem:s23+$0x30]  }
0x1db: {  	v1 =	vmul.f32 v11, v1;
	v20 =	vld [tilespmem:s23+$0xFFFFFFC0]  }
0x1dc: {  	v21 =	vld [tilespmem:s23+$0xFFFFFFD0]  }
0x1dd: {  	v2 =	vmul.f32 v8, v2;
	[tilespmem:s3+$0xFFFFFFF0] =	vst v1;
	v1 =	vmul.f32 v9, v3;
	v3 =	vld [tilespmem:s23+$0x10]  }
0x1de: {  	[tilespmem:s3+$0xFFFFFFD0] =	vst v16;
	v22 =	vld [tilespmem:s23+$0xFFFFFFE0]  }
0x1df: {  	[tilespmem:s3+$0x0] =	vst v2;
	v2 =	vmul.f32 v6, v4;
	v6 =	vld [tilespmem:s23+$0x20]  }
0x1e0: {  	s24 =	simm.s32 $0x381;
	[tilespmem:s3+$0x10] =	vst v1;
	v18 =	vld.idx.msk [tilespmem:v18+s16+$0x0], $0xffff;
	v1 =	vmul.f32 v20, v5  }
0x1e1: {  	v11 =	vld [tilespmem:s23+$0xFFFFFFF0];
	[tilespmem:s3+$0xFFFFFFE0] =	vst v17;
	v9 =	vmov s24;
	s24 =	simm.s32 $0x382  }
0x1e2: {  	v8 =	vld [tilespmem:s23+$0x0];
	v5 =	vmul.f32 v21, v10;
	[tilespmem:s23+$0xFFFFFFC0] =	vst v1;
	v1 =	vmul.f32 v3, v14;
	v3 =	vmov s24  }
0x1e3: {  	[tilespmem:s3+$0x20] =	vst v2;
	v2 =	vmul.f32 v22, v7;
	s24 =	simm.s32 $0x384;
	v3 =	vshrl.u32 v3, $0x3  }
0x1e4: {  	[tilespmem:s23+$0xFFFFFFD0] =	vst v5;
	v5 =	vmul.f32 v6, v15;
	v6 =	vmov s24;
	v3 =	vshll.u32 v3, v0  }
0x1e5: {  	[tilespmem:s23+$0xFFFFFFE0] =	vst v2;
	v6 =	vshrl.u32 v6, $0x3;
	v4 =	vmul.f32 v19, v18;
	v3 =	vadd.s32 $0x2, v3  }
0x1e6: {  	s26 =	simm.s32 $0x380;
	v7 =	vmul.f32 v11, v12;
	[tilespmem:s23+$0x20] =	vst v5;
	v5 =	vshll.u32 v6, v0;
	v3 =	vbroadcast v3, $0x0  }
0x1e7: {  	v5 =	vadd.s32 $0x4, v5;
	[tilespmem:s23+$0x30] =	vst v4;
	v4 =	vmul.f32 v8, v13;
	v8 =	vmov s26;
	s26 =	simm.s32 $0x383  }
0x1e8: {  	[tilespmem:s23+$0xFFFFFFF0] =	vst v7;
	s24 =	simm.s32 $0x386;
	v5 =	vbroadcast v5, $0x0;
	v10 =	vmov s26;
	s26 =	simm.s32 $0x385;
	v2 =	vshrl.u32 v8, $0x3  }
0x1e9: {  	[tilespmem:s23+$0x10] =	vst v1;
	v8 =	vshrl.u32 v9, $0x3;
	v9 =	vmov s24;
	v11 =	vmov s26  }
0x1ea: {  	v7 =	vshrl.u32 v10, $0x3;
	[tilespmem:s23+$0x0] =	vst v4;
	v2 =	vshll.u32 v2, v0;
	v1 =	vshll.u32 v8, v0  }
0x1eb: {  	v9 =	vshrl.u32 v9, $0x3;
	v2 =	vbroadcast v2, $0x0;
	v1 =	vadd.s32 $0x1, v1;
	[spmem:s1] =	stream.indirect.scatter.add.f32 [tilespmem:s18], [sflag:$0x3], $0x10, s12, s17, $0xb8;
	[tilespmem:$0x1A400] =	vst v63  }
0x1ec: {  	v4 =	vshrl.u32 v11, $0x3;
	v7 =	vshll.u32 v7, v0;
	v1 =	vbroadcast v1, $0x0;
	_ =	swait.ge [sflag:s21], $0x800  }
0x1ed: {  	s26 =	simm.s32 $0x387;
	v6 =	vshll.u32 v9, v0;
	v4 =	vshll.u32 v4, v0;
	v7 =	vadd.s32 $0x3, v7;
	[sflag:s21] =	ssyncset.done $0x0  }
0x1ee: {  	v8 =	vmov s26;
	v7 =	vbroadcast v7, $0x0;
	v4 =	vadd.s32 $0x5, v4;
	[sflag:s21] =	ssyncadd.s32 $0xFFFFF800  }
0x1ef: {  	s3 =	simm.s32 $0x1440;
	v8 =	vshrl.u32 v8, $0x3;
	v6 =	vadd.s32 $0x6, v6;
	v4 =	vbroadcast v4, $0x0;
	v17 =	vld.idx.msk [tilespmem:v3+s16+$0x0], $0xffff  }
0x1f0: {  	s24 =	simm.s32 $0x389;
	v8 =	vshll.u32 v8, v0;
	v6 =	vbroadcast v6, $0x0;
	v16 =	vld [tilespmem:s3+$0x30]  }
0x1f1: {  	v10 =	vmov s24;
	s24 =	simm.s32 $0x38C;
	v11 =	vld.idx.msk [tilespmem:v2+s16+$0x0], $0xffff;
	v2 =	vadd.s32 $0x7, v8  }
0x1f2: {  	s26 =	simm.s32 $0x38A;
	v13 =	vmov s24;
	s24 =	simm.s32 $0x38E;
	v10 =	vshrl.u32 v10, $0x3;
	v8 =	vld.idx.msk [tilespmem:v1+s16+$0x0], $0xffff;
	v9 =	vbroadcast v2, $0x0  }
0x1f3: {  	s23 =	simm.s32 $0x388;
	v12 =	vmov s26;
	s26 =	simm.s32 $0x38D;
	v15 =	vmov s24;
	v13 =	vshrl.u32 v13, $0x3;
	v2 =	vld.idx.msk [tilespmem:v5+s16+$0x0], $0xffff  }
0x1f4: {  	v14 =	vmov s26;
	v12 =	vshrl.u32 v12, $0x3;
	v3 =	vmov s23;
	s23 =	simm.s32 $0x38B;
	v1 =	vld.idx.msk [tilespmem:v7+s16+$0x0], $0xffff  }
0x1f5: {  	v13 =	vshll.u32 v13, v0;
	v5 =	vshrl.u32 v3, $0x3;
	v7 =	vmov s23;
	v3 =	vld.idx.msk [tilespmem:v4+s16+$0x0], $0xffff  }
0x1f6: {  	v5 =	vshll.u32 v5, v0;
	v7 =	vshrl.u32 v7, $0x3;
	v4 =	vld.idx.msk [tilespmem:v6+s16+$0x0], $0xffff;
	v6 =	vshrl.u32 v14, $0x3  }
0x1f7: {  	v19 =	vld [tilespmem:s3+$0xFFFFFFC0];
	v14 =	vshrl.u32 v15, $0x3;
	v5 =	vbroadcast v5, $0x0;
	v18 =	vshll.u32 v6, v0  }
0x1f8: {  	v14 =	vshll.u32 v14, v0;
	v18 =	vadd.s32 $0x5, v18;
	v15 =	vld.idx.msk [tilespmem:v9+s16+$0x0], $0xffff;
	v9 =	vshll.u32 v10, v0  }
0x1f9: {  	v20 =	vld [tilespmem:s3+$0xFFFFFFD0];
	v63 =	vadd.s32 $0x6, v14;
	v10 =	vshll.u32 v12, v0;
	v6 =	vadd.s32 $0x1, v9  }
0x1fa: {  	v62 =	vld [tilespmem:s3+$0xFFFFFFE0];
	v12 =	vshll.u32 v7, v0;
	v9 =	vadd.s32 $0x2, v10;
	v7 =	vbroadcast v6, $0x0  }
0x1fb: {  	s26 =	simm.s32 $0x38F;
	v10 =	vadd.s32 $0x3, v12;
	v12 =	vadd.s32 $0x4, v13;
	v13 =	vld [tilespmem:s3+$0xFFFFFFF0];
	v6 =	vbroadcast v9, $0x0  }
0x1fc: {  	v14 =	vmov s26;
	v19 =	vmul.f32 v19, v11;
	v10 =	vbroadcast v10, $0x0;
	v9 =	vld [tilespmem:s3+$0x0]  }
0x1fd: {  	v11 =	vld [tilespmem:s3+$0x10];
	v12 =	vbroadcast v12, $0x0;
	v15 =	vmul.f32 v16, v15;
	v16 =	vshrl.u32 v14, $0x3  }
0x1fe: {  	[tilespmem:s3+$0xFFFFFFC0] =	vst v19;
	v14 =	vbroadcast v18, $0x0;
	v18 =	vshll.u32 v16, v0;
	v16 =	vmul.f32 v20, v8;
	v8 =	vld [tilespmem:s3+$0x20]  }
0x1ff: {  	s23 =	simm.s32 $0x8;
	v17 =	vmul.f32 v62, v17;
	v5 =	vld.idx.msk [tilespmem:v5+s16+$0x0], $0xffff;
	[tilespmem:s3+$0x30] =	vst v15;
	v15 =	vbroadcast v63, $0x0;
	v18 =	vadd.s32 $0x7, v18  }
.LBB2_17:
0x200: {  	s24 =	sadd.s32 $0x388, s23;
	s26 =	sadd.s32 $0x389, s23;
	v19 =	vld.idx.msk [tilespmem:v7+s16+$0x0], $0xffff;
	v7 =	vbroadcast v18, $0x0;
	[tilespmem:s3+$0xFFFFFFD0] =	vst v16;
	v13 =	vmul.f32 v13, v1  }
0x201: {  	v16 =	vmov s24;
	v18 =	vmov s26;
	s24 =	sadd.s32 $0x38A, s23;
	s26 =	sadd.s32 $0x38B, s23;
	v20 =	vld.idx.msk [tilespmem:v6+s16+$0x0], $0xffff;
	[tilespmem:s3+$0xFFFFFFE0] =	vst v17;
	v6 =	vmul.f32 v9, v2  }
0x202: {  	v9 =	vmov s24;
	v17 =	vmov s26;
	s24 =	sadd.s32 $0x38C, s23;
	s26 =	sadd.s32 $0x38D, s23;
	v1 =	vld.idx.msk [tilespmem:v10+s16+$0x0], $0xffff;
	[tilespmem:s3+$0xFFFFFFF0] =	vst v13;
	v10 =	vmul.f32 v11, v3  }
0x203: {  	v11 =	vmov s24;
	v13 =	vmov s26;
	s24 =	sadd.s32 $0x38E, s23;
	v2 =	vld.idx.msk [tilespmem:v12+s16+$0x0], $0xffff;
	[tilespmem:s3+$0x0] =	vst v6;
	v6 =	vmul.f32 v8, v4  }
0x204: {  	v8 =	vshrl.u32 v16, $0x3;
	v12 =	vshrl.u32 v18, $0x3;
	v16 =	vmov s24;
	v3 =	vld.idx.msk [tilespmem:v14+s16+$0x0], $0xffff;
	[tilespmem:s3+$0x10] =	vst v10  }
0x205: {  	v9 =	vshrl.u32 v9, $0x3;
	v10 =	vshrl.u32 v17, $0x3;
	v11 =	vshrl.u32 v11, $0x3;
	v4 =	vld.idx.msk [tilespmem:v15+s16+$0x0], $0xffff;
	[tilespmem:s3+$0x20] =	vst v6  }
0x206: {  	v6 =	vshll.u32 v8, v0;
	v8 =	vshrl.u32 v13, $0x3;
	v13 =	vshrl.u32 v16, $0x3;
	s3 =	sadd.s32 $0x80, s3;
	v14 =	vld.idx.msk [tilespmem:v7+s16+$0x0], $0xffff  }
0x207: {  	v9 =	vshll.u32 v9, v0;
	v10 =	vshll.u32 v10, v0;
	v7 =	vshll.u32 v12, v0;
	v12 =	vld [tilespmem:s3+$0x30]  }
0x208: {  	v11 =	vshll.u32 v11, v0;
	v8 =	vshll.u32 v8, v0;
	v13 =	vshll.u32 v13, v0;
	v15 =	vld [tilespmem:s3+$0xFFFFFFC0]  }
0x209: {  	s24 =	sadd.s32 $0x38F, s23;
	s23 =	sadd.s32 $0x8, s23;
	v9 =	vadd.s32 $0x2, v9;
	v17 =	vbroadcast v6, $0x0;
	v6 =	vadd.s32 $0x1, v7;
	v16 =	vld [tilespmem:s3+$0xFFFFFFD0]  }
0x20a: {  	p0 =	slt.u32 s23, $0x78;
	v10 =	vadd.s32 $0x3, v10;
	v11 =	vadd.s32 $0x4, v11;
	v7 =	vbroadcast v6, $0x0;
	v21 =	vld [tilespmem:s3+$0xFFFFFFE0]  }
.Ltmp7:
0x20b: {  	v8 =	vadd.s32 $0x5, v8;
	v18 =	vadd.s32 $0x6, v13;
	v6 =	vbroadcast v9, $0x0;
	v13 =	vld [tilespmem:s3+$0xFFFFFFF0];
	(pc) =	sbr.rel @p0 .LBB2_17-.Ltmp7, $4  }
0x20c: {  	v22 =	vmov s24;
	v10 =	vbroadcast v10, $0x0;
	v9 =	vld [tilespmem:s3+$0x0];
	v23 =	vmul.f32 v12, v14  }
0x20d: {  	v22 =	vshrl.u32 v22, $0x3;
	v12 =	vbroadcast v11, $0x0;
	v24 =	vmul.f32 v15, v5;
	v11 =	vld [tilespmem:s3+$0x10]  }
0x20e: {  	v22 =	vshll.u32 v22, v0;
	v14 =	vbroadcast v8, $0x0;
	v16 =	vmul.f32 v16, v19;
	v8 =	vld [tilespmem:s3+$0x20];
	[tilespmem:s3+$0x30] =	vst v23  }
0x20f: {  	v15 =	vbroadcast v18, $0x0;
	v18 =	vadd.s32 $0x7, v22;
	v5 =	vld.idx.msk [tilespmem:v17+s16+$0x0], $0xffff;
	[tilespmem:s3+$0xFFFFFFC0] =	vst v24;
	v17 =	vmul.f32 v21, v20  }
0x210: {  	_ =	sdelay $0x3  }
0x211: {  	v7 =	vld.idx.msk [tilespmem:v7+s16+$0x0], $0xffff  }
0x212: {  	v6 =	vld.idx.msk [tilespmem:v6+s16+$0x0], $0xffff  }
0x213: {  	v10 =	vld.idx.msk [tilespmem:v10+s16+$0x0], $0xffff  }
0x214: {  	v12 =	vld.idx.msk [tilespmem:v12+s16+$0x0], $0xffff  }
0x215: {  	v14 =	vld.idx.msk [tilespmem:v14+s16+$0x0], $0xffff  }
0x216: {  	s23 =	sadd.s32 $0x80, s3;
	v15 =	vld.idx.msk [tilespmem:v15+s16+$0x0], $0xffff  }
0x217: {  	v19 =	vld [tilespmem:s23+$0x30]  }
0x218: {  	v18 =	vbroadcast v18, $0x0;
	v1 =	vmul.f32 v13, v1;
	v58 =	vld [tilespmem:s23+$0xFFFFFFC0]  }
0x219: {  	[tilespmem:s3+$0xFFFFFFD0] =	vst v16;
	v2 =	vmul.f32 v9, v2;
	v59 =	vld [tilespmem:s23+$0xFFFFFFD0]  }
0x21a: {  	[tilespmem:s3+$0xFFFFFFF0] =	vst v1;
	v1 =	vmul.f32 v11, v3;
	v3 =	vld [tilespmem:s23+$0xFFFFFFE0]  }
0x21b: {  	v60 =	vld [tilespmem:s23+$0xFFFFFFF0];
	[tilespmem:s3+$0x0] =	vst v2;
	v2 =	vmul.f32 v8, v4  }
0x21c: {  	[tilespmem:s3+$0x10] =	vst v1;
	v1 =	vld [tilespmem:s23+$0x0]  }
0x21d: {  	v62 =	vld [tilespmem:s23+$0x10];
	[tilespmem:s3+$0x20] =	vst v2;
	v2 =	vmul.f32 v58, v5  }
0x21e: {  	[tilespmem:s3+$0xFFFFFFE0] =	vst v17;
	v18 =	vld.idx.msk [tilespmem:v18+s16+$0x0], $0xffff;
	v7 =	vmul.f32 v59, v7  }
0x21f: {  	v63 =	vld [tilespmem:s23+$0x20];
	[tilespmem:s23+$0xFFFFFFC0] =	vst v2;
	v2 =	vmul.f32 v3, v6  }
0x220: {  	[tilespmem:s23+$0xFFFFFFD0] =	vst v7;
	v3 =	vmul.f32 v60, v10  }
0x221: {  	v1 =	vmul.f32 v1, v12;
	[tilespmem:s23+$0xFFFFFFE0] =	vst v2  }
0x222: {  	[tilespmem:s23+$0xFFFFFFF0] =	vst v3;
	v2 =	vmul.f32 v62, v14  }
0x223: {  	v61 =	vmul.f32 v19, v18;
	[tilespmem:s23+$0x0] =	vst v1  }
0x224: {  	v1 =	vmul.f32 v63, v15;
	[tilespmem:s23+$0x10] =	vst v2  }
0x225: {  	[tilespmem:s23+$0x30] =	vst v61  }
0x226: {  	s13 =	sadd.s32 $0x1, s13;
	[tilespmem:s23+$0x20] =	vst v1  }
0x227: {  	[spmem:s1] =	stream.indirect.scatter.add.f32 [tilespmem:s20], [sflag:$0x4], $0x10, s9, s17, $0xb8;
	[tilespmem:$0x1A400] =	vst v63  }
0x228: {  	p0 =	sne.s32 s13, $0x31;
	_ =	swait.ge [sflag:s22], $0x800  }
.Ltmp8:
0x229: {  	[sflag:s22] =	ssyncset.done $0x0;
	(pc) =	sbr.rel @p0 .LBB2_2-.Ltmp8, $4  }
0x22a: {  	[sflag:s22] =	ssyncadd.s32 $0xFFFFF800  }
0x22b: {  	_ =	swait.ge [sflag:s25], $0x800  }
0x22c: {  	[sflag:s25] =	ssyncset.done $0x0  }
0x22d: {  	[sflag:s25] =	ssyncadd.s32 $0xFFFFF800  }
0x22e: {  	[bflag:$0x0] =	sbarrier.arrive $0xFFFF  }
0x22f: {  	s13 =	rddreg [dreg:$0x6]  }
0x230: {  	s3 =	rddreg [dreg:$0x7]  }
0x231: {  	s24 =	rddreg [dreg:$0x9]  }
0x232: {  	[hbm:s3], [sflag:s13] =	dma.local [spmem:s24], $0x3100  }
0x233: {  	_ =	swait.ge [sflag:s14], $0x3100  }
0x234: {  	s23 =	rddreg [dreg:$0x4]  }
0x235: {  	s26 =	rddreg [dreg:$0x8];
	s23 =	sadd.s32 $0x1, s23  }
0x236: {  	p0 =	sne.s32 s23, s26  }
.Ltmp9:
0x237: {  	_ = 	snop;
	(pc) =	sbr.rel @p0 .LBB2_1-.Ltmp9, $3  }
0x238: {  	_ =	sdelay $0x1  }
0x239: {  	[sflag:s14] =	ssyncset.done $0x0  }
0x23a: {  	[sflag:s14] =	ssyncadd.s32 $0xFFFFCF00  }
0x23b: {  	_ =	sfence.sel $0x180000  }
0x23c: {  	[bflag:$0x0] =	sbarrier.arrive $0xFFFF  }
0x23d: {  	_ =	strace $0x9000004A  }
0x23e: {  	s0 =	stileid.u32;
	[bflag:$0x2] =	sbarrier.arrive $0xFFFF  }
0x23f: {  	p0 =	sne.s32 s0, $0x0;
	s0 =	rddreg [dreg:$0x3]  }
0x240: {  	s0 =	sadd.s32 @!p0 $0x100000, s0  }
0x241: {  	[sflag:s0] =	ssyncadd.tile.s32 @!p0 $0x1;
	_ =	shalt  }
.Lfunc_end2:
_tile_overlayer_lowered:
.L_overlay_start_2:
0x242: {  	(tag) =	ssettag $0x2  }
0x243: {  	s0 =	rddreg [dreg:$0x0];
	s2 =	stileid.u32  }
0x244: {  	s1 =	rddreg [dreg:$0x1];
	p0 =	sne.s32 s2, $0x0  }
0x245: {  	s3 =	rddreg [dreg:$0x2];
	[bflag:$0x3] =	sbarrier.arrive $0xFFFF;
	s2 =	simm.s32 @!p0 $0x1C05  }
0x246: {  	[timem:s3], [sflag:s2] =	dma.local @!p0 [hbm:s0], s1  }
0x247: {  	s0 =	simm.s32 @!p0 $0x5  }
0x248: {  	_ =	swait.ge @!p0 [sflag:s0], s1  }
0x249: {  	s1 =	ssub.s32 @!p0 $0x0, s1;
	[sflag:s0] =	ssyncset.done @!p0 $0x0  }
0x24a: {  	[sflag:s0] =	ssyncadd.s32 @!p0 s1  }
0x24b: {  	[bflag:$0x3] =	sbarrier.arrive $0xFFFF  }
0x24c: {  	_ =	shalt  }

</sc_bundles>
